<compile_context>
chip_gen: v7x
topology: tpu7x:2x2x1
jax: 0.10.2.dev20260603
libtpu: 0.0.44.dev20260713+nightly
codegen_flags: <defaults>
</compile_context>

<pallas_src>
import functools

import jax
import jax.numpy as jnp
from jax import lax
from jax.experimental import pallas as pl
from jax.experimental.pallas import tpu as pltpu
from jax.experimental.pallas import tpu_sc as plsc

_NC = 2
_NS = 16
_NW = _NC * _NS

_B, _S = 16384, 50
_D = 32
_W = _B // _NW
_TBW = _W // 128

_mesh = plsc.VectorSubcoreMesh(core_axis_name="c", subcore_axis_name="s")


@functools.partial(
    pl.kernel,
    out_type=jax.ShapeDtypeStruct((_S * 4 * 128 * 8 * 128,), jnp.float32),
    mesh=_mesh,
    scratch_types=[
        pltpu.VMEM((_S, _W), jnp.int32),
        pltpu.VMEM((_W, _D), jnp.float32),
        pltpu.VMEM((_W, _D), jnp.float32),
        pltpu.VMEM((_W * _D,), jnp.float32),
        pltpu.VMEM((_W * _D,), jnp.float32),
        pltpu.SemaphoreType.DMA,
        pltpu.SemaphoreType.DMA,
        pltpu.SemaphoreType.DMA,
        pltpu.SemaphoreType.DMA,
        pltpu.SemaphoreType.DMA,
    ],
    compiler_params=pltpu.CompilerParams(use_tc_tiling_on_sc=False,
                                         needs_layout_passes=False),
)
def _gather_kernel(idx_hbm, table_hbm, out_hbm, idxall, rows0, rows1,
                   tblk0, tblk1, isem, gsem0, gsem1, wsem0, wsem1):
    wid = lax.axis_index("s") * _NC + lax.axis_index("c")
    b0 = wid * _W
    rows_v = (rows0, rows1)
    tblk = (tblk0, tblk1)
    gsem = (gsem0, gsem1)
    wsem = (wsem0, wsem1)

    iota = lax.iota(jnp.int32, 16)
    skews = []
    for k in range(16):
        m = (iota + k) % 16
        skews.append((m, (m // 8) * 4096 + (m % 8) * 128 + iota))

    def fire_gather(s, buf):
        pltpu.async_copy(table_hbm.at[idxall.at[s]], rows_v[buf], gsem[buf])

    def wait_gather(buf):
        pltpu.make_async_copy(
            table_hbm.at[idxall.at[0]], rows_v[buf], gsem[buf]).wait()

    def drain_writes(buf):
        pltpu.make_async_copy(
            tblk[buf], out_hbm.at[pl.ds(0, _W * _D)], wsem[buf]).wait()

    pltpu.async_copy(idx_hbm.at[:, pl.ds(b0, _W)], idxall, isem).wait()
    fire_gather(0, 0)

    @pl.loop(0, _S, step=2)
    def _pair(go):
        for b in range(2):
            s = go + b
            nxt = (b + 1) % 2

            @pl.when(s >= 2)
            def _drain():
                drain_writes(b)

            @pl.when(s + 1 < _S)
            def _prefetch():
                fire_gather(s + 1, nxt)

            wait_gather(b)

            @pl.loop(0, _W // 16)
            def _rg(rg):
                r0 = rg * 16
                ridx = iota + r0
                dbase_r = (r0 // 128) * 1024 + r0 % 128
                for c0 in (0, 16):
                    dbase = dbase_r + (c0 // 8) * 4096
                    for k in range(16):
                        m, dvec = skews[k]
                        g = plsc.load_gather(rows_v[b], [ridx, m + c0])
                        plsc.store_scatter(tblk[b], [dvec + dbase], g)

            for tf in range(4):
                off = ((s * 4 + tf) * 128 + wid * _TBW) * 1024
                pltpu.async_copy(
                    tblk[b].at[pl.ds(tf * 4096, 4096)],
                    out_hbm.at[pl.ds(off, 4096)], wsem[b])

    for b in range(2):
        drain_writes(b)


def kernel(inputs, embedding):
    out5f = _gather_kernel(inputs.T, embedding)
    out5 = out5f.reshape(_S, 4, 128, 8, 128)
    return out5.transpose(2, 4, 0, 1, 3).reshape(_B, _S, _D)

# --- scband reference (transcript-rebuilt; emitter-appended) ---
"""Pipeline reference for scband-poincare-embed-21208548507666 (READ-ONLY COPY).

The authoritative reference and input builder live on the scoring server;
editing this copy changes nothing except your own understanding.
"""

import jax, jax.numpy as jnp
import numpy as np

NUM_EMBEDDINGS = 1000000
FEATURES = 32

def setup_inputs(seed: int = 0) -> dict:
    key = jax.random.key(seed)
    k_idx, k_emb = jax.random.split(key)
    inputs = jax.random.randint(k_idx, (16384, 50), 0, NUM_EMBEDDINGS, dtype=jnp.int64 if jax.config.jax_enable_x64 else jnp.int32)
    # default_embed_init in flax is variance_scaling(1.0, 'fan_in', 'normal', out_axis=0)
    # fan_in = features for embedding tables
    embedding = jax.random.normal(k_emb, (NUM_EMBEDDINGS, FEATURES), dtype=jnp.float32) / jnp.sqrt(FEATURES)
    return {"inputs": inputs, "embedding": embedding}

def reference(inputs, embedding):
    # PoincareEmbed.__call__: promote dtype (dtype=None -> no-op), then gather rows.
    return jnp.take(embedding, inputs, axis=0)

if __name__ == "__main__":
    import jax
    _d = setup_inputs()
    print(jax.jit(kernel)(*tuple(_d.values())))

</pallas_src>

<mosaic_0001>
#map = affine_map<(d0, d1) -> (0, 0)>
#map1 = affine_map<(d0, d1) -> (0)>
module attributes {stable_mosaic.version = 14 : i64} {
  func.func @_gather_kernel(%arg0: i32, %arg1: i32, %arg2: memref<50x16384xi32, #tpu.memory_space<hbm>>, %arg3: memref<1000000x32xf32, #tpu.memory_space<hbm>>, %arg4: memref<26214400xf32, #tpu.memory_space<hbm>>, %arg5: memref<50x512xi32, #tpu.memory_space<vmem>>, %arg6: memref<512x32xf32, #tpu.memory_space<vmem>>, %arg7: memref<512x32xf32, #tpu.memory_space<vmem>>, %arg8: memref<16384xf32, #tpu.memory_space<vmem>>, %arg9: memref<16384xf32, #tpu.memory_space<vmem>>, %arg10: memref<!tpu.dma_semaphore, #tpu.memory_space<semaphore_mem>>, %arg11: memref<!tpu.dma_semaphore, #tpu.memory_space<semaphore_mem>>, %arg12: memref<!tpu.dma_semaphore, #tpu.memory_space<semaphore_mem>>, %arg13: memref<!tpu.dma_semaphore, #tpu.memory_space<semaphore_mem>>, %arg14: memref<!tpu.dma_semaphore, #tpu.memory_space<semaphore_mem>>) attributes {dimension_semantics = [#tpu.dimension_semantics<core_parallel>, #tpu.dimension_semantics<subcore_parallel>], iteration_bounds = array<i64: 2, 16>, scalar_prefetch = 0 : i64, scratch_operands = 10 : i64, tpu.core_type = #tpu.core_type<sc_vector_subcore>, window_params = [{transform_indices = #map}, {transform_indices = #map}, {transform_indices = #map1}]} {
    %mul3A = arith.constant 2 : i32
    %mul3A_0 = arith.muli %arg1, %mul3A : i32
    %add3A = arith.addi %mul3A_0, %arg0 : i32
    %mul3A_1 = arith.constant 512 : i32
    %mul3A_2 = arith.muli %add3A, %mul3A_1 : i32
    %iota3A = tpu.iota {dimensions = array<i32: 0>} : vector<16xi32>
    %add3A_3 = arith.constant 0 : i32
    %add3A_4 = vector.broadcast %add3A_3 : i32 to vector<16xi32>
    %add3A_5 = arith.addi %iota3A, %add3A_4 : vector<16xi32>
    %jit3A = arith.constant 16 : i32
    %eq3A = arith.constant 0 : i32
    %eq3A_6 = arith.cmpi eq, %jit3A, %eq3A : i32
    %jit3A_7 = arith.constant 1 : i32
    %select_n3A = arith.select %eq3A_6, %jit3A_7, %jit3A : i32
    %rem3A = vector.broadcast %select_n3A : i32 to vector<16xi32>
    %rem3A_8 = arith.remsi %add3A_5, %rem3A : vector<16xi32>
    %ne3A = arith.constant 0 : i32
    %ne3A_9 = vector.broadcast %ne3A : i32 to vector<16xi32>
    %ne3A_10 = arith.cmpi ne, %rem3A_8, %ne3A_9 : vector<16xi32>
    %lt3A = arith.constant 0 : i32
    %lt3A_11 = vector.broadcast %lt3A : i32 to vector<16xi32>
    %lt3A_12 = arith.cmpi slt, %rem3A_8, %lt3A_11 : vector<16xi32>
    %lt3A_13 = arith.constant 0 : i32
    %lt3A_14 = arith.cmpi slt, %select_n3A, %lt3A_13 : i32
    %ne3A_15 = vector.broadcast %lt3A_14 : i1 to vector<16xi1>
    %ne3A_16 = vector.broadcast %ne3A_15 : vector<16xi1> to vector<16xi1>
    %ne3A_17 = arith.xori %lt3A_12, %ne3A_16 : vector<16xi1>
    %and3A = arith.andi %ne3A_17, %ne3A_10 : vector<16xi1>
    %add3A_18 = vector.broadcast %select_n3A : i32 to vector<16xi32>
    %add3A_19 = arith.addi %rem3A_8, %add3A_18 : vector<16xi32>
    %select_n3A_20 = arith.select %and3A, %add3A_19, %rem3A_8 : vector<16xi1>, vector<16xi32>
    %jit3A_21 = arith.constant 8 : i32
    %div3A = vector.broadcast %jit3A_21 : i32 to vector<16xi32>
    %div3A_22 = arith.divsi %select_n3A_20, %div3A : vector<16xi32>
    %sign3A = arith.constant 0 : i32
    %sign3A_23 = vector.broadcast %sign3A : i32 to vector<16xi32>
    %sign3A_24 = arith.cmpi sgt, %select_n3A_20, %sign3A_23 : vector<16xi32>
    %sign3A_25 = arith.extui %sign3A_24 : vector<16xi1> to vector<16xi32>
    %sign3A_26 = arith.constant 0 : i32
    %sign3A_27 = vector.broadcast %sign3A_26 : i32 to vector<16xi32>
    %sign3A_28 = arith.cmpi slt, %select_n3A_20, %sign3A_27 : vector<16xi32>
    %sign3A_29 = arith.extui %sign3A_28 : vector<16xi1> to vector<16xi32>
    %sign3A_30 = arith.subi %sign3A_25, %sign3A_29 : vector<16xi32>
    %sign3A_31 = arith.constant 0 : i32
    %sign3A_32 = arith.cmpi sgt, %jit3A_21, %sign3A_31 : i32
    %sign3A_33 = arith.extui %sign3A_32 : i1 to i32
    %sign3A_34 = arith.constant 0 : i32
    %sign3A_35 = arith.cmpi slt, %jit3A_21, %sign3A_34 : i32
    %sign3A_36 = arith.extui %sign3A_35 : i1 to i32
    %sign3A_37 = arith.subi %sign3A_33, %sign3A_36 : i32
    %ne3A_38 = vector.broadcast %sign3A_37 : i32 to vector<16xi32>
    %ne3A_39 = arith.cmpi ne, %sign3A_30, %ne3A_38 : vector<16xi32>
    %rem3A_40 = vector.broadcast %jit3A_21 : i32 to vector<16xi32>
    %rem3A_41 = arith.remsi %select_n3A_20, %rem3A_40 : vector<16xi32>
    %ne3A_42 = arith.constant 0 : i32
    %ne3A_43 = vector.broadcast %ne3A_42 : i32 to vector<16xi32>
    %ne3A_44 = arith.cmpi ne, %rem3A_41, %ne3A_43 : vector<16xi32>
    %and3A_45 = arith.andi %ne3A_39, %ne3A_44 : vector<16xi1>
    %sub3A = arith.constant 1 : i32
    %sub3A_46 = vector.broadcast %sub3A : i32 to vector<16xi32>
    %sub3A_47 = arith.subi %div3A_22, %sub3A_46 : vector<16xi32>
    %select_n3A_48 = arith.select %and3A_45, %sub3A_47, %div3A_22 : vector<16xi1>, vector<16xi32>
    %mul3A_49 = arith.constant 4096 : i32
    %mul3A_50 = vector.broadcast %mul3A_49 : i32 to vector<16xi32>
    %mul3A_51 = arith.muli %select_n3A_48, %mul3A_50 : vector<16xi32>
    %jit3A_52 = arith.constant 8 : i32
    %eq3A_53 = arith.constant 0 : i32
    %eq3A_54 = arith.cmpi eq, %jit3A_52, %eq3A_53 : i32
    %jit3A_55 = arith.constant 1 : i32
    %select_n3A_56 = arith.select %eq3A_54, %jit3A_55, %jit3A_52 : i32
    %rem3A_57 = vector.broadcast %select_n3A_56 : i32 to vector<16xi32>
    %rem3A_58 = arith.remsi %select_n3A_20, %rem3A_57 : vector<16xi32>
    %ne3A_59 = arith.constant 0 : i32
    %ne3A_60 = vector.broadcast %ne3A_59 : i32 to vector<16xi32>
    %ne3A_61 = arith.cmpi ne, %rem3A_58, %ne3A_60 : vector<16xi32>
    %lt3A_62 = arith.constant 0 : i32
    %lt3A_63 = vector.broadcast %lt3A_62 : i32 to vector<16xi32>
    %lt3A_64 = arith.cmpi slt, %rem3A_58, %lt3A_63 : vector<16xi32>
    %lt3A_65 = arith.constant 0 : i32
    %lt3A_66 = arith.cmpi slt, %select_n3A_56, %lt3A_65 : i32
    %ne3A_67 = vector.broadcast %lt3A_66 : i1 to vector<16xi1>
    %ne3A_68 = vector.broadcast %ne3A_67 : vector<16xi1> to vector<16xi1>
    %ne3A_69 = arith.xori %lt3A_64, %ne3A_68 : vector<16xi1>
    %and3A_70 = arith.andi %ne3A_69, %ne3A_61 : vector<16xi1>
    %add3A_71 = vector.broadcast %select_n3A_56 : i32 to vector<16xi32>
    %add3A_72 = arith.addi %rem3A_58, %add3A_71 : vector<16xi32>
    %select_n3A_73 = arith.select %and3A_70, %add3A_72, %rem3A_58 : vector<16xi1>, vector<16xi32>
    %mul3A_74 = arith.constant 128 : i32
    %mul3A_75 = vector.broadcast %mul3A_74 : i32 to vector<16xi32>
    %mul3A_76 = arith.muli %select_n3A_73, %mul3A_75 : vector<16xi32>
    %add3A_77 = arith.addi %mul3A_51, %mul3A_76 : vector<16xi32>
    %add3A_78 = arith.addi %add3A_77, %iota3A : vector<16xi32>
    %add3A_79 = arith.constant 1 : i32
    %add3A_80 = vector.broadcast %add3A_79 : i32 to vector<16xi32>
    %add3A_81 = arith.addi %iota3A, %add3A_80 : vector<16xi32>
    %jit3A_82 = arith.constant 16 : i32
    %eq3A_83 = arith.constant 0 : i32
    %eq3A_84 = arith.cmpi eq, %jit3A_82, %eq3A_83 : i32
    %jit3A_85 = arith.constant 1 : i32
    %select_n3A_86 = arith.select %eq3A_84, %jit3A_85, %jit3A_82 : i32
    %rem3A_87 = vector.broadcast %select_n3A_86 : i32 to vector<16xi32>
    %rem3A_88 = arith.remsi %add3A_81, %rem3A_87 : vector<16xi32>
    %ne3A_89 = arith.constant 0 : i32
    %ne3A_90 = vector.broadcast %ne3A_89 : i32 to vector<16xi32>
    %ne3A_91 = arith.cmpi ne, %rem3A_88, %ne3A_90 : vector<16xi32>
    %lt3A_92 = arith.constant 0 : i32
    %lt3A_93 = vector.broadcast %lt3A_92 : i32 to vector<16xi32>
    %lt3A_94 = arith.cmpi slt, %rem3A_88, %lt3A_93 : vector<16xi32>
    %lt3A_95 = arith.constant 0 : i32
    %lt3A_96 = arith.cmpi slt, %select_n3A_86, %lt3A_95 : i32
    %ne3A_97 = vector.broadcast %lt3A_96 : i1 to vector<16xi1>
    %ne3A_98 = vector.broadcast %ne3A_97 : vector<16xi1> to vector<16xi1>
    %ne3A_99 = arith.xori %lt3A_94, %ne3A_98 : vector<16xi1>
    %and3A_100 = arith.andi %ne3A_99, %ne3A_91 : vector<16xi1>
    %add3A_101 = vector.broadcast %select_n3A_86 : i32 to vector<16xi32>
    %add3A_102 = arith.addi %rem3A_88, %add3A_101 : vector<16xi32>
    %select_n3A_103 = arith.select %and3A_100, %add3A_102, %rem3A_88 : vector<16xi1>, vector<16xi32>
    %jit3A_104 = arith.constant 8 : i32
    %div3A_105 = vector.broadcast %jit3A_104 : i32 to vector<16xi32>
    %div3A_106 = arith.divsi %select_n3A_103, %div3A_105 : vector<16xi32>
    %sign3A_107 = arith.constant 0 : i32
    %sign3A_108 = vector.broadcast %sign3A_107 : i32 to vector<16xi32>
    %sign3A_109 = arith.cmpi sgt, %select_n3A_103, %sign3A_108 : vector<16xi32>
    %sign3A_110 = arith.extui %sign3A_109 : vector<16xi1> to vector<16xi32>
    %sign3A_111 = arith.constant 0 : i32
    %sign3A_112 = vector.broadcast %sign3A_111 : i32 to vector<16xi32>
    %sign3A_113 = arith.cmpi slt, %select_n3A_103, %sign3A_112 : vector<16xi32>
    %sign3A_114 = arith.extui %sign3A_113 : vector<16xi1> to vector<16xi32>
    %sign3A_115 = arith.subi %sign3A_110, %sign3A_114 : vector<16xi32>
    %sign3A_116 = arith.constant 0 : i32
    %sign3A_117 = arith.cmpi sgt, %jit3A_104, %sign3A_116 : i32
    %sign3A_118 = arith.extui %sign3A_117 : i1 to i32
    %sign3A_119 = arith.constant 0 : i32
    %sign3A_120 = arith.cmpi slt, %jit3A_104, %sign3A_119 : i32
    %sign3A_121 = arith.extui %sign3A_120 : i1 to i32
    %sign3A_122 = arith.subi %sign3A_118, %sign3A_121 : i32
    %ne3A_123 = vector.broadcast %sign3A_122 : i32 to vector<16xi32>
    %ne3A_124 = arith.cmpi ne, %sign3A_115, %ne3A_123 : vector<16xi32>
    %rem3A_125 = vector.broadcast %jit3A_104 : i32 to vector<16xi32>
    %rem3A_126 = arith.remsi %select_n3A_103, %rem3A_125 : vector<16xi32>
    %ne3A_127 = arith.constant 0 : i32
    %ne3A_128 = vector.broadcast %ne3A_127 : i32 to vector<16xi32>
    %ne3A_129 = arith.cmpi ne, %rem3A_126, %ne3A_128 : vector<16xi32>
    %and3A_130 = arith.andi %ne3A_124, %ne3A_129 : vector<16xi1>
    %sub3A_131 = arith.constant 1 : i32
    %sub3A_132 = vector.broadcast %sub3A_131 : i32 to vector<16xi32>
    %sub3A_133 = arith.subi %div3A_106, %sub3A_132 : vector<16xi32>
    %select_n3A_134 = arith.select %and3A_130, %sub3A_133, %div3A_106 : vector<16xi1>, vector<16xi32>
    %mul3A_135 = arith.constant 4096 : i32
    %mul3A_136 = vector.broadcast %mul3A_135 : i32 to vector<16xi32>
    %mul3A_137 = arith.muli %select_n3A_134, %mul3A_136 : vector<16xi32>
    %jit3A_138 = arith.constant 8 : i32
    %eq3A_139 = arith.constant 0 : i32
    %eq3A_140 = arith.cmpi eq, %jit3A_138, %eq3A_139 : i32
    %jit3A_141 = arith.constant 1 : i32
    %select_n3A_142 = arith.select %eq3A_140, %jit3A_141, %jit3A_138 : i32
    %rem3A_143 = vector.broadcast %select_n3A_142 : i32 to vector<16xi32>
    %rem3A_144 = arith.remsi %select_n3A_103, %rem3A_143 : vector<16xi32>
    %ne3A_145 = arith.constant 0 : i32
    %ne3A_146 = vector.broadcast %ne3A_145 : i32 to vector<16xi32>
    %ne3A_147 = arith.cmpi ne, %rem3A_144, %ne3A_146 : vector<16xi32>
    %lt3A_148 = arith.constant 0 : i32
    %lt3A_149 = vector.broadcast %lt3A_148 : i32 to vector<16xi32>
    %lt3A_150 = arith.cmpi slt, %rem3A_144, %lt3A_149 : vector<16xi32>
    %lt3A_151 = arith.constant 0 : i32
    %lt3A_152 = arith.cmpi slt, %select_n3A_142, %lt3A_151 : i32
    %ne3A_153 = vector.broadcast %lt3A_152 : i1 to vector<16xi1>
    %ne3A_154 = vector.broadcast %ne3A_153 : vector<16xi1> to vector<16xi1>
    %ne3A_155 = arith.xori %lt3A_150, %ne3A_154 : vector<16xi1>
    %and3A_156 = arith.andi %ne3A_155, %ne3A_147 : vector<16xi1>
    %add3A_157 = vector.broadcast %select_n3A_142 : i32 to vector<16xi32>
    %add3A_158 = arith.addi %rem3A_144, %add3A_157 : vector<16xi32>
    %select_n3A_159 = arith.select %and3A_156, %add3A_158, %rem3A_144 : vector<16xi1>, vector<16xi32>
    %mul3A_160 = arith.constant 128 : i32
    %mul3A_161 = vector.broadcast %mul3A_160 : i32 to vector<16xi32>
    %mul3A_162 = arith.muli %select_n3A_159, %mul3A_161 : vector<16xi32>
    %add3A_163 = arith.addi %mul3A_137, %mul3A_162 : vector<16xi32>
    %add3A_164 = arith.addi %add3A_163, %iota3A : vector<16xi32>
    %add3A_165 = arith.constant 2 : i32
    %add3A_166 = vector.broadcast %add3A_165 : i32 to vector<16xi32>
    %add3A_167 = arith.addi %iota3A, %add3A_166 : vector<16xi32>
    %jit3A_168 = arith.constant 16 : i32
    %eq3A_169 = arith.constant 0 : i32
    %eq3A_170 = arith.cmpi eq, %jit3A_168, %eq3A_169 : i32
    %jit3A_171 = arith.constant 1 : i32
    %select_n3A_172 = arith.select %eq3A_170, %jit3A_171, %jit3A_168 : i32
    %rem3A_173 = vector.broadcast %select_n3A_172 : i32 to vector<16xi32>
    %rem3A_174 = arith.remsi %add3A_167, %rem3A_173 : vector<16xi32>
    %ne3A_175 = arith.constant 0 : i32
    %ne3A_176 = vector.broadcast %ne3A_175 : i32 to vector<16xi32>
    %ne3A_177 = arith.cmpi ne, %rem3A_174, %ne3A_176 : vector<16xi32>
    %lt3A_178 = arith.constant 0 : i32
    %lt3A_179 = vector.broadcast %lt3A_178 : i32 to vector<16xi32>
    %lt3A_180 = arith.cmpi slt, %rem3A_174, %lt3A_179 : vector<16xi32>
    %lt3A_181 = arith.constant 0 : i32
    %lt3A_182 = arith.cmpi slt, %select_n3A_172, %lt3A_181 : i32
    %ne3A_183 = vector.broadcast %lt3A_182 : i1 to vector<16xi1>
    %ne3A_184 = vector.broadcast %ne3A_183 : vector<16xi1> to vector<16xi1>
    %ne3A_185 = arith.xori %lt3A_180, %ne3A_184 : vector<16xi1>
    %and3A_186 = arith.andi %ne3A_185, %ne3A_177 : vector<16xi1>
    %add3A_187 = vector.broadcast %select_n3A_172 : i32 to vector<16xi32>
    %add3A_188 = arith.addi %rem3A_174, %add3A_187 : vector<16xi32>
    %select_n3A_189 = arith.select %and3A_186, %add3A_188, %rem3A_174 : vector<16xi1>, vector<16xi32>
    %jit3A_190 = arith.constant 8 : i32
    %div3A_191 = vector.broadcast %jit3A_190 : i32 to vector<16xi32>
    %div3A_192 = arith.divsi %select_n3A_189, %div3A_191 : vector<16xi32>
    %sign3A_193 = arith.constant 0 : i32
    %sign3A_194 = vector.broadcast %sign3A_193 : i32 to vector<16xi32>
    %sign3A_195 = arith.cmpi sgt, %select_n3A_189, %sign3A_194 : vector<16xi32>
    %sign3A_196 = arith.extui %sign3A_195 : vector<16xi1> to vector<16xi32>
    %sign3A_197 = arith.constant 0 : i32
    %sign3A_198 = vector.broadcast %sign3A_197 : i32 to vector<16xi32>
    %sign3A_199 = arith.cmpi slt, %select_n3A_189, %sign3A_198 : vector<16xi32>
    %sign3A_200 = arith.extui %sign3A_199 : vector<16xi1> to vector<16xi32>
    %sign3A_201 = arith.subi %sign3A_196, %sign3A_200 : vector<16xi32>
    %sign3A_202 = arith.constant 0 : i32
    %sign3A_203 = arith.cmpi sgt, %jit3A_190, %sign3A_202 : i32
    %sign3A_204 = arith.extui %sign3A_203 : i1 to i32
    %sign3A_205 = arith.constant 0 : i32
    %sign3A_206 = arith.cmpi slt, %jit3A_190, %sign3A_205 : i32
    %sign3A_207 = arith.extui %sign3A_206 : i1 to i32
    %sign3A_208 = arith.subi %sign3A_204, %sign3A_207 : i32
    %ne3A_209 = vector.broadcast %sign3A_208 : i32 to vector<16xi32>
    %ne3A_210 = arith.cmpi ne, %sign3A_201, %ne3A_209 : vector<16xi32>
    %rem3A_211 = vector.broadcast %jit3A_190 : i32 to vector<16xi32>
    %rem3A_212 = arith.remsi %select_n3A_189, %rem3A_211 : vector<16xi32>
    %ne3A_213 = arith.constant 0 : i32
    %ne3A_214 = vector.broadcast %ne3A_213 : i32 to vector<16xi32>
    %ne3A_215 = arith.cmpi ne, %rem3A_212, %ne3A_214 : vector<16xi32>
    %and3A_216 = arith.andi %ne3A_210, %ne3A_215 : vector<16xi1>
    %sub3A_217 = arith.constant 1 : i32
    %sub3A_218 = vector.broadcast %sub3A_217 : i32 to vector<16xi32>
    %sub3A_219 = arith.subi %div3A_192, %sub3A_218 : vector<16xi32>
    %select_n3A_220 = arith.select %and3A_216, %sub3A_219, %div3A_192 : vector<16xi1>, vector<16xi32>
    %mul3A_221 = arith.constant 4096 : i32
    %mul3A_222 = vector.broadcast %mul3A_221 : i32 to vector<16xi32>
    %mul3A_223 = arith.muli %select_n3A_220, %mul3A_222 : vector<16xi32>
    %jit3A_224 = arith.constant 8 : i32
    %eq3A_225 = arith.constant 0 : i32
    %eq3A_226 = arith.cmpi eq, %jit3A_224, %eq3A_225 : i32
    %jit3A_227 = arith.constant 1 : i32
    %select_n3A_228 = arith.select %eq3A_226, %jit3A_227, %jit3A_224 : i32
    %rem3A_229 = vector.broadcast %select_n3A_228 : i32 to vector<16xi32>
    %rem3A_230 = arith.remsi %select_n3A_189, %rem3A_229 : vector<16xi32>
    %ne3A_231 = arith.constant 0 : i32
    %ne3A_232 = vector.broadcast %ne3A_231 : i32 to vector<16xi32>
    %ne3A_233 = arith.cmpi ne, %rem3A_230, %ne3A_232 : vector<16xi32>
    %lt3A_234 = arith.constant 0 : i32
    %lt3A_235 = vector.broadcast %lt3A_234 : i32 to vector<16xi32>
    %lt3A_236 = arith.cmpi slt, %rem3A_230, %lt3A_235 : vector<16xi32>
    %lt3A_237 = arith.constant 0 : i32
    %lt3A_238 = arith.cmpi slt, %select_n3A_228, %lt3A_237 : i32
    %ne3A_239 = vector.broadcast %lt3A_238 : i1 to vector<16xi1>
    %ne3A_240 = vector.broadcast %ne3A_239 : vector<16xi1> to vector<16xi1>
    %ne3A_241 = arith.xori %lt3A_236, %ne3A_240 : vector<16xi1>
    %and3A_242 = arith.andi %ne3A_241, %ne3A_233 : vector<16xi1>
    %add3A_243 = vector.broadcast %select_n3A_228 : i32 to vector<16xi32>
    %add3A_244 = arith.addi %rem3A_230, %add3A_243 : vector<16xi32>
    %select_n3A_245 = arith.select %and3A_242, %add3A_244, %rem3A_230 : vector<16xi1>, vector<16xi32>
    %mul3A_246 = arith.constant 128 : i32
    %mul3A_247 = vector.broadcast %mul3A_246 : i32 to vector<16xi32>
    %mul3A_248 = arith.muli %select_n3A_245, %mul3A_247 : vector<16xi32>
    %add3A_249 = arith.addi %mul3A_223, %mul3A_248 : vector<16xi32>
    %add3A_250 = arith.addi %add3A_249, %iota3A : vector<16xi32>
    %add3A_251 = arith.constant 3 : i32
    %add3A_252 = vector.broadcast %add3A_251 : i32 to vector<16xi32>
    %add3A_253 = arith.addi %iota3A, %add3A_252 : vector<16xi32>
    %jit3A_254 = arith.constant 16 : i32
    %eq3A_255 = arith.constant 0 : i32
    %eq3A_256 = arith.cmpi eq, %jit3A_254, %eq3A_255 : i32
    %jit3A_257 = arith.constant 1 : i32
    %select_n3A_258 = arith.select %eq3A_256, %jit3A_257, %jit3A_254 : i32
    %rem3A_259 = vector.broadcast %select_n3A_258 : i32 to vector<16xi32>
    %rem3A_260 = arith.remsi %add3A_253, %rem3A_259 : vector<16xi32>
    %ne3A_261 = arith.constant 0 : i32
    %ne3A_262 = vector.broadcast %ne3A_261 : i32 to vector<16xi32>
    %ne3A_263 = arith.cmpi ne, %rem3A_260, %ne3A_262 : vector<16xi32>
    %lt3A_264 = arith.constant 0 : i32
    %lt3A_265 = vector.broadcast %lt3A_264 : i32 to vector<16xi32>
    %lt3A_266 = arith.cmpi slt, %rem3A_260, %lt3A_265 : vector<16xi32>
    %lt3A_267 = arith.constant 0 : i32
    %lt3A_268 = arith.cmpi slt, %select_n3A_258, %lt3A_267 : i32
    %ne3A_269 = vector.broadcast %lt3A_268 : i1 to vector<16xi1>
    %ne3A_270 = vector.broadcast %ne3A_269 : vector<16xi1> to vector<16xi1>
    %ne3A_271 = arith.xori %lt3A_266, %ne3A_270 : vector<16xi1>
    %and3A_272 = arith.andi %ne3A_271, %ne3A_263 : vector<16xi1>
    %add3A_273 = vector.broadcast %select_n3A_258 : i32 to vector<16xi32>
    %add3A_274 = arith.addi %rem3A_260, %add3A_273 : vector<16xi32>
    %select_n3A_275 = arith.select %and3A_272, %add3A_274, %rem3A_260 : vector<16xi1>, vector<16xi32>
    %jit3A_276 = arith.constant 8 : i32
    %div3A_277 = vector.broadcast %jit3A_276 : i32 to vector<16xi32>
    %div3A_278 = arith.divsi %select_n3A_275, %div3A_277 : vector<16xi32>
    %sign3A_279 = arith.constant 0 : i32
    %sign3A_280 = vector.broadcast %sign3A_279 : i32 to vector<16xi32>
    %sign3A_281 = arith.cmpi sgt, %select_n3A_275, %sign3A_280 : vector<16xi32>
    %sign3A_282 = arith.extui %sign3A_281 : vector<16xi1> to vector<16xi32>
    %sign3A_283 = arith.constant 0 : i32
    %sign3A_284 = vector.broadcast %sign3A_283 : i32 to vector<16xi32>
    %sign3A_285 = arith.cmpi slt, %select_n3A_275, %sign3A_284 : vector<16xi32>
    %sign3A_286 = arith.extui %sign3A_285 : vector<16xi1> to vector<16xi32>
    %sign3A_287 = arith.subi %sign3A_282, %sign3A_286 : vector<16xi32>
    %sign3A_288 = arith.constant 0 : i32
    %sign3A_289 = arith.cmpi sgt, %jit3A_276, %sign3A_288 : i32
    %sign3A_290 = arith.extui %sign3A_289 : i1 to i32
    %sign3A_291 = arith.constant 0 : i32
    %sign3A_292 = arith.cmpi slt, %jit3A_276, %sign3A_291 : i32
    %sign3A_293 = arith.extui %sign3A_292 : i1 to i32
    %sign3A_294 = arith.subi %sign3A_290, %sign3A_293 : i32
    %ne3A_295 = vector.broadcast %sign3A_294 : i32 to vector<16xi32>
    %ne3A_296 = arith.cmpi ne, %sign3A_287, %ne3A_295 : vector<16xi32>
    %rem3A_297 = vector.broadcast %jit3A_276 : i32 to vector<16xi32>
    %rem3A_298 = arith.remsi %select_n3A_275, %rem3A_297 : vector<16xi32>
    %ne3A_299 = arith.constant 0 : i32
    %ne3A_300 = vector.broadcast %ne3A_299 : i32 to vector<16xi32>
    %ne3A_301 = arith.cmpi ne, %rem3A_298, %ne3A_300 : vector<16xi32>
    %and3A_302 = arith.andi %ne3A_296, %ne3A_301 : vector<16xi1>
    %sub3A_303 = arith.constant 1 : i32
    %sub3A_304 = vector.broadcast %sub3A_303 : i32 to vector<16xi32>
    %sub3A_305 = arith.subi %div3A_278, %sub3A_304 : vector<16xi32>
    %select_n3A_306 = arith.select %and3A_302, %sub3A_305, %div3A_278 : vector<16xi1>, vector<16xi32>
    %mul3A_307 = arith.constant 4096 : i32
    %mul3A_308 = vector.broadcast %mul3A_307 : i32 to vector<16xi32>
    %mul3A_309 = arith.muli %select_n3A_306, %mul3A_308 : vector<16xi32>
    %jit3A_310 = arith.constant 8 : i32
    %eq3A_311 = arith.constant 0 : i32
    %eq3A_312 = arith.cmpi eq, %jit3A_310, %eq3A_311 : i32
    %jit3A_313 = arith.constant 1 : i32
    %select_n3A_314 = arith.select %eq3A_312, %jit3A_313, %jit3A_310 : i32
    %rem3A_315 = vector.broadcast %select_n3A_314 : i32 to vector<16xi32>
    %rem3A_316 = arith.remsi %select_n3A_275, %rem3A_315 : vector<16xi32>
    %ne3A_317 = arith.constant 0 : i32
    %ne3A_318 = vector.broadcast %ne3A_317 : i32 to vector<16xi32>
    %ne3A_319 = arith.cmpi ne, %rem3A_316, %ne3A_318 : vector<16xi32>
    %lt3A_320 = arith.constant 0 : i32
    %lt3A_321 = vector.broadcast %lt3A_320 : i32 to vector<16xi32>
    %lt3A_322 = arith.cmpi slt, %rem3A_316, %lt3A_321 : vector<16xi32>
    %lt3A_323 = arith.constant 0 : i32
    %lt3A_324 = arith.cmpi slt, %select_n3A_314, %lt3A_323 : i32
    %ne3A_325 = vector.broadcast %lt3A_324 : i1 to vector<16xi1>
    %ne3A_326 = vector.broadcast %ne3A_325 : vector<16xi1> to vector<16xi1>
    %ne3A_327 = arith.xori %lt3A_322, %ne3A_326 : vector<16xi1>
    %and3A_328 = arith.andi %ne3A_327, %ne3A_319 : vector<16xi1>
    %add3A_329 = vector.broadcast %select_n3A_314 : i32 to vector<16xi32>
    %add3A_330 = arith.addi %rem3A_316, %add3A_329 : vector<16xi32>
    %select_n3A_331 = arith.select %and3A_328, %add3A_330, %rem3A_316 : vector<16xi1>, vector<16xi32>
    %mul3A_332 = arith.constant 128 : i32
    %mul3A_333 = vector.broadcast %mul3A_332 : i32 to vector<16xi32>
    %mul3A_334 = arith.muli %select_n3A_331, %mul3A_333 : vector<16xi32>
    %add3A_335 = arith.addi %mul3A_309, %mul3A_334 : vector<16xi32>
    %add3A_336 = arith.addi %add3A_335, %iota3A : vector<16xi32>
    %add3A_337 = arith.constant 4 : i32
    %add3A_338 = vector.broadcast %add3A_337 : i32 to vector<16xi32>
    %add3A_339 = arith.addi %iota3A, %add3A_338 : vector<16xi32>
    %jit3A_340 = arith.constant 16 : i32
    %eq3A_341 = arith.constant 0 : i32
    %eq3A_342 = arith.cmpi eq, %jit3A_340, %eq3A_341 : i32
    %jit3A_343 = arith.constant 1 : i32
    %select_n3A_344 = arith.select %eq3A_342, %jit3A_343, %jit3A_340 : i32
    %rem3A_345 = vector.broadcast %select_n3A_344 : i32 to vector<16xi32>
    %rem3A_346 = arith.remsi %add3A_339, %rem3A_345 : vector<16xi32>
    %ne3A_347 = arith.constant 0 : i32
    %ne3A_348 = vector.broadcast %ne3A_347 : i32 to vector<16xi32>
    %ne3A_349 = arith.cmpi ne, %rem3A_346, %ne3A_348 : vector<16xi32>
    %lt3A_350 = arith.constant 0 : i32
    %lt3A_351 = vector.broadcast %lt3A_350 : i32 to vector<16xi32>
    %lt3A_352 = arith.cmpi slt, %rem3A_346, %lt3A_351 : vector<16xi32>
    %lt3A_353 = arith.constant 0 : i32
    %lt3A_354 = arith.cmpi slt, %select_n3A_344, %lt3A_353 : i32
    %ne3A_355 = vector.broadcast %lt3A_354 : i1 to vector<16xi1>
    %ne3A_356 = vector.broadcast %ne3A_355 : vector<16xi1> to vector<16xi1>
    %ne3A_357 = arith.xori %lt3A_352, %ne3A_356 : vector<16xi1>
    %and3A_358 = arith.andi %ne3A_357, %ne3A_349 : vector<16xi1>
    %add3A_359 = vector.broadcast %select_n3A_344 : i32 to vector<16xi32>
    %add3A_360 = arith.addi %rem3A_346, %add3A_359 : vector<16xi32>
    %select_n3A_361 = arith.select %and3A_358, %add3A_360, %rem3A_346 : vector<16xi1>, vector<16xi32>
    %jit3A_362 = arith.constant 8 : i32
    %div3A_363 = vector.broadcast %jit3A_362 : i32 to vector<16xi32>
    %div3A_364 = arith.divsi %select_n3A_361, %div3A_363 : vector<16xi32>
    %sign3A_365 = arith.constant 0 : i32
    %sign3A_366 = vector.broadcast %sign3A_365 : i32 to vector<16xi32>
    %sign3A_367 = arith.cmpi sgt, %select_n3A_361, %sign3A_366 : vector<16xi32>
    %sign3A_368 = arith.extui %sign3A_367 : vector<16xi1> to vector<16xi32>
    %sign3A_369 = arith.constant 0 : i32
    %sign3A_370 = vector.broadcast %sign3A_369 : i32 to vector<16xi32>
    %sign3A_371 = arith.cmpi slt, %select_n3A_361, %sign3A_370 : vector<16xi32>
    %sign3A_372 = arith.extui %sign3A_371 : vector<16xi1> to vector<16xi32>
    %sign3A_373 = arith.subi %sign3A_368, %sign3A_372 : vector<16xi32>
    %sign3A_374 = arith.constant 0 : i32
    %sign3A_375 = arith.cmpi sgt, %jit3A_362, %sign3A_374 : i32
    %sign3A_376 = arith.extui %sign3A_375 : i1 to i32
    %sign3A_377 = arith.constant 0 : i32
    %sign3A_378 = arith.cmpi slt, %jit3A_362, %sign3A_377 : i32
    %sign3A_379 = arith.extui %sign3A_378 : i1 to i32
    %sign3A_380 = arith.subi %sign3A_376, %sign3A_379 : i32
    %ne3A_381 = vector.broadcast %sign3A_380 : i32 to vector<16xi32>
    %ne3A_382 = arith.cmpi ne, %sign3A_373, %ne3A_381 : vector<16xi32>
    %rem3A_383 = vector.broadcast %jit3A_362 : i32 to vector<16xi32>
    %rem3A_384 = arith.remsi %select_n3A_361, %rem3A_383 : vector<16xi32>
    %ne3A_385 = arith.constant 0 : i32
    %ne3A_386 = vector.broadcast %ne3A_385 : i32 to vector<16xi32>
    %ne3A_387 = arith.cmpi ne, %rem3A_384, %ne3A_386 : vector<16xi32>
    %and3A_388 = arith.andi %ne3A_382, %ne3A_387 : vector<16xi1>
    %sub3A_389 = arith.constant 1 : i32
    %sub3A_390 = vector.broadcast %sub3A_389 : i32 to vector<16xi32>
    %sub3A_391 = arith.subi %div3A_364, %sub3A_390 : vector<16xi32>
    %select_n3A_392 = arith.select %and3A_388, %sub3A_391, %div3A_364 : vector<16xi1>, vector<16xi32>
    %mul3A_393 = arith.constant 4096 : i32
    %mul3A_394 = vector.broadcast %mul3A_393 : i32 to vector<16xi32>
    %mul3A_395 = arith.muli %select_n3A_392, %mul3A_394 : vector<16xi32>
    %jit3A_396 = arith.constant 8 : i32
    %eq3A_397 = arith.constant 0 : i32
    %eq3A_398 = arith.cmpi eq, %jit3A_396, %eq3A_397 : i32
    %jit3A_399 = arith.constant 1 : i32
    %select_n3A_400 = arith.select %eq3A_398, %jit3A_399, %jit3A_396 : i32
    %rem3A_401 = vector.broadcast %select_n3A_400 : i32 to vector<16xi32>
    %rem3A_402 = arith.remsi %select_n3A_361, %rem3A_401 : vector<16xi32>
    %ne3A_403 = arith.constant 0 : i32
    %ne3A_404 = vector.broadcast %ne3A_403 : i32 to vector<16xi32>
    %ne3A_405 = arith.cmpi ne, %rem3A_402, %ne3A_404 : vector<16xi32>
    %lt3A_406 = arith.constant 0 : i32
    %lt3A_407 = vector.broadcast %lt3A_406 : i32 to vector<16xi32>
    %lt3A_408 = arith.cmpi slt, %rem3A_402, %lt3A_407 : vector<16xi32>
    %lt3A_409 = arith.constant 0 : i32
    %lt3A_410 = arith.cmpi slt, %select_n3A_400, %lt3A_409 : i32
    %ne3A_411 = vector.broadcast %lt3A_410 : i1 to vector<16xi1>
    %ne3A_412 = vector.broadcast %ne3A_411 : vector<16xi1> to vector<16xi1>
    %ne3A_413 = arith.xori %lt3A_408, %ne3A_412 : vector<16xi1>
    %and3A_414 = arith.andi %ne3A_413, %ne3A_405 : vector<16xi1>
    %add3A_415 = vector.broadcast %select_n3A_400 : i32 to vector<16xi32>
    %add3A_416 = arith.addi %rem3A_402, %add3A_415 : vector<16xi32>
    %select_n3A_417 = arith.select %and3A_414, %add3A_416, %rem3A_402 : vector<16xi1>, vector<16xi32>
    %mul3A_418 = arith.constant 128 : i32
    %mul3A_419 = vector.broadcast %mul3A_418 : i32 to vector<16xi32>
    %mul3A_420 = arith.muli %select_n3A_417, %mul3A_419 : vector<16xi32>
    %add3A_421 = arith.addi %mul3A_395, %mul3A_420 : vector<16xi32>
    %add3A_422 = arith.addi %add3A_421, %iota3A : vector<16xi32>
    %add3A_423 = arith.constant 5 : i32
    %add3A_424 = vector.broadcast %add3A_423 : i32 to vector<16xi32>
    %add3A_425 = arith.addi %iota3A, %add3A_424 : vector<16xi32>
    %jit3A_426 = arith.constant 16 : i32
    %eq3A_427 = arith.constant 0 : i32
    %eq3A_428 = arith.cmpi eq, %jit3A_426, %eq3A_427 : i32
    %jit3A_429 = arith.constant 1 : i32
    %select_n3A_430 = arith.select %eq3A_428, %jit3A_429, %jit3A_426 : i32
    %rem3A_431 = vector.broadcast %select_n3A_430 : i32 to vector<16xi32>
    %rem3A_432 = arith.remsi %add3A_425, %rem3A_431 : vector<16xi32>
    %ne3A_433 = arith.constant 0 : i32
    %ne3A_434 = vector.broadcast %ne3A_433 : i32 to vector<16xi32>
    %ne3A_435 = arith.cmpi ne, %rem3A_432, %ne3A_434 : vector<16xi32>
    %lt3A_436 = arith.constant 0 : i32
    %lt3A_437 = vector.broadcast %lt3A_436 : i32 to vector<16xi32>
    %lt3A_438 = arith.cmpi slt, %rem3A_432, %lt3A_437 : vector<16xi32>
    %lt3A_439 = arith.constant 0 : i32
    %lt3A_440 = arith.cmpi slt, %select_n3A_430, %lt3A_439 : i32
    %ne3A_441 = vector.broadcast %lt3A_440 : i1 to vector<16xi1>
    %ne3A_442 = vector.broadcast %ne3A_441 : vector<16xi1> to vector<16xi1>
    %ne3A_443 = arith.xori %lt3A_438, %ne3A_442 : vector<16xi1>
    %and3A_444 = arith.andi %ne3A_443, %ne3A_435 : vector<16xi1>
    %add3A_445 = vector.broadcast %select_n3A_430 : i32 to vector<16xi32>
    %add3A_446 = arith.addi %rem3A_432, %add3A_445 : vector<16xi32>
    %select_n3A_447 = arith.select %and3A_444, %add3A_446, %rem3A_432 : vector<16xi1>, vector<16xi32>
    %jit3A_448 = arith.constant 8 : i32
    %div3A_449 = vector.broadcast %jit3A_448 : i32 to vector<16xi32>
    %div3A_450 = arith.divsi %select_n3A_447, %div3A_449 : vector<16xi32>
    %sign3A_451 = arith.constant 0 : i32
    %sign3A_452 = vector.broadcast %sign3A_451 : i32 to vector<16xi32>
    %sign3A_453 = arith.cmpi sgt, %select_n3A_447, %sign3A_452 : vector<16xi32>
    %sign3A_454 = arith.extui %sign3A_453 : vector<16xi1> to vector<16xi32>
    %sign3A_455 = arith.constant 0 : i32
    %sign3A_456 = vector.broadcast %sign3A_455 : i32 to vector<16xi32>
    %sign3A_457 = arith.cmpi slt, %select_n3A_447, %sign3A_456 : vector<16xi32>
    %sign3A_458 = arith.extui %sign3A_457 : vector<16xi1> to vector<16xi32>
    %sign3A_459 = arith.subi %sign3A_454, %sign3A_458 : vector<16xi32>
    %sign3A_460 = arith.constant 0 : i32
    %sign3A_461 = arith.cmpi sgt, %jit3A_448, %sign3A_460 : i32
    %sign3A_462 = arith.extui %sign3A_461 : i1 to i32
    %sign3A_463 = arith.constant 0 : i32
    %sign3A_464 = arith.cmpi slt, %jit3A_448, %sign3A_463 : i32
    %sign3A_465 = arith.extui %sign3A_464 : i1 to i32
    %sign3A_466 = arith.subi %sign3A_462, %sign3A_465 : i32
    %ne3A_467 = vector.broadcast %sign3A_466 : i32 to vector<16xi32>
    %ne3A_468 = arith.cmpi ne, %sign3A_459, %ne3A_467 : vector<16xi32>
    %rem3A_469 = vector.broadcast %jit3A_448 : i32 to vector<16xi32>
    %rem3A_470 = arith.remsi %select_n3A_447, %rem3A_469 : vector<16xi32>
    %ne3A_471 = arith.constant 0 : i32
    %ne3A_472 = vector.broadcast %ne3A_471 : i32 to vector<16xi32>
    %ne3A_473 = arith.cmpi ne, %rem3A_470, %ne3A_472 : vector<16xi32>
    %and3A_474 = arith.andi %ne3A_468, %ne3A_473 : vector<16xi1>
    %sub3A_475 = arith.constant 1 : i32
    %sub3A_476 = vector.broadcast %sub3A_475 : i32 to vector<16xi32>
    %sub3A_477 = arith.subi %div3A_450, %sub3A_476 : vector<16xi32>
    %select_n3A_478 = arith.select %and3A_474, %sub3A_477, %div3A_450 : vector<16xi1>, vector<16xi32>
    %mul3A_479 = arith.constant 4096 : i32
    %mul3A_480 = vector.broadcast %mul3A_479 : i32 to vector<16xi32>
    %mul3A_481 = arith.muli %select_n3A_478, %mul3A_480 : vector<16xi32>
    %jit3A_482 = arith.constant 8 : i32
    %eq3A_483 = arith.constant 0 : i32
    %eq3A_484 = arith.cmpi eq, %jit3A_482, %eq3A_483 : i32
    %jit3A_485 = arith.constant 1 : i32
    %select_n3A_486 = arith.select %eq3A_484, %jit3A_485, %jit3A_482 : i32
    %rem3A_487 = vector.broadcast %select_n3A_486 : i32 to vector<16xi32>
    %rem3A_488 = arith.remsi %select_n3A_447, %rem3A_487 : vector<16xi32>
    %ne3A_489 = arith.constant 0 : i32
    %ne3A_490 = vector.broadcast %ne3A_489 : i32 to vector<16xi32>
    %ne3A_491 = arith.cmpi ne, %rem3A_488, %ne3A_490 : vector<16xi32>
    %lt3A_492 = arith.constant 0 : i32
    %lt3A_493 = vector.broadcast %lt3A_492 : i32 to vector<16xi32>
    %lt3A_494 = arith.cmpi slt, %rem3A_488, %lt3A_493 : vector<16xi32>
    %lt3A_495 = arith.constant 0 : i32
    %lt3A_496 = arith.cmpi slt, %select_n3A_486, %lt3A_495 : i32
    %ne3A_497 = vector.broadcast %lt3A_496 : i1 to vector<16xi1>
    %ne3A_498 = vector.broadcast %ne3A_497 : vector<16xi1> to vector<16xi1>
    %ne3A_499 = arith.xori %lt3A_494, %ne3A_498 : vector<16xi1>
    %and3A_500 = arith.andi %ne3A_499, %ne3A_491 : vector<16xi1>
    %add3A_501 = vector.broadcast %select_n3A_486 : i32 to vector<16xi32>
    %add3A_502 = arith.addi %rem3A_488, %add3A_501 : vector<16xi32>
    %select_n3A_503 = arith.select %and3A_500, %add3A_502, %rem3A_488 : vector<16xi1>, vector<16xi32>
    %mul3A_504 = arith.constant 128 : i32
    %mul3A_505 = vector.broadcast %mul3A_504 : i32 to vector<16xi32>
    %mul3A_506 = arith.muli %select_n3A_503, %mul3A_505 : vector<16xi32>
    %add3A_507 = arith.addi %mul3A_481, %mul3A_506 : vector<16xi32>
    %add3A_508 = arith.addi %add3A_507, %iota3A : vector<16xi32>
    %add3A_509 = arith.constant 6 : i32
    %add3A_510 = vector.broadcast %add3A_509 : i32 to vector<16xi32>
    %add3A_511 = arith.addi %iota3A, %add3A_510 : vector<16xi32>
    %jit3A_512 = arith.constant 16 : i32
    %eq3A_513 = arith.constant 0 : i32
    %eq3A_514 = arith.cmpi eq, %jit3A_512, %eq3A_513 : i32
    %jit3A_515 = arith.constant 1 : i32
    %select_n3A_516 = arith.select %eq3A_514, %jit3A_515, %jit3A_512 : i32
    %rem3A_517 = vector.broadcast %select_n3A_516 : i32 to vector<16xi32>
    %rem3A_518 = arith.remsi %add3A_511, %rem3A_517 : vector<16xi32>
    %ne3A_519 = arith.constant 0 : i32
    %ne3A_520 = vector.broadcast %ne3A_519 : i32 to vector<16xi32>
    %ne3A_521 = arith.cmpi ne, %rem3A_518, %ne3A_520 : vector<16xi32>
    %lt3A_522 = arith.constant 0 : i32
    %lt3A_523 = vector.broadcast %lt3A_522 : i32 to vector<16xi32>
    %lt3A_524 = arith.cmpi slt, %rem3A_518, %lt3A_523 : vector<16xi32>
    %lt3A_525 = arith.constant 0 : i32
    %lt3A_526 = arith.cmpi slt, %select_n3A_516, %lt3A_525 : i32
    %ne3A_527 = vector.broadcast %lt3A_526 : i1 to vector<16xi1>
    %ne3A_528 = vector.broadcast %ne3A_527 : vector<16xi1> to vector<16xi1>
    %ne3A_529 = arith.xori %lt3A_524, %ne3A_528 : vector<16xi1>
    %and3A_530 = arith.andi %ne3A_529, %ne3A_521 : vector<16xi1>
    %add3A_531 = vector.broadcast %select_n3A_516 : i32 to vector<16xi32>
    %add3A_532 = arith.addi %rem3A_518, %add3A_531 : vector<16xi32>
    %select_n3A_533 = arith.select %and3A_530, %add3A_532, %rem3A_518 : vector<16xi1>, vector<16xi32>
    %jit3A_534 = arith.constant 8 : i32
    %div3A_535 = vector.broadcast %jit3A_534 : i32 to vector<16xi32>
    %div3A_536 = arith.divsi %select_n3A_533, %div3A_535 : vector<16xi32>
    %sign3A_537 = arith.constant 0 : i32
    %sign3A_538 = vector.broadcast %sign3A_537 : i32 to vector<16xi32>
    %sign3A_539 = arith.cmpi sgt, %select_n3A_533, %sign3A_538 : vector<16xi32>
    %sign3A_540 = arith.extui %sign3A_539 : vector<16xi1> to vector<16xi32>
    %sign3A_541 = arith.constant 0 : i32
    %sign3A_542 = vector.broadcast %sign3A_541 : i32 to vector<16xi32>
    %sign3A_543 = arith.cmpi slt, %select_n3A_533, %sign3A_542 : vector<16xi32>
    %sign3A_544 = arith.extui %sign3A_543 : vector<16xi1> to vector<16xi32>
    %sign3A_545 = arith.subi %sign3A_540, %sign3A_544 : vector<16xi32>
    %sign3A_546 = arith.constant 0 : i32
    %sign3A_547 = arith.cmpi sgt, %jit3A_534, %sign3A_546 : i32
    %sign3A_548 = arith.extui %sign3A_547 : i1 to i32
    %sign3A_549 = arith.constant 0 : i32
    %sign3A_550 = arith.cmpi slt, %jit3A_534, %sign3A_549 : i32
    %sign3A_551 = arith.extui %sign3A_550 : i1 to i32
    %sign3A_552 = arith.subi %sign3A_548, %sign3A_551 : i32
    %ne3A_553 = vector.broadcast %sign3A_552 : i32 to vector<16xi32>
    %ne3A_554 = arith.cmpi ne, %sign3A_545, %ne3A_553 : vector<16xi32>
    %rem3A_555 = vector.broadcast %jit3A_534 : i32 to vector<16xi32>
    %rem3A_556 = arith.remsi %select_n3A_533, %rem3A_555 : vector<16xi32>
    %ne3A_557 = arith.constant 0 : i32
    %ne3A_558 = vector.broadcast %ne3A_557 : i32 to vector<16xi32>
    %ne3A_559 = arith.cmpi ne, %rem3A_556, %ne3A_558 : vector<16xi32>
    %and3A_560 = arith.andi %ne3A_554, %ne3A_559 : vector<16xi1>
    %sub3A_561 = arith.constant 1 : i32
    %sub3A_562 = vector.broadcast %sub3A_561 : i32 to vector<16xi32>
    %sub3A_563 = arith.subi %div3A_536, %sub3A_562 : vector<16xi32>
    %select_n3A_564 = arith.select %and3A_560, %sub3A_563, %div3A_536 : vector<16xi1>, vector<16xi32>
    %mul3A_565 = arith.constant 4096 : i32
    %mul3A_566 = vector.broadcast %mul3A_565 : i32 to vector<16xi32>
    %mul3A_567 = arith.muli %select_n3A_564, %mul3A_566 : vector<16xi32>
    %jit3A_568 = arith.constant 8 : i32
    %eq3A_569 = arith.constant 0 : i32
    %eq3A_570 = arith.cmpi eq, %jit3A_568, %eq3A_569 : i32
    %jit3A_571 = arith.constant 1 : i32
    %select_n3A_572 = arith.select %eq3A_570, %jit3A_571, %jit3A_568 : i32
    %rem3A_573 = vector.broadcast %select_n3A_572 : i32 to vector<16xi32>
    %rem3A_574 = arith.remsi %select_n3A_533, %rem3A_573 : vector<16xi32>
    %ne3A_575 = arith.constant 0 : i32
    %ne3A_576 = vector.broadcast %ne3A_575 : i32 to vector<16xi32>
    %ne3A_577 = arith.cmpi ne, %rem3A_574, %ne3A_576 : vector<16xi32>
    %lt3A_578 = arith.constant 0 : i32
    %lt3A_579 = vector.broadcast %lt3A_578 : i32 to vector<16xi32>
    %lt3A_580 = arith.cmpi slt, %rem3A_574, %lt3A_579 : vector<16xi32>
    %lt3A_581 = arith.constant 0 : i32
    %lt3A_582 = arith.cmpi slt, %select_n3A_572, %lt3A_581 : i32
    %ne3A_583 = vector.broadcast %lt3A_582 : i1 to vector<16xi1>
    %ne3A_584 = vector.broadcast %ne3A_583 : vector<16xi1> to vector<16xi1>
    %ne3A_585 = arith.xori %lt3A_580, %ne3A_584 : vector<16xi1>
    %and3A_586 = arith.andi %ne3A_585, %ne3A_577 : vector<16xi1>
    %add3A_587 = vector.broadcast %select_n3A_572 : i32 to vector<16xi32>
    %add3A_588 = arith.addi %rem3A_574, %add3A_587 : vector<16xi32>
    %select_n3A_589 = arith.select %and3A_586, %add3A_588, %rem3A_574 : vector<16xi1>, vector<16xi32>
    %mul3A_590 = arith.constant 128 : i32
    %mul3A_591 = vector.broadcast %mul3A_590 : i32 to vector<16xi32>
    %mul3A_592 = arith.muli %select_n3A_589, %mul3A_591 : vector<16xi32>
    %add3A_593 = arith.addi %mul3A_567, %mul3A_592 : vector<16xi32>
    %add3A_594 = arith.addi %add3A_593, %iota3A : vector<16xi32>
    %add3A_595 = arith.constant 7 : i32
    %add3A_596 = vector.broadcast %add3A_595 : i32 to vector<16xi32>
    %add3A_597 = arith.addi %iota3A, %add3A_596 : vector<16xi32>
    %jit3A_598 = arith.constant 16 : i32
    %eq3A_599 = arith.constant 0 : i32
    %eq3A_600 = arith.cmpi eq, %jit3A_598, %eq3A_599 : i32
    %jit3A_601 = arith.constant 1 : i32
    %select_n3A_602 = arith.select %eq3A_600, %jit3A_601, %jit3A_598 : i32
    %rem3A_603 = vector.broadcast %select_n3A_602 : i32 to vector<16xi32>
    %rem3A_604 = arith.remsi %add3A_597, %rem3A_603 : vector<16xi32>
    %ne3A_605 = arith.constant 0 : i32
    %ne3A_606 = vector.broadcast %ne3A_605 : i32 to vector<16xi32>
    %ne3A_607 = arith.cmpi ne, %rem3A_604, %ne3A_606 : vector<16xi32>
    %lt3A_608 = arith.constant 0 : i32
    %lt3A_609 = vector.broadcast %lt3A_608 : i32 to vector<16xi32>
    %lt3A_610 = arith.cmpi slt, %rem3A_604, %lt3A_609 : vector<16xi32>
    %lt3A_611 = arith.constant 0 : i32
    %lt3A_612 = arith.cmpi slt, %select_n3A_602, %lt3A_611 : i32
    %ne3A_613 = vector.broadcast %lt3A_612 : i1 to vector<16xi1>
    %ne3A_614 = vector.broadcast %ne3A_613 : vector<16xi1> to vector<16xi1>
    %ne3A_615 = arith.xori %lt3A_610, %ne3A_614 : vector<16xi1>
    %and3A_616 = arith.andi %ne3A_615, %ne3A_607 : vector<16xi1>
    %add3A_617 = vector.broadcast %select_n3A_602 : i32 to vector<16xi32>
    %add3A_618 = arith.addi %rem3A_604, %add3A_617 : vector<16xi32>
    %select_n3A_619 = arith.select %and3A_616, %add3A_618, %rem3A_604 : vector<16xi1>, vector<16xi32>
    %jit3A_620 = arith.constant 8 : i32
    %div3A_621 = vector.broadcast %jit3A_620 : i32 to vector<16xi32>
    %div3A_622 = arith.divsi %select_n3A_619, %div3A_621 : vector<16xi32>
    %sign3A_623 = arith.constant 0 : i32
    %sign3A_624 = vector.broadcast %sign3A_623 : i32 to vector<16xi32>
    %sign3A_625 = arith.cmpi sgt, %select_n3A_619, %sign3A_624 : vector<16xi32>
    %sign3A_626 = arith.extui %sign3A_625 : vector<16xi1> to vector<16xi32>
    %sign3A_627 = arith.constant 0 : i32
    %sign3A_628 = vector.broadcast %sign3A_627 : i32 to vector<16xi32>
    %sign3A_629 = arith.cmpi slt, %select_n3A_619, %sign3A_628 : vector<16xi32>
    %sign3A_630 = arith.extui %sign3A_629 : vector<16xi1> to vector<16xi32>
    %sign3A_631 = arith.subi %sign3A_626, %sign3A_630 : vector<16xi32>
    %sign3A_632 = arith.constant 0 : i32
    %sign3A_633 = arith.cmpi sgt, %jit3A_620, %sign3A_632 : i32
    %sign3A_634 = arith.extui %sign3A_633 : i1 to i32
    %sign3A_635 = arith.constant 0 : i32
    %sign3A_636 = arith.cmpi slt, %jit3A_620, %sign3A_635 : i32
    %sign3A_637 = arith.extui %sign3A_636 : i1 to i32
    %sign3A_638 = arith.subi %sign3A_634, %sign3A_637 : i32
    %ne3A_639 = vector.broadcast %sign3A_638 : i32 to vector<16xi32>
    %ne3A_640 = arith.cmpi ne, %sign3A_631, %ne3A_639 : vector<16xi32>
    %rem3A_641 = vector.broadcast %jit3A_620 : i32 to vector<16xi32>
    %rem3A_642 = arith.remsi %select_n3A_619, %rem3A_641 : vector<16xi32>
    %ne3A_643 = arith.constant 0 : i32
    %ne3A_644 = vector.broadcast %ne3A_643 : i32 to vector<16xi32>
    %ne3A_645 = arith.cmpi ne, %rem3A_642, %ne3A_644 : vector<16xi32>
    %and3A_646 = arith.andi %ne3A_640, %ne3A_645 : vector<16xi1>
    %sub3A_647 = arith.constant 1 : i32
    %sub3A_648 = vector.broadcast %sub3A_647 : i32 to vector<16xi32>
    %sub3A_649 = arith.subi %div3A_622, %sub3A_648 : vector<16xi32>
    %select_n3A_650 = arith.select %and3A_646, %sub3A_649, %div3A_622 : vector<16xi1>, vector<16xi32>
    %mul3A_651 = arith.constant 4096 : i32
    %mul3A_652 = vector.broadcast %mul3A_651 : i32 to vector<16xi32>
    %mul3A_653 = arith.muli %select_n3A_650, %mul3A_652 : vector<16xi32>
    %jit3A_654 = arith.constant 8 : i32
    %eq3A_655 = arith.constant 0 : i32
    %eq3A_656 = arith.cmpi eq, %jit3A_654, %eq3A_655 : i32
    %jit3A_657 = arith.constant 1 : i32
    %select_n3A_658 = arith.select %eq3A_656, %jit3A_657, %jit3A_654 : i32
    %rem3A_659 = vector.broadcast %select_n3A_658 : i32 to vector<16xi32>
    %rem3A_660 = arith.remsi %select_n3A_619, %rem3A_659 : vector<16xi32>
    %ne3A_661 = arith.constant 0 : i32
    %ne3A_662 = vector.broadcast %ne3A_661 : i32 to vector<16xi32>
    %ne3A_663 = arith.cmpi ne, %rem3A_660, %ne3A_662 : vector<16xi32>
    %lt3A_664 = arith.constant 0 : i32
    %lt3A_665 = vector.broadcast %lt3A_664 : i32 to vector<16xi32>
    %lt3A_666 = arith.cmpi slt, %rem3A_660, %lt3A_665 : vector<16xi32>
    %lt3A_667 = arith.constant 0 : i32
    %lt3A_668 = arith.cmpi slt, %select_n3A_658, %lt3A_667 : i32
    %ne3A_669 = vector.broadcast %lt3A_668 : i1 to vector<16xi1>
    %ne3A_670 = vector.broadcast %ne3A_669 : vector<16xi1> to vector<16xi1>
    %ne3A_671 = arith.xori %lt3A_666, %ne3A_670 : vector<16xi1>
    %and3A_672 = arith.andi %ne3A_671, %ne3A_663 : vector<16xi1>
    %add3A_673 = vector.broadcast %select_n3A_658 : i32 to vector<16xi32>
    %add3A_674 = arith.addi %rem3A_660, %add3A_673 : vector<16xi32>
    %select_n3A_675 = arith.select %and3A_672, %add3A_674, %rem3A_660 : vector<16xi1>, vector<16xi32>
    %mul3A_676 = arith.constant 128 : i32
    %mul3A_677 = vector.broadcast %mul3A_676 : i32 to vector<16xi32>
    %mul3A_678 = arith.muli %select_n3A_675, %mul3A_677 : vector<16xi32>
    %add3A_679 = arith.addi %mul3A_653, %mul3A_678 : vector<16xi32>
    %add3A_680 = arith.addi %add3A_679, %iota3A : vector<16xi32>
    %add3A_681 = arith.constant 8 : i32
    %add3A_682 = vector.broadcast %add3A_681 : i32 to vector<16xi32>
    %add3A_683 = arith.addi %iota3A, %add3A_682 : vector<16xi32>
    %jit3A_684 = arith.constant 16 : i32
    %eq3A_685 = arith.constant 0 : i32
    %eq3A_686 = arith.cmpi eq, %jit3A_684, %eq3A_685 : i32
    %jit3A_687 = arith.constant 1 : i32
    %select_n3A_688 = arith.select %eq3A_686, %jit3A_687, %jit3A_684 : i32
    %rem3A_689 = vector.broadcast %select_n3A_688 : i32 to vector<16xi32>
    %rem3A_690 = arith.remsi %add3A_683, %rem3A_689 : vector<16xi32>
    %ne3A_691 = arith.constant 0 : i32
    %ne3A_692 = vector.broadcast %ne3A_691 : i32 to vector<16xi32>
    %ne3A_693 = arith.cmpi ne, %rem3A_690, %ne3A_692 : vector<16xi32>
    %lt3A_694 = arith.constant 0 : i32
    %lt3A_695 = vector.broadcast %lt3A_694 : i32 to vector<16xi32>
    %lt3A_696 = arith.cmpi slt, %rem3A_690, %lt3A_695 : vector<16xi32>
    %lt3A_697 = arith.constant 0 : i32
    %lt3A_698 = arith.cmpi slt, %select_n3A_688, %lt3A_697 : i32
    %ne3A_699 = vector.broadcast %lt3A_698 : i1 to vector<16xi1>
    %ne3A_700 = vector.broadcast %ne3A_699 : vector<16xi1> to vector<16xi1>
    %ne3A_701 = arith.xori %lt3A_696, %ne3A_700 : vector<16xi1>
    %and3A_702 = arith.andi %ne3A_701, %ne3A_693 : vector<16xi1>
    %add3A_703 = vector.broadcast %select_n3A_688 : i32 to vector<16xi32>
    %add3A_704 = arith.addi %rem3A_690, %add3A_703 : vector<16xi32>
    %select_n3A_705 = arith.select %and3A_702, %add3A_704, %rem3A_690 : vector<16xi1>, vector<16xi32>
    %jit3A_706 = arith.constant 8 : i32
    %div3A_707 = vector.broadcast %jit3A_706 : i32 to vector<16xi32>
    %div3A_708 = arith.divsi %select_n3A_705, %div3A_707 : vector<16xi32>
    %sign3A_709 = arith.constant 0 : i32
    %sign3A_710 = vector.broadcast %sign3A_709 : i32 to vector<16xi32>
    %sign3A_711 = arith.cmpi sgt, %select_n3A_705, %sign3A_710 : vector<16xi32>
    %sign3A_712 = arith.extui %sign3A_711 : vector<16xi1> to vector<16xi32>
    %sign3A_713 = arith.constant 0 : i32
    %sign3A_714 = vector.broadcast %sign3A_713 : i32 to vector<16xi32>
    %sign3A_715 = arith.cmpi slt, %select_n3A_705, %sign3A_714 : vector<16xi32>
    %sign3A_716 = arith.extui %sign3A_715 : vector<16xi1> to vector<16xi32>
    %sign3A_717 = arith.subi %sign3A_712, %sign3A_716 : vector<16xi32>
    %sign3A_718 = arith.constant 0 : i32
    %sign3A_719 = arith.cmpi sgt, %jit3A_706, %sign3A_718 : i32
    %sign3A_720 = arith.extui %sign3A_719 : i1 to i32
    %sign3A_721 = arith.constant 0 : i32
    %sign3A_722 = arith.cmpi slt, %jit3A_706, %sign3A_721 : i32
    %sign3A_723 = arith.extui %sign3A_722 : i1 to i32
    %sign3A_724 = arith.subi %sign3A_720, %sign3A_723 : i32
    %ne3A_725 = vector.broadcast %sign3A_724 : i32 to vector<16xi32>
    %ne3A_726 = arith.cmpi ne, %sign3A_717, %ne3A_725 : vector<16xi32>
    %rem3A_727 = vector.broadcast %jit3A_706 : i32 to vector<16xi32>
    %rem3A_728 = arith.remsi %select_n3A_705, %rem3A_727 : vector<16xi32>
    %ne3A_729 = arith.constant 0 : i32
    %ne3A_730 = vector.broadcast %ne3A_729 : i32 to vector<16xi32>
    %ne3A_731 = arith.cmpi ne, %rem3A_728, %ne3A_730 : vector<16xi32>
    %and3A_732 = arith.andi %ne3A_726, %ne3A_731 : vector<16xi1>
    %sub3A_733 = arith.constant 1 : i32
    %sub3A_734 = vector.broadcast %sub3A_733 : i32 to vector<16xi32>
    %sub3A_735 = arith.subi %div3A_708, %sub3A_734 : vector<16xi32>
    %select_n3A_736 = arith.select %and3A_732, %sub3A_735, %div3A_708 : vector<16xi1>, vector<16xi32>
    %mul3A_737 = arith.constant 4096 : i32
    %mul3A_738 = vector.broadcast %mul3A_737 : i32 to vector<16xi32>
    %mul3A_739 = arith.muli %select_n3A_736, %mul3A_738 : vector<16xi32>
    %jit3A_740 = arith.constant 8 : i32
    %eq3A_741 = arith.constant 0 : i32
    %eq3A_742 = arith.cmpi eq, %jit3A_740, %eq3A_741 : i32
    %jit3A_743 = arith.constant 1 : i32
    %select_n3A_744 = arith.select %eq3A_742, %jit3A_743, %jit3A_740 : i32
    %rem3A_745 = vector.broadcast %select_n3A_744 : i32 to vector<16xi32>
    %rem3A_746 = arith.remsi %select_n3A_705, %rem3A_745 : vector<16xi32>
    %ne3A_747 = arith.constant 0 : i32
    %ne3A_748 = vector.broadcast %ne3A_747 : i32 to vector<16xi32>
    %ne3A_749 = arith.cmpi ne, %rem3A_746, %ne3A_748 : vector<16xi32>
    %lt3A_750 = arith.constant 0 : i32
    %lt3A_751 = vector.broadcast %lt3A_750 : i32 to vector<16xi32>
    %lt3A_752 = arith.cmpi slt, %rem3A_746, %lt3A_751 : vector<16xi32>
    %lt3A_753 = arith.constant 0 : i32
    %lt3A_754 = arith.cmpi slt, %select_n3A_744, %lt3A_753 : i32
    %ne3A_755 = vector.broadcast %lt3A_754 : i1 to vector<16xi1>
    %ne3A_756 = vector.broadcast %ne3A_755 : vector<16xi1> to vector<16xi1>
    %ne3A_757 = arith.xori %lt3A_752, %ne3A_756 : vector<16xi1>
    %and3A_758 = arith.andi %ne3A_757, %ne3A_749 : vector<16xi1>
    %add3A_759 = vector.broadcast %select_n3A_744 : i32 to vector<16xi32>
    %add3A_760 = arith.addi %rem3A_746, %add3A_759 : vector<16xi32>
    %select_n3A_761 = arith.select %and3A_758, %add3A_760, %rem3A_746 : vector<16xi1>, vector<16xi32>
    %mul3A_762 = arith.constant 128 : i32
    %mul3A_763 = vector.broadcast %mul3A_762 : i32 to vector<16xi32>
    %mul3A_764 = arith.muli %select_n3A_761, %mul3A_763 : vector<16xi32>
    %add3A_765 = arith.addi %mul3A_739, %mul3A_764 : vector<16xi32>
    %add3A_766 = arith.addi %add3A_765, %iota3A : vector<16xi32>
    %add3A_767 = arith.constant 9 : i32
    %add3A_768 = vector.broadcast %add3A_767 : i32 to vector<16xi32>
    %add3A_769 = arith.addi %iota3A, %add3A_768 : vector<16xi32>
    %jit3A_770 = arith.constant 16 : i32
    %eq3A_771 = arith.constant 0 : i32
    %eq3A_772 = arith.cmpi eq, %jit3A_770, %eq3A_771 : i32
    %jit3A_773 = arith.constant 1 : i32
    %select_n3A_774 = arith.select %eq3A_772, %jit3A_773, %jit3A_770 : i32
    %rem3A_775 = vector.broadcast %select_n3A_774 : i32 to vector<16xi32>
    %rem3A_776 = arith.remsi %add3A_769, %rem3A_775 : vector<16xi32>
    %ne3A_777 = arith.constant 0 : i32
    %ne3A_778 = vector.broadcast %ne3A_777 : i32 to vector<16xi32>
    %ne3A_779 = arith.cmpi ne, %rem3A_776, %ne3A_778 : vector<16xi32>
    %lt3A_780 = arith.constant 0 : i32
    %lt3A_781 = vector.broadcast %lt3A_780 : i32 to vector<16xi32>
    %lt3A_782 = arith.cmpi slt, %rem3A_776, %lt3A_781 : vector<16xi32>
    %lt3A_783 = arith.constant 0 : i32
    %lt3A_784 = arith.cmpi slt, %select_n3A_774, %lt3A_783 : i32
    %ne3A_785 = vector.broadcast %lt3A_784 : i1 to vector<16xi1>
    %ne3A_786 = vector.broadcast %ne3A_785 : vector<16xi1> to vector<16xi1>
    %ne3A_787 = arith.xori %lt3A_782, %ne3A_786 : vector<16xi1>
    %and3A_788 = arith.andi %ne3A_787, %ne3A_779 : vector<16xi1>
    %add3A_789 = vector.broadcast %select_n3A_774 : i32 to vector<16xi32>
    %add3A_790 = arith.addi %rem3A_776, %add3A_789 : vector<16xi32>
    %select_n3A_791 = arith.select %and3A_788, %add3A_790, %rem3A_776 : vector<16xi1>, vector<16xi32>
    %jit3A_792 = arith.constant 8 : i32
    %div3A_793 = vector.broadcast %jit3A_792 : i32 to vector<16xi32>
    %div3A_794 = arith.divsi %select_n3A_791, %div3A_793 : vector<16xi32>
    %sign3A_795 = arith.constant 0 : i32
    %sign3A_796 = vector.broadcast %sign3A_795 : i32 to vector<16xi32>
    %sign3A_797 = arith.cmpi sgt, %select_n3A_791, %sign3A_796 : vector<16xi32>
    %sign3A_798 = arith.extui %sign3A_797 : vector<16xi1> to vector<16xi32>
    %sign3A_799 = arith.constant 0 : i32
    %sign3A_800 = vector.broadcast %sign3A_799 : i32 to vector<16xi32>
    %sign3A_801 = arith.cmpi slt, %select_n3A_791, %sign3A_800 : vector<16xi32>
    %sign3A_802 = arith.extui %sign3A_801 : vector<16xi1> to vector<16xi32>
    %sign3A_803 = arith.subi %sign3A_798, %sign3A_802 : vector<16xi32>
    %sign3A_804 = arith.constant 0 : i32
    %sign3A_805 = arith.cmpi sgt, %jit3A_792, %sign3A_804 : i32
    %sign3A_806 = arith.extui %sign3A_805 : i1 to i32
    %sign3A_807 = arith.constant 0 : i32
    %sign3A_808 = arith.cmpi slt, %jit3A_792, %sign3A_807 : i32
    %sign3A_809 = arith.extui %sign3A_808 : i1 to i32
    %sign3A_810 = arith.subi %sign3A_806, %sign3A_809 : i32
    %ne3A_811 = vector.broadcast %sign3A_810 : i32 to vector<16xi32>
    %ne3A_812 = arith.cmpi ne, %sign3A_803, %ne3A_811 : vector<16xi32>
    %rem3A_813 = vector.broadcast %jit3A_792 : i32 to vector<16xi32>
    %rem3A_814 = arith.remsi %select_n3A_791, %rem3A_813 : vector<16xi32>
    %ne3A_815 = arith.constant 0 : i32
    %ne3A_816 = vector.broadcast %ne3A_815 : i32 to vector<16xi32>
    %ne3A_817 = arith.cmpi ne, %rem3A_814, %ne3A_816 : vector<16xi32>
    %and3A_818 = arith.andi %ne3A_812, %ne3A_817 : vector<16xi1>
    %sub3A_819 = arith.constant 1 : i32
    %sub3A_820 = vector.broadcast %sub3A_819 : i32 to vector<16xi32>
    %sub3A_821 = arith.subi %div3A_794, %sub3A_820 : vector<16xi32>
    %select_n3A_822 = arith.select %and3A_818, %sub3A_821, %div3A_794 : vector<16xi1>, vector<16xi32>
    %mul3A_823 = arith.constant 4096 : i32
    %mul3A_824 = vector.broadcast %mul3A_823 : i32 to vector<16xi32>
    %mul3A_825 = arith.muli %select_n3A_822, %mul3A_824 : vector<16xi32>
    %jit3A_826 = arith.constant 8 : i32
    %eq3A_827 = arith.constant 0 : i32
    %eq3A_828 = arith.cmpi eq, %jit3A_826, %eq3A_827 : i32
    %jit3A_829 = arith.constant 1 : i32
    %select_n3A_830 = arith.select %eq3A_828, %jit3A_829, %jit3A_826 : i32
    %rem3A_831 = vector.broadcast %select_n3A_830 : i32 to vector<16xi32>
    %rem3A_832 = arith.remsi %select_n3A_791, %rem3A_831 : vector<16xi32>
    %ne3A_833 = arith.constant 0 : i32
    %ne3A_834 = vector.broadcast %ne3A_833 : i32 to vector<16xi32>
    %ne3A_835 = arith.cmpi ne, %rem3A_832, %ne3A_834 : vector<16xi32>
    %lt3A_836 = arith.constant 0 : i32
    %lt3A_837 = vector.broadcast %lt3A_836 : i32 to vector<16xi32>
    %lt3A_838 = arith.cmpi slt, %rem3A_832, %lt3A_837 : vector<16xi32>
    %lt3A_839 = arith.constant 0 : i32
    %lt3A_840 = arith.cmpi slt, %select_n3A_830, %lt3A_839 : i32
    %ne3A_841 = vector.broadcast %lt3A_840 : i1 to vector<16xi1>
    %ne3A_842 = vector.broadcast %ne3A_841 : vector<16xi1> to vector<16xi1>
    %ne3A_843 = arith.xori %lt3A_838, %ne3A_842 : vector<16xi1>
    %and3A_844 = arith.andi %ne3A_843, %ne3A_835 : vector<16xi1>
    %add3A_845 = vector.broadcast %select_n3A_830 : i32 to vector<16xi32>
    %add3A_846 = arith.addi %rem3A_832, %add3A_845 : vector<16xi32>
    %select_n3A_847 = arith.select %and3A_844, %add3A_846, %rem3A_832 : vector<16xi1>, vector<16xi32>
    %mul3A_848 = arith.constant 128 : i32
    %mul3A_849 = vector.broadcast %mul3A_848 : i32 to vector<16xi32>
    %mul3A_850 = arith.muli %select_n3A_847, %mul3A_849 : vector<16xi32>
    %add3A_851 = arith.addi %mul3A_825, %mul3A_850 : vector<16xi32>
    %add3A_852 = arith.addi %add3A_851, %iota3A : vector<16xi32>
    %add3A_853 = arith.constant 10 : i32
    %add3A_854 = vector.broadcast %add3A_853 : i32 to vector<16xi32>
    %add3A_855 = arith.addi %iota3A, %add3A_854 : vector<16xi32>
    %jit3A_856 = arith.constant 16 : i32
    %eq3A_857 = arith.constant 0 : i32
    %eq3A_858 = arith.cmpi eq, %jit3A_856, %eq3A_857 : i32
    %jit3A_859 = arith.constant 1 : i32
    %select_n3A_860 = arith.select %eq3A_858, %jit3A_859, %jit3A_856 : i32
    %rem3A_861 = vector.broadcast %select_n3A_860 : i32 to vector<16xi32>
    %rem3A_862 = arith.remsi %add3A_855, %rem3A_861 : vector<16xi32>
    %ne3A_863 = arith.constant 0 : i32
    %ne3A_864 = vector.broadcast %ne3A_863 : i32 to vector<16xi32>
    %ne3A_865 = arith.cmpi ne, %rem3A_862, %ne3A_864 : vector<16xi32>
    %lt3A_866 = arith.constant 0 : i32
    %lt3A_867 = vector.broadcast %lt3A_866 : i32 to vector<16xi32>
    %lt3A_868 = arith.cmpi slt, %rem3A_862, %lt3A_867 : vector<16xi32>
    %lt3A_869 = arith.constant 0 : i32
    %lt3A_870 = arith.cmpi slt, %select_n3A_860, %lt3A_869 : i32
    %ne3A_871 = vector.broadcast %lt3A_870 : i1 to vector<16xi1>
    %ne3A_872 = vector.broadcast %ne3A_871 : vector<16xi1> to vector<16xi1>
    %ne3A_873 = arith.xori %lt3A_868, %ne3A_872 : vector<16xi1>
    %and3A_874 = arith.andi %ne3A_873, %ne3A_865 : vector<16xi1>
    %add3A_875 = vector.broadcast %select_n3A_860 : i32 to vector<16xi32>
    %add3A_876 = arith.addi %rem3A_862, %add3A_875 : vector<16xi32>
    %select_n3A_877 = arith.select %and3A_874, %add3A_876, %rem3A_862 : vector<16xi1>, vector<16xi32>
    %jit3A_878 = arith.constant 8 : i32
    %div3A_879 = vector.broadcast %jit3A_878 : i32 to vector<16xi32>
    %div3A_880 = arith.divsi %select_n3A_877, %div3A_879 : vector<16xi32>
    %sign3A_881 = arith.constant 0 : i32
    %sign3A_882 = vector.broadcast %sign3A_881 : i32 to vector<16xi32>
    %sign3A_883 = arith.cmpi sgt, %select_n3A_877, %sign3A_882 : vector<16xi32>
    %sign3A_884 = arith.extui %sign3A_883 : vector<16xi1> to vector<16xi32>
    %sign3A_885 = arith.constant 0 : i32
    %sign3A_886 = vector.broadcast %sign3A_885 : i32 to vector<16xi32>
    %sign3A_887 = arith.cmpi slt, %select_n3A_877, %sign3A_886 : vector<16xi32>
    %sign3A_888 = arith.extui %sign3A_887 : vector<16xi1> to vector<16xi32>
    %sign3A_889 = arith.subi %sign3A_884, %sign3A_888 : vector<16xi32>
    %sign3A_890 = arith.constant 0 : i32
    %sign3A_891 = arith.cmpi sgt, %jit3A_878, %sign3A_890 : i32
    %sign3A_892 = arith.extui %sign3A_891 : i1 to i32
    %sign3A_893 = arith.constant 0 : i32
    %sign3A_894 = arith.cmpi slt, %jit3A_878, %sign3A_893 : i32
    %sign3A_895 = arith.extui %sign3A_894 : i1 to i32
    %sign3A_896 = arith.subi %sign3A_892, %sign3A_895 : i32
    %ne3A_897 = vector.broadcast %sign3A_896 : i32 to vector<16xi32>
    %ne3A_898 = arith.cmpi ne, %sign3A_889, %ne3A_897 : vector<16xi32>
    %rem3A_899 = vector.broadcast %jit3A_878 : i32 to vector<16xi32>
    %rem3A_900 = arith.remsi %select_n3A_877, %rem3A_899 : vector<16xi32>
    %ne3A_901 = arith.constant 0 : i32
    %ne3A_902 = vector.broadcast %ne3A_901 : i32 to vector<16xi32>
    %ne3A_903 = arith.cmpi ne, %rem3A_900, %ne3A_902 : vector<16xi32>
    %and3A_904 = arith.andi %ne3A_898, %ne3A_903 : vector<16xi1>
    %sub3A_905 = arith.constant 1 : i32
    %sub3A_906 = vector.broadcast %sub3A_905 : i32 to vector<16xi32>
    %sub3A_907 = arith.subi %div3A_880, %sub3A_906 : vector<16xi32>
    %select_n3A_908 = arith.select %and3A_904, %sub3A_907, %div3A_880 : vector<16xi1>, vector<16xi32>
    %mul3A_909 = arith.constant 4096 : i32
    %mul3A_910 = vector.broadcast %mul3A_909 : i32 to vector<16xi32>
    %mul3A_911 = arith.muli %select_n3A_908, %mul3A_910 : vector<16xi32>
    %jit3A_912 = arith.constant 8 : i32
    %eq3A_913 = arith.constant 0 : i32
    %eq3A_914 = arith.cmpi eq, %jit3A_912, %eq3A_913 : i32
    %jit3A_915 = arith.constant 1 : i32
    %select_n3A_916 = arith.select %eq3A_914, %jit3A_915, %jit3A_912 : i32
    %rem3A_917 = vector.broadcast %select_n3A_916 : i32 to vector<16xi32>
    %rem3A_918 = arith.remsi %select_n3A_877, %rem3A_917 : vector<16xi32>
    %ne3A_919 = arith.constant 0 : i32
    %ne3A_920 = vector.broadcast %ne3A_919 : i32 to vector<16xi32>
    %ne3A_921 = arith.cmpi ne, %rem3A_918, %ne3A_920 : vector<16xi32>
    %lt3A_922 = arith.constant 0 : i32
    %lt3A_923 = vector.broadcast %lt3A_922 : i32 to vector<16xi32>
    %lt3A_924 = arith.cmpi slt, %rem3A_918, %lt3A_923 : vector<16xi32>
    %lt3A_925 = arith.constant 0 : i32
    %lt3A_926 = arith.cmpi slt, %select_n3A_916, %lt3A_925 : i32
    %ne3A_927 = vector.broadcast %lt3A_926 : i1 to vector<16xi1>
    %ne3A_928 = vector.broadcast %ne3A_927 : vector<16xi1> to vector<16xi1>
    %ne3A_929 = arith.xori %lt3A_924, %ne3A_928 : vector<16xi1>
    %and3A_930 = arith.andi %ne3A_929, %ne3A_921 : vector<16xi1>
    %add3A_931 = vector.broadcast %select_n3A_916 : i32 to vector<16xi32>
    %add3A_932 = arith.addi %rem3A_918, %add3A_931 : vector<16xi32>
    %select_n3A_933 = arith.select %and3A_930, %add3A_932, %rem3A_918 : vector<16xi1>, vector<16xi32>
    %mul3A_934 = arith.constant 128 : i32
    %mul3A_935 = vector.broadcast %mul3A_934 : i32 to vector<16xi32>
    %mul3A_936 = arith.muli %select_n3A_933, %mul3A_935 : vector<16xi32>
    %add3A_937 = arith.addi %mul3A_911, %mul3A_936 : vector<16xi32>
    %add3A_938 = arith.addi %add3A_937, %iota3A : vector<16xi32>
    %add3A_939 = arith.constant 11 : i32
    %add3A_940 = vector.broadcast %add3A_939 : i32 to vector<16xi32>
    %add3A_941 = arith.addi %iota3A, %add3A_940 : vector<16xi32>
    %jit3A_942 = arith.constant 16 : i32
    %eq3A_943 = arith.constant 0 : i32
    %eq3A_944 = arith.cmpi eq, %jit3A_942, %eq3A_943 : i32
    %jit3A_945 = arith.constant 1 : i32
    %select_n3A_946 = arith.select %eq3A_944, %jit3A_945, %jit3A_942 : i32
    %rem3A_947 = vector.broadcast %select_n3A_946 : i32 to vector<16xi32>
    %rem3A_948 = arith.remsi %add3A_941, %rem3A_947 : vector<16xi32>
    %ne3A_949 = arith.constant 0 : i32
    %ne3A_950 = vector.broadcast %ne3A_949 : i32 to vector<16xi32>
    %ne3A_951 = arith.cmpi ne, %rem3A_948, %ne3A_950 : vector<16xi32>
    %lt3A_952 = arith.constant 0 : i32
    %lt3A_953 = vector.broadcast %lt3A_952 : i32 to vector<16xi32>
    %lt3A_954 = arith.cmpi slt, %rem3A_948, %lt3A_953 : vector<16xi32>
    %lt3A_955 = arith.constant 0 : i32
    %lt3A_956 = arith.cmpi slt, %select_n3A_946, %lt3A_955 : i32
    %ne3A_957 = vector.broadcast %lt3A_956 : i1 to vector<16xi1>
    %ne3A_958 = vector.broadcast %ne3A_957 : vector<16xi1> to vector<16xi1>
    %ne3A_959 = arith.xori %lt3A_954, %ne3A_958 : vector<16xi1>
    %and3A_960 = arith.andi %ne3A_959, %ne3A_951 : vector<16xi1>
    %add3A_961 = vector.broadcast %select_n3A_946 : i32 to vector<16xi32>
    %add3A_962 = arith.addi %rem3A_948, %add3A_961 : vector<16xi32>
    %select_n3A_963 = arith.select %and3A_960, %add3A_962, %rem3A_948 : vector<16xi1>, vector<16xi32>
    %jit3A_964 = arith.constant 8 : i32
    %div3A_965 = vector.broadcast %jit3A_964 : i32 to vector<16xi32>
    %div3A_966 = arith.divsi %select_n3A_963, %div3A_965 : vector<16xi32>
    %sign3A_967 = arith.constant 0 : i32
    %sign3A_968 = vector.broadcast %sign3A_967 : i32 to vector<16xi32>
    %sign3A_969 = arith.cmpi sgt, %select_n3A_963, %sign3A_968 : vector<16xi32>
    %sign3A_970 = arith.extui %sign3A_969 : vector<16xi1> to vector<16xi32>
    %sign3A_971 = arith.constant 0 : i32
    %sign3A_972 = vector.broadcast %sign3A_971 : i32 to vector<16xi32>
    %sign3A_973 = arith.cmpi slt, %select_n3A_963, %sign3A_972 : vector<16xi32>
    %sign3A_974 = arith.extui %sign3A_973 : vector<16xi1> to vector<16xi32>
    %sign3A_975 = arith.subi %sign3A_970, %sign3A_974 : vector<16xi32>
    %sign3A_976 = arith.constant 0 : i32
    %sign3A_977 = arith.cmpi sgt, %jit3A_964, %sign3A_976 : i32
    %sign3A_978 = arith.extui %sign3A_977 : i1 to i32
    %sign3A_979 = arith.constant 0 : i32
    %sign3A_980 = arith.cmpi slt, %jit3A_964, %sign3A_979 : i32
    %sign3A_981 = arith.extui %sign3A_980 : i1 to i32
    %sign3A_982 = arith.subi %sign3A_978, %sign3A_981 : i32
    %ne3A_983 = vector.broadcast %sign3A_982 : i32 to vector<16xi32>
    %ne3A_984 = arith.cmpi ne, %sign3A_975, %ne3A_983 : vector<16xi32>
    %rem3A_985 = vector.broadcast %jit3A_964 : i32 to vector<16xi32>
    %rem3A_986 = arith.remsi %select_n3A_963, %rem3A_985 : vector<16xi32>
    %ne3A_987 = arith.constant 0 : i32
    %ne3A_988 = vector.broadcast %ne3A_987 : i32 to vector<16xi32>
    %ne3A_989 = arith.cmpi ne, %rem3A_986, %ne3A_988 : vector<16xi32>
    %and3A_990 = arith.andi %ne3A_984, %ne3A_989 : vector<16xi1>
    %sub3A_991 = arith.constant 1 : i32
    %sub3A_992 = vector.broadcast %sub3A_991 : i32 to vector<16xi32>
    %sub3A_993 = arith.subi %div3A_966, %sub3A_992 : vector<16xi32>
    %select_n3A_994 = arith.select %and3A_990, %sub3A_993, %div3A_966 : vector<16xi1>, vector<16xi32>
    %mul3A_995 = arith.constant 4096 : i32
    %mul3A_996 = vector.broadcast %mul3A_995 : i32 to vector<16xi32>
    %mul3A_997 = arith.muli %select_n3A_994, %mul3A_996 : vector<16xi32>
    %jit3A_998 = arith.constant 8 : i32
    %eq3A_999 = arith.constant 0 : i32
    %eq3A_1000 = arith.cmpi eq, %jit3A_998, %eq3A_999 : i32
    %jit3A_1001 = arith.constant 1 : i32
    %select_n3A_1002 = arith.select %eq3A_1000, %jit3A_1001, %jit3A_998 : i32
    %rem3A_1003 = vector.broadcast %select_n3A_1002 : i32 to vector<16xi32>
    %rem3A_1004 = arith.remsi %select_n3A_963, %rem3A_1003 : vector<16xi32>
    %ne3A_1005 = arith.constant 0 : i32
    %ne3A_1006 = vector.broadcast %ne3A_1005 : i32 to vector<16xi32>
    %ne3A_1007 = arith.cmpi ne, %rem3A_1004, %ne3A_1006 : vector<16xi32>
    %lt3A_1008 = arith.constant 0 : i32
    %lt3A_1009 = vector.broadcast %lt3A_1008 : i32 to vector<16xi32>
    %lt3A_1010 = arith.cmpi slt, %rem3A_1004, %lt3A_1009 : vector<16xi32>
    %lt3A_1011 = arith.constant 0 : i32
    %lt3A_1012 = arith.cmpi slt, %select_n3A_1002, %lt3A_1011 : i32
    %ne3A_1013 = vector.broadcast %lt3A_1012 : i1 to vector<16xi1>
    %ne3A_1014 = vector.broadcast %ne3A_1013 : vector<16xi1> to vector<16xi1>
    %ne3A_1015 = arith.xori %lt3A_1010, %ne3A_1014 : vector<16xi1>
    %and3A_1016 = arith.andi %ne3A_1015, %ne3A_1007 : vector<16xi1>
    %add3A_1017 = vector.broadcast %select_n3A_1002 : i32 to vector<16xi32>
    %add3A_1018 = arith.addi %rem3A_1004, %add3A_1017 : vector<16xi32>
    %select_n3A_1019 = arith.select %and3A_1016, %add3A_1018, %rem3A_1004 : vector<16xi1>, vector<16xi32>
    %mul3A_1020 = arith.constant 128 : i32
    %mul3A_1021 = vector.broadcast %mul3A_1020 : i32 to vector<16xi32>
    %mul3A_1022 = arith.muli %select_n3A_1019, %mul3A_1021 : vector<16xi32>
    %add3A_1023 = arith.addi %mul3A_997, %mul3A_1022 : vector<16xi32>
    %add3A_1024 = arith.addi %add3A_1023, %iota3A : vector<16xi32>
    %add3A_1025 = arith.constant 12 : i32
    %add3A_1026 = vector.broadcast %add3A_1025 : i32 to vector<16xi32>
    %add3A_1027 = arith.addi %iota3A, %add3A_1026 : vector<16xi32>
    %jit3A_1028 = arith.constant 16 : i32
    %eq3A_1029 = arith.constant 0 : i32
    %eq3A_1030 = arith.cmpi eq, %jit3A_1028, %eq3A_1029 : i32
    %jit3A_1031 = arith.constant 1 : i32
    %select_n3A_1032 = arith.select %eq3A_1030, %jit3A_1031, %jit3A_1028 : i32
    %rem3A_1033 = vector.broadcast %select_n3A_1032 : i32 to vector<16xi32>
    %rem3A_1034 = arith.remsi %add3A_1027, %rem3A_1033 : vector<16xi32>
    %ne3A_1035 = arith.constant 0 : i32
    %ne3A_1036 = vector.broadcast %ne3A_1035 : i32 to vector<16xi32>
    %ne3A_1037 = arith.cmpi ne, %rem3A_1034, %ne3A_1036 : vector<16xi32>
    %lt3A_1038 = arith.constant 0 : i32
    %lt3A_1039 = vector.broadcast %lt3A_1038 : i32 to vector<16xi32>
    %lt3A_1040 = arith.cmpi slt, %rem3A_1034, %lt3A_1039 : vector<16xi32>
    %lt3A_1041 = arith.constant 0 : i32
    %lt3A_1042 = arith.cmpi slt, %select_n3A_1032, %lt3A_1041 : i32
    %ne3A_1043 = vector.broadcast %lt3A_1042 : i1 to vector<16xi1>
    %ne3A_1044 = vector.broadcast %ne3A_1043 : vector<16xi1> to vector<16xi1>
    %ne3A_1045 = arith.xori %lt3A_1040, %ne3A_1044 : vector<16xi1>
    %and3A_1046 = arith.andi %ne3A_1045, %ne3A_1037 : vector<16xi1>
    %add3A_1047 = vector.broadcast %select_n3A_1032 : i32 to vector<16xi32>
    %add3A_1048 = arith.addi %rem3A_1034, %add3A_1047 : vector<16xi32>
    %select_n3A_1049 = arith.select %and3A_1046, %add3A_1048, %rem3A_1034 : vector<16xi1>, vector<16xi32>
    %jit3A_1050 = arith.constant 8 : i32
    %div3A_1051 = vector.broadcast %jit3A_1050 : i32 to vector<16xi32>
    %div3A_1052 = arith.divsi %select_n3A_1049, %div3A_1051 : vector<16xi32>
    %sign3A_1053 = arith.constant 0 : i32
    %sign3A_1054 = vector.broadcast %sign3A_1053 : i32 to vector<16xi32>
    %sign3A_1055 = arith.cmpi sgt, %select_n3A_1049, %sign3A_1054 : vector<16xi32>
    %sign3A_1056 = arith.extui %sign3A_1055 : vector<16xi1> to vector<16xi32>
    %sign3A_1057 = arith.constant 0 : i32
    %sign3A_1058 = vector.broadcast %sign3A_1057 : i32 to vector<16xi32>
    %sign3A_1059 = arith.cmpi slt, %select_n3A_1049, %sign3A_1058 : vector<16xi32>
    %sign3A_1060 = arith.extui %sign3A_1059 : vector<16xi1> to vector<16xi32>
    %sign3A_1061 = arith.subi %sign3A_1056, %sign3A_1060 : vector<16xi32>
    %sign3A_1062 = arith.constant 0 : i32
    %sign3A_1063 = arith.cmpi sgt, %jit3A_1050, %sign3A_1062 : i32
    %sign3A_1064 = arith.extui %sign3A_1063 : i1 to i32
    %sign3A_1065 = arith.constant 0 : i32
    %sign3A_1066 = arith.cmpi slt, %jit3A_1050, %sign3A_1065 : i32
    %sign3A_1067 = arith.extui %sign3A_1066 : i1 to i32
    %sign3A_1068 = arith.subi %sign3A_1064, %sign3A_1067 : i32
    %ne3A_1069 = vector.broadcast %sign3A_1068 : i32 to vector<16xi32>
    %ne3A_1070 = arith.cmpi ne, %sign3A_1061, %ne3A_1069 : vector<16xi32>
    %rem3A_1071 = vector.broadcast %jit3A_1050 : i32 to vector<16xi32>
    %rem3A_1072 = arith.remsi %select_n3A_1049, %rem3A_1071 : vector<16xi32>
    %ne3A_1073 = arith.constant 0 : i32
    %ne3A_1074 = vector.broadcast %ne3A_1073 : i32 to vector<16xi32>
    %ne3A_1075 = arith.cmpi ne, %rem3A_1072, %ne3A_1074 : vector<16xi32>
    %and3A_1076 = arith.andi %ne3A_1070, %ne3A_1075 : vector<16xi1>
    %sub3A_1077 = arith.constant 1 : i32
    %sub3A_1078 = vector.broadcast %sub3A_1077 : i32 to vector<16xi32>
    %sub3A_1079 = arith.subi %div3A_1052, %sub3A_1078 : vector<16xi32>
    %select_n3A_1080 = arith.select %and3A_1076, %sub3A_1079, %div3A_1052 : vector<16xi1>, vector<16xi32>
    %mul3A_1081 = arith.constant 4096 : i32
    %mul3A_1082 = vector.broadcast %mul3A_1081 : i32 to vector<16xi32>
    %mul3A_1083 = arith.muli %select_n3A_1080, %mul3A_1082 : vector<16xi32>
    %jit3A_1084 = arith.constant 8 : i32
    %eq3A_1085 = arith.constant 0 : i32
    %eq3A_1086 = arith.cmpi eq, %jit3A_1084, %eq3A_1085 : i32
    %jit3A_1087 = arith.constant 1 : i32
    %select_n3A_1088 = arith.select %eq3A_1086, %jit3A_1087, %jit3A_1084 : i32
    %rem3A_1089 = vector.broadcast %select_n3A_1088 : i32 to vector<16xi32>
    %rem3A_1090 = arith.remsi %select_n3A_1049, %rem3A_1089 : vector<16xi32>
    %ne3A_1091 = arith.constant 0 : i32
    %ne3A_1092 = vector.broadcast %ne3A_1091 : i32 to vector<16xi32>
    %ne3A_1093 = arith.cmpi ne, %rem3A_1090, %ne3A_1092 : vector<16xi32>
    %lt3A_1094 = arith.constant 0 : i32
    %lt3A_1095 = vector.broadcast %lt3A_1094 : i32 to vector<16xi32>
    %lt3A_1096 = arith.cmpi slt, %rem3A_1090, %lt3A_1095 : vector<16xi32>
    %lt3A_1097 = arith.constant 0 : i32
    %lt3A_1098 = arith.cmpi slt, %select_n3A_1088, %lt3A_1097 : i32
    %ne3A_1099 = vector.broadcast %lt3A_1098 : i1 to vector<16xi1>
    %ne3A_1100 = vector.broadcast %ne3A_1099 : vector<16xi1> to vector<16xi1>
    %ne3A_1101 = arith.xori %lt3A_1096, %ne3A_1100 : vector<16xi1>
    %and3A_1102 = arith.andi %ne3A_1101, %ne3A_1093 : vector<16xi1>
    %add3A_1103 = vector.broadcast %select_n3A_1088 : i32 to vector<16xi32>
    %add3A_1104 = arith.addi %rem3A_1090, %add3A_1103 : vector<16xi32>
    %select_n3A_1105 = arith.select %and3A_1102, %add3A_1104, %rem3A_1090 : vector<16xi1>, vector<16xi32>
    %mul3A_1106 = arith.constant 128 : i32
    %mul3A_1107 = vector.broadcast %mul3A_1106 : i32 to vector<16xi32>
    %mul3A_1108 = arith.muli %select_n3A_1105, %mul3A_1107 : vector<16xi32>
    %add3A_1109 = arith.addi %mul3A_1083, %mul3A_1108 : vector<16xi32>
    %add3A_1110 = arith.addi %add3A_1109, %iota3A : vector<16xi32>
    %add3A_1111 = arith.constant 13 : i32
    %add3A_1112 = vector.broadcast %add3A_1111 : i32 to vector<16xi32>
    %add3A_1113 = arith.addi %iota3A, %add3A_1112 : vector<16xi32>
    %jit3A_1114 = arith.constant 16 : i32
    %eq3A_1115 = arith.constant 0 : i32
    %eq3A_1116 = arith.cmpi eq, %jit3A_1114, %eq3A_1115 : i32
    %jit3A_1117 = arith.constant 1 : i32
    %select_n3A_1118 = arith.select %eq3A_1116, %jit3A_1117, %jit3A_1114 : i32
    %rem3A_1119 = vector.broadcast %select_n3A_1118 : i32 to vector<16xi32>
    %rem3A_1120 = arith.remsi %add3A_1113, %rem3A_1119 : vector<16xi32>
    %ne3A_1121 = arith.constant 0 : i32
    %ne3A_1122 = vector.broadcast %ne3A_1121 : i32 to vector<16xi32>
    %ne3A_1123 = arith.cmpi ne, %rem3A_1120, %ne3A_1122 : vector<16xi32>
    %lt3A_1124 = arith.constant 0 : i32
    %lt3A_1125 = vector.broadcast %lt3A_1124 : i32 to vector<16xi32>
    %lt3A_1126 = arith.cmpi slt, %rem3A_1120, %lt3A_1125 : vector<16xi32>
    %lt3A_1127 = arith.constant 0 : i32
    %lt3A_1128 = arith.cmpi slt, %select_n3A_1118, %lt3A_1127 : i32
    %ne3A_1129 = vector.broadcast %lt3A_1128 : i1 to vector<16xi1>
    %ne3A_1130 = vector.broadcast %ne3A_1129 : vector<16xi1> to vector<16xi1>
    %ne3A_1131 = arith.xori %lt3A_1126, %ne3A_1130 : vector<16xi1>
    %and3A_1132 = arith.andi %ne3A_1131, %ne3A_1123 : vector<16xi1>
    %add3A_1133 = vector.broadcast %select_n3A_1118 : i32 to vector<16xi32>
    %add3A_1134 = arith.addi %rem3A_1120, %add3A_1133 : vector<16xi32>
    %select_n3A_1135 = arith.select %and3A_1132, %add3A_1134, %rem3A_1120 : vector<16xi1>, vector<16xi32>
    %jit3A_1136 = arith.constant 8 : i32
    %div3A_1137 = vector.broadcast %jit3A_1136 : i32 to vector<16xi32>
    %div3A_1138 = arith.divsi %select_n3A_1135, %div3A_1137 : vector<16xi32>
    %sign3A_1139 = arith.constant 0 : i32
    %sign3A_1140 = vector.broadcast %sign3A_1139 : i32 to vector<16xi32>
    %sign3A_1141 = arith.cmpi sgt, %select_n3A_1135, %sign3A_1140 : vector<16xi32>
    %sign3A_1142 = arith.extui %sign3A_1141 : vector<16xi1> to vector<16xi32>
    %sign3A_1143 = arith.constant 0 : i32
    %sign3A_1144 = vector.broadcast %sign3A_1143 : i32 to vector<16xi32>
    %sign3A_1145 = arith.cmpi slt, %select_n3A_1135, %sign3A_1144 : vector<16xi32>
    %sign3A_1146 = arith.extui %sign3A_1145 : vector<16xi1> to vector<16xi32>
    %sign3A_1147 = arith.subi %sign3A_1142, %sign3A_1146 : vector<16xi32>
    %sign3A_1148 = arith.constant 0 : i32
    %sign3A_1149 = arith.cmpi sgt, %jit3A_1136, %sign3A_1148 : i32
    %sign3A_1150 = arith.extui %sign3A_1149 : i1 to i32
    %sign3A_1151 = arith.constant 0 : i32
    %sign3A_1152 = arith.cmpi slt, %jit3A_1136, %sign3A_1151 : i32
    %sign3A_1153 = arith.extui %sign3A_1152 : i1 to i32
    %sign3A_1154 = arith.subi %sign3A_1150, %sign3A_1153 : i32
    %ne3A_1155 = vector.broadcast %sign3A_1154 : i32 to vector<16xi32>
    %ne3A_1156 = arith.cmpi ne, %sign3A_1147, %ne3A_1155 : vector<16xi32>
    %rem3A_1157 = vector.broadcast %jit3A_1136 : i32 to vector<16xi32>
    %rem3A_1158 = arith.remsi %select_n3A_1135, %rem3A_1157 : vector<16xi32>
    %ne3A_1159 = arith.constant 0 : i32
    %ne3A_1160 = vector.broadcast %ne3A_1159 : i32 to vector<16xi32>
    %ne3A_1161 = arith.cmpi ne, %rem3A_1158, %ne3A_1160 : vector<16xi32>
    %and3A_1162 = arith.andi %ne3A_1156, %ne3A_1161 : vector<16xi1>
    %sub3A_1163 = arith.constant 1 : i32
    %sub3A_1164 = vector.broadcast %sub3A_1163 : i32 to vector<16xi32>
    %sub3A_1165 = arith.subi %div3A_1138, %sub3A_1164 : vector<16xi32>
    %select_n3A_1166 = arith.select %and3A_1162, %sub3A_1165, %div3A_1138 : vector<16xi1>, vector<16xi32>
    %mul3A_1167 = arith.constant 4096 : i32
    %mul3A_1168 = vector.broadcast %mul3A_1167 : i32 to vector<16xi32>
    %mul3A_1169 = arith.muli %select_n3A_1166, %mul3A_1168 : vector<16xi32>
    %jit3A_1170 = arith.constant 8 : i32
    %eq3A_1171 = arith.constant 0 : i32
    %eq3A_1172 = arith.cmpi eq, %jit3A_1170, %eq3A_1171 : i32
    %jit3A_1173 = arith.constant 1 : i32
    %select_n3A_1174 = arith.select %eq3A_1172, %jit3A_1173, %jit3A_1170 : i32
    %rem3A_1175 = vector.broadcast %select_n3A_1174 : i32 to vector<16xi32>
    %rem3A_1176 = arith.remsi %select_n3A_1135, %rem3A_1175 : vector<16xi32>
    %ne3A_1177 = arith.constant 0 : i32
    %ne3A_1178 = vector.broadcast %ne3A_1177 : i32 to vector<16xi32>
    %ne3A_1179 = arith.cmpi ne, %rem3A_1176, %ne3A_1178 : vector<16xi32>
    %lt3A_1180 = arith.constant 0 : i32
    %lt3A_1181 = vector.broadcast %lt3A_1180 : i32 to vector<16xi32>
    %lt3A_1182 = arith.cmpi slt, %rem3A_1176, %lt3A_1181 : vector<16xi32>
    %lt3A_1183 = arith.constant 0 : i32
    %lt3A_1184 = arith.cmpi slt, %select_n3A_1174, %lt3A_1183 : i32
    %ne3A_1185 = vector.broadcast %lt3A_1184 : i1 to vector<16xi1>
    %ne3A_1186 = vector.broadcast %ne3A_1185 : vector<16xi1> to vector<16xi1>
    %ne3A_1187 = arith.xori %lt3A_1182, %ne3A_1186 : vector<16xi1>
    %and3A_1188 = arith.andi %ne3A_1187, %ne3A_1179 : vector<16xi1>
    %add3A_1189 = vector.broadcast %select_n3A_1174 : i32 to vector<16xi32>
    %add3A_1190 = arith.addi %rem3A_1176, %add3A_1189 : vector<16xi32>
    %select_n3A_1191 = arith.select %and3A_1188, %add3A_1190, %rem3A_1176 : vector<16xi1>, vector<16xi32>
    %mul3A_1192 = arith.constant 128 : i32
    %mul3A_1193 = vector.broadcast %mul3A_1192 : i32 to vector<16xi32>
    %mul3A_1194 = arith.muli %select_n3A_1191, %mul3A_1193 : vector<16xi32>
    %add3A_1195 = arith.addi %mul3A_1169, %mul3A_1194 : vector<16xi32>
    %add3A_1196 = arith.addi %add3A_1195, %iota3A : vector<16xi32>
    %add3A_1197 = arith.constant 14 : i32
    %add3A_1198 = vector.broadcast %add3A_1197 : i32 to vector<16xi32>
    %add3A_1199 = arith.addi %iota3A, %add3A_1198 : vector<16xi32>
    %jit3A_1200 = arith.constant 16 : i32
    %eq3A_1201 = arith.constant 0 : i32
    %eq3A_1202 = arith.cmpi eq, %jit3A_1200, %eq3A_1201 : i32
    %jit3A_1203 = arith.constant 1 : i32
    %select_n3A_1204 = arith.select %eq3A_1202, %jit3A_1203, %jit3A_1200 : i32
    %rem3A_1205 = vector.broadcast %select_n3A_1204 : i32 to vector<16xi32>
    %rem3A_1206 = arith.remsi %add3A_1199, %rem3A_1205 : vector<16xi32>
    %ne3A_1207 = arith.constant 0 : i32
    %ne3A_1208 = vector.broadcast %ne3A_1207 : i32 to vector<16xi32>
    %ne3A_1209 = arith.cmpi ne, %rem3A_1206, %ne3A_1208 : vector<16xi32>
    %lt3A_1210 = arith.constant 0 : i32
    %lt3A_1211 = vector.broadcast %lt3A_1210 : i32 to vector<16xi32>
    %lt3A_1212 = arith.cmpi slt, %rem3A_1206, %lt3A_1211 : vector<16xi32>
    %lt3A_1213 = arith.constant 0 : i32
    %lt3A_1214 = arith.cmpi slt, %select_n3A_1204, %lt3A_1213 : i32
    %ne3A_1215 = vector.broadcast %lt3A_1214 : i1 to vector<16xi1>
    %ne3A_1216 = vector.broadcast %ne3A_1215 : vector<16xi1> to vector<16xi1>
    %ne3A_1217 = arith.xori %lt3A_1212, %ne3A_1216 : vector<16xi1>
    %and3A_1218 = arith.andi %ne3A_1217, %ne3A_1209 : vector<16xi1>
    %add3A_1219 = vector.broadcast %select_n3A_1204 : i32 to vector<16xi32>
    %add3A_1220 = arith.addi %rem3A_1206, %add3A_1219 : vector<16xi32>
    %select_n3A_1221 = arith.select %and3A_1218, %add3A_1220, %rem3A_1206 : vector<16xi1>, vector<16xi32>
    %jit3A_1222 = arith.constant 8 : i32
    %div3A_1223 = vector.broadcast %jit3A_1222 : i32 to vector<16xi32>
    %div3A_1224 = arith.divsi %select_n3A_1221, %div3A_1223 : vector<16xi32>
    %sign3A_1225 = arith.constant 0 : i32
    %sign3A_1226 = vector.broadcast %sign3A_1225 : i32 to vector<16xi32>
    %sign3A_1227 = arith.cmpi sgt, %select_n3A_1221, %sign3A_1226 : vector<16xi32>
    %sign3A_1228 = arith.extui %sign3A_1227 : vector<16xi1> to vector<16xi32>
    %sign3A_1229 = arith.constant 0 : i32
    %sign3A_1230 = vector.broadcast %sign3A_1229 : i32 to vector<16xi32>
    %sign3A_1231 = arith.cmpi slt, %select_n3A_1221, %sign3A_1230 : vector<16xi32>
    %sign3A_1232 = arith.extui %sign3A_1231 : vector<16xi1> to vector<16xi32>
    %sign3A_1233 = arith.subi %sign3A_1228, %sign3A_1232 : vector<16xi32>
    %sign3A_1234 = arith.constant 0 : i32
    %sign3A_1235 = arith.cmpi sgt, %jit3A_1222, %sign3A_1234 : i32
    %sign3A_1236 = arith.extui %sign3A_1235 : i1 to i32
    %sign3A_1237 = arith.constant 0 : i32
    %sign3A_1238 = arith.cmpi slt, %jit3A_1222, %sign3A_1237 : i32
    %sign3A_1239 = arith.extui %sign3A_1238 : i1 to i32
    %sign3A_1240 = arith.subi %sign3A_1236, %sign3A_1239 : i32
    %ne3A_1241 = vector.broadcast %sign3A_1240 : i32 to vector<16xi32>
    %ne3A_1242 = arith.cmpi ne, %sign3A_1233, %ne3A_1241 : vector<16xi32>
    %rem3A_1243 = vector.broadcast %jit3A_1222 : i32 to vector<16xi32>
    %rem3A_1244 = arith.remsi %select_n3A_1221, %rem3A_1243 : vector<16xi32>
    %ne3A_1245 = arith.constant 0 : i32
    %ne3A_1246 = vector.broadcast %ne3A_1245 : i32 to vector<16xi32>
    %ne3A_1247 = arith.cmpi ne, %rem3A_1244, %ne3A_1246 : vector<16xi32>
    %and3A_1248 = arith.andi %ne3A_1242, %ne3A_1247 : vector<16xi1>
    %sub3A_1249 = arith.constant 1 : i32
    %sub3A_1250 = vector.broadcast %sub3A_1249 : i32 to vector<16xi32>
    %sub3A_1251 = arith.subi %div3A_1224, %sub3A_1250 : vector<16xi32>
    %select_n3A_1252 = arith.select %and3A_1248, %sub3A_1251, %div3A_1224 : vector<16xi1>, vector<16xi32>
    %mul3A_1253 = arith.constant 4096 : i32
    %mul3A_1254 = vector.broadcast %mul3A_1253 : i32 to vector<16xi32>
    %mul3A_1255 = arith.muli %select_n3A_1252, %mul3A_1254 : vector<16xi32>
    %jit3A_1256 = arith.constant 8 : i32
    %eq3A_1257 = arith.constant 0 : i32
    %eq3A_1258 = arith.cmpi eq, %jit3A_1256, %eq3A_1257 : i32
    %jit3A_1259 = arith.constant 1 : i32
    %select_n3A_1260 = arith.select %eq3A_1258, %jit3A_1259, %jit3A_1256 : i32
    %rem3A_1261 = vector.broadcast %select_n3A_1260 : i32 to vector<16xi32>
    %rem3A_1262 = arith.remsi %select_n3A_1221, %rem3A_1261 : vector<16xi32>
    %ne3A_1263 = arith.constant 0 : i32
    %ne3A_1264 = vector.broadcast %ne3A_1263 : i32 to vector<16xi32>
    %ne3A_1265 = arith.cmpi ne, %rem3A_1262, %ne3A_1264 : vector<16xi32>
    %lt3A_1266 = arith.constant 0 : i32
    %lt3A_1267 = vector.broadcast %lt3A_1266 : i32 to vector<16xi32>
    %lt3A_1268 = arith.cmpi slt, %rem3A_1262, %lt3A_1267 : vector<16xi32>
    %lt3A_1269 = arith.constant 0 : i32
    %lt3A_1270 = arith.cmpi slt, %select_n3A_1260, %lt3A_1269 : i32
    %ne3A_1271 = vector.broadcast %lt3A_1270 : i1 to vector<16xi1>
    %ne3A_1272 = vector.broadcast %ne3A_1271 : vector<16xi1> to vector<16xi1>
    %ne3A_1273 = arith.xori %lt3A_1268, %ne3A_1272 : vector<16xi1>
    %and3A_1274 = arith.andi %ne3A_1273, %ne3A_1265 : vector<16xi1>
    %add3A_1275 = vector.broadcast %select_n3A_1260 : i32 to vector<16xi32>
    %add3A_1276 = arith.addi %rem3A_1262, %add3A_1275 : vector<16xi32>
    %select_n3A_1277 = arith.select %and3A_1274, %add3A_1276, %rem3A_1262 : vector<16xi1>, vector<16xi32>
    %mul3A_1278 = arith.constant 128 : i32
    %mul3A_1279 = vector.broadcast %mul3A_1278 : i32 to vector<16xi32>
    %mul3A_1280 = arith.muli %select_n3A_1277, %mul3A_1279 : vector<16xi32>
    %add3A_1281 = arith.addi %mul3A_1255, %mul3A_1280 : vector<16xi32>
    %add3A_1282 = arith.addi %add3A_1281, %iota3A : vector<16xi32>
    %add3A_1283 = arith.constant 15 : i32
    %add3A_1284 = vector.broadcast %add3A_1283 : i32 to vector<16xi32>
    %add3A_1285 = arith.addi %iota3A, %add3A_1284 : vector<16xi32>
    %jit3A_1286 = arith.constant 16 : i32
    %eq3A_1287 = arith.constant 0 : i32
    %eq3A_1288 = arith.cmpi eq, %jit3A_1286, %eq3A_1287 : i32
    %jit3A_1289 = arith.constant 1 : i32
    %select_n3A_1290 = arith.select %eq3A_1288, %jit3A_1289, %jit3A_1286 : i32
    %rem3A_1291 = vector.broadcast %select_n3A_1290 : i32 to vector<16xi32>
    %rem3A_1292 = arith.remsi %add3A_1285, %rem3A_1291 : vector<16xi32>
    %ne3A_1293 = arith.constant 0 : i32
    %ne3A_1294 = vector.broadcast %ne3A_1293 : i32 to vector<16xi32>
    %ne3A_1295 = arith.cmpi ne, %rem3A_1292, %ne3A_1294 : vector<16xi32>
    %lt3A_1296 = arith.constant 0 : i32
    %lt3A_1297 = vector.broadcast %lt3A_1296 : i32 to vector<16xi32>
    %lt3A_1298 = arith.cmpi slt, %rem3A_1292, %lt3A_1297 : vector<16xi32>
    %lt3A_1299 = arith.constant 0 : i32
    %lt3A_1300 = arith.cmpi slt, %select_n3A_1290, %lt3A_1299 : i32
    %ne3A_1301 = vector.broadcast %lt3A_1300 : i1 to vector<16xi1>
    %ne3A_1302 = vector.broadcast %ne3A_1301 : vector<16xi1> to vector<16xi1>
    %ne3A_1303 = arith.xori %lt3A_1298, %ne3A_1302 : vector<16xi1>
    %and3A_1304 = arith.andi %ne3A_1303, %ne3A_1295 : vector<16xi1>
    %add3A_1305 = vector.broadcast %select_n3A_1290 : i32 to vector<16xi32>
    %add3A_1306 = arith.addi %rem3A_1292, %add3A_1305 : vector<16xi32>
    %select_n3A_1307 = arith.select %and3A_1304, %add3A_1306, %rem3A_1292 : vector<16xi1>, vector<16xi32>
    %jit3A_1308 = arith.constant 8 : i32
    %div3A_1309 = vector.broadcast %jit3A_1308 : i32 to vector<16xi32>
    %div3A_1310 = arith.divsi %select_n3A_1307, %div3A_1309 : vector<16xi32>
    %sign3A_1311 = arith.constant 0 : i32
    %sign3A_1312 = vector.broadcast %sign3A_1311 : i32 to vector<16xi32>
    %sign3A_1313 = arith.cmpi sgt, %select_n3A_1307, %sign3A_1312 : vector<16xi32>
    %sign3A_1314 = arith.extui %sign3A_1313 : vector<16xi1> to vector<16xi32>
    %sign3A_1315 = arith.constant 0 : i32
    %sign3A_1316 = vector.broadcast %sign3A_1315 : i32 to vector<16xi32>
    %sign3A_1317 = arith.cmpi slt, %select_n3A_1307, %sign3A_1316 : vector<16xi32>
    %sign3A_1318 = arith.extui %sign3A_1317 : vector<16xi1> to vector<16xi32>
    %sign3A_1319 = arith.subi %sign3A_1314, %sign3A_1318 : vector<16xi32>
    %sign3A_1320 = arith.constant 0 : i32
    %sign3A_1321 = arith.cmpi sgt, %jit3A_1308, %sign3A_1320 : i32
    %sign3A_1322 = arith.extui %sign3A_1321 : i1 to i32
    %sign3A_1323 = arith.constant 0 : i32
    %sign3A_1324 = arith.cmpi slt, %jit3A_1308, %sign3A_1323 : i32
    %sign3A_1325 = arith.extui %sign3A_1324 : i1 to i32
    %sign3A_1326 = arith.subi %sign3A_1322, %sign3A_1325 : i32
    %ne3A_1327 = vector.broadcast %sign3A_1326 : i32 to vector<16xi32>
    %ne3A_1328 = arith.cmpi ne, %sign3A_1319, %ne3A_1327 : vector<16xi32>
    %rem3A_1329 = vector.broadcast %jit3A_1308 : i32 to vector<16xi32>
    %rem3A_1330 = arith.remsi %select_n3A_1307, %rem3A_1329 : vector<16xi32>
    %ne3A_1331 = arith.constant 0 : i32
    %ne3A_1332 = vector.broadcast %ne3A_1331 : i32 to vector<16xi32>
    %ne3A_1333 = arith.cmpi ne, %rem3A_1330, %ne3A_1332 : vector<16xi32>
    %and3A_1334 = arith.andi %ne3A_1328, %ne3A_1333 : vector<16xi1>
    %sub3A_1335 = arith.constant 1 : i32
    %sub3A_1336 = vector.broadcast %sub3A_1335 : i32 to vector<16xi32>
    %sub3A_1337 = arith.subi %div3A_1310, %sub3A_1336 : vector<16xi32>
    %select_n3A_1338 = arith.select %and3A_1334, %sub3A_1337, %div3A_1310 : vector<16xi1>, vector<16xi32>
    %mul3A_1339 = arith.constant 4096 : i32
    %mul3A_1340 = vector.broadcast %mul3A_1339 : i32 to vector<16xi32>
    %mul3A_1341 = arith.muli %select_n3A_1338, %mul3A_1340 : vector<16xi32>
    %jit3A_1342 = arith.constant 8 : i32
    %eq3A_1343 = arith.constant 0 : i32
    %eq3A_1344 = arith.cmpi eq, %jit3A_1342, %eq3A_1343 : i32
    %jit3A_1345 = arith.constant 1 : i32
    %select_n3A_1346 = arith.select %eq3A_1344, %jit3A_1345, %jit3A_1342 : i32
    %rem3A_1347 = vector.broadcast %select_n3A_1346 : i32 to vector<16xi32>
    %rem3A_1348 = arith.remsi %select_n3A_1307, %rem3A_1347 : vector<16xi32>
    %ne3A_1349 = arith.constant 0 : i32
    %ne3A_1350 = vector.broadcast %ne3A_1349 : i32 to vector<16xi32>
    %ne3A_1351 = arith.cmpi ne, %rem3A_1348, %ne3A_1350 : vector<16xi32>
    %lt3A_1352 = arith.constant 0 : i32
    %lt3A_1353 = vector.broadcast %lt3A_1352 : i32 to vector<16xi32>
    %lt3A_1354 = arith.cmpi slt, %rem3A_1348, %lt3A_1353 : vector<16xi32>
    %lt3A_1355 = arith.constant 0 : i32
    %lt3A_1356 = arith.cmpi slt, %select_n3A_1346, %lt3A_1355 : i32
    %ne3A_1357 = vector.broadcast %lt3A_1356 : i1 to vector<16xi1>
    %ne3A_1358 = vector.broadcast %ne3A_1357 : vector<16xi1> to vector<16xi1>
    %ne3A_1359 = arith.xori %lt3A_1354, %ne3A_1358 : vector<16xi1>
    %and3A_1360 = arith.andi %ne3A_1359, %ne3A_1351 : vector<16xi1>
    %add3A_1361 = vector.broadcast %select_n3A_1346 : i32 to vector<16xi32>
    %add3A_1362 = arith.addi %rem3A_1348, %add3A_1361 : vector<16xi32>
    %select_n3A_1363 = arith.select %and3A_1360, %add3A_1362, %rem3A_1348 : vector<16xi1>, vector<16xi32>
    %mul3A_1364 = arith.constant 128 : i32
    %mul3A_1365 = vector.broadcast %mul3A_1364 : i32 to vector<16xi32>
    %mul3A_1366 = arith.muli %select_n3A_1363, %mul3A_1365 : vector<16xi32>
    %add3A_1367 = arith.addi %mul3A_1341, %mul3A_1366 : vector<16xi32>
    %add3A_1368 = arith.addi %add3A_1367, %iota3A : vector<16xi32>
    %dma_start3A = arith.constant 0 : i32
    %dma_start3A_1369 = tpu.memref_slice %arg2[%dma_start3A, %mul3A_2] : memref<50x16384xi32, #tpu.memory_space<hbm>> -> memref<50x512xi32, #tpu.memory_space<hbm>>
    %dma_start3A_1370 = arith.constant 0 : i32
    %dma_start3A_1371 = tpu.memref_slice %arg2[%dma_start3A_1370, %mul3A_2] : memref<50x16384xi32, #tpu.memory_space<hbm>> -> memref<50x512xi32, #tpu.memory_space<hbm>>
    tpu.enqueue_dma source(%dma_start3A_1371 : memref<50x512xi32, #tpu.memory_space<hbm>>) target(%arg5 : memref<50x512xi32, #tpu.memory_space<vmem>>) target_semaphore(%arg10 : memref<!tpu.dma_semaphore, #tpu.memory_space<semaphore_mem>>)
    %dma_wait3A = arith.constant 0 : i32
    %dma_wait3A_1372 = tpu.memref_slice %arg2[%dma_wait3A, %mul3A_2] : memref<50x16384xi32, #tpu.memory_space<hbm>> -> memref<50x512xi32, #tpu.memory_space<hbm>>
    %dma_wait3A_1373 = arith.constant 0 : i32
    %dma_wait3A_1374 = tpu.memref_slice %arg2[%dma_wait3A_1373, %mul3A_2] : memref<50x16384xi32, #tpu.memory_space<hbm>> -> memref<50x512xi32, #tpu.memory_space<hbm>>
    tpu.wait_dma2 semaphore(%arg10 : memref<!tpu.dma_semaphore, #tpu.memory_space<semaphore_mem>>) src(%dma_wait3A_1374 : memref<50x512xi32, #tpu.memory_space<hbm>>) dst(%arg5 : memref<50x512xi32, #tpu.memory_space<vmem>>)
    %dma_start3A_1375 = arith.constant 0 : i32
    %dma_start3A_1376 = arith.constant 0 : i32
    %dma_start3A_1377 = tpu.memref_slice %arg5[%dma_start3A_1375, %dma_start3A_1376] : memref<50x512xi32, #tpu.memory_space<vmem>> -> memref<1x512xi32, #tpu.memory_space<vmem>>
    %dma_start3A_1378 = tpu.memref_squeeze %dma_start3A_1377 : memref<1x512xi32, #tpu.memory_space<vmem>> -> memref<512xi32, #tpu.memory_space<vmem>>
    %dma_start3A_1379 = arith.constant 0 : i32
    %dma_start3A_1380 = arith.constant 0 : i32
    %dma_start3A_1381 = tpu.memref_slice %arg3[%dma_start3A_1379, %dma_start3A_1380] : memref<1000000x32xf32, #tpu.memory_space<hbm>> -> memref<1000000x32xf32, #tpu.memory_space<hbm>>
    tpu.enqueue_indirect_dma source(%dma_start3A_1381 : memref<1000000x32xf32, #tpu.memory_space<hbm>>) target(%arg6 : memref<512x32xf32, #tpu.memory_space<vmem>>) offsets(%dma_start3A_1378 : memref<512xi32, #tpu.memory_space<vmem>>) semaphore(%arg11 : memref<!tpu.dma_semaphore, #tpu.memory_space<semaphore_mem>>)
    %scan3A = arith.constant 0 : i32
    %scan3A_1382 = arith.constant 25 : i32
    %scan3A_1383 = arith.addi %scan3A, %scan3A_1382 : i32
    %scan3A_1384 = arith.constant 1 : i32
    scf.for %scan3A_1394 = %scan3A to %scan3A_1383 step %scan3A_1384  : i32 {
      %mul3A_1395 = arith.constant 2 : i32
      %mul3A_1396 = arith.muli %scan3A_1394, %mul3A_1395 : i32
      %add3A_1397 = arith.constant 0 : i32
      %add3A_1398 = arith.addi %add3A_1397, %mul3A_1396 : i32
      %add3A_1399 = arith.constant 0 : i32
      %add3A_1400 = arith.addi %add3A_1398, %add3A_1399 : i32
      %ge3A = arith.constant 2 : i32
      %ge3A_1401 = arith.cmpi sge, %add3A_1400, %ge3A : i32
      %convert_element_type3A = arith.extui %ge3A_1401 : i1 to i32
      %cond3A = arith.constant 0 : i32
      %cond3A_1402 = arith.cmpi ne, %convert_element_type3A, %cond3A : i32
      scf.if %cond3A_1402 {
        %dma_wait3A_1584 = arith.constant 0 : i32
        %dma_wait3A_1585 = tpu.memref_slice %arg4[%dma_wait3A_1584] : memref<26214400xf32, #tpu.memory_space<hbm>> -> memref<16384xf32, #tpu.memory_space<hbm>>
        %dma_wait3A_1586 = arith.constant 0 : i32
        %dma_wait3A_1587 = tpu.memref_slice %arg4[%dma_wait3A_1586] : memref<26214400xf32, #tpu.memory_space<hbm>> -> memref<16384xf32, #tpu.memory_space<hbm>>
        tpu.wait_dma2 semaphore(%arg13 : memref<!tpu.dma_semaphore, #tpu.memory_space<semaphore_mem>>) src(%arg8 : memref<16384xf32, #tpu.memory_space<vmem>>) dst(%dma_wait3A_1587 : memref<16384xf32, #tpu.memory_space<hbm>>)
      } else {
      }
      %add3A_1403 = arith.constant 1 : i32
      %add3A_1404 = arith.addi %add3A_1400, %add3A_1403 : i32
      %lt3A_1405 = arith.constant 50 : i32
      %lt3A_1406 = arith.cmpi slt, %add3A_1404, %lt3A_1405 : i32
      %convert_element_type3A_1407 = arith.extui %lt3A_1406 : i1 to i32
      %cond3A_1408 = arith.constant 0 : i32
      %cond3A_1409 = arith.cmpi ne, %convert_element_type3A_1407, %cond3A_1408 : i32
      scf.if %cond3A_1409 {
        %add3A_1584 = arith.constant 1 : i32
        %add3A_1585 = arith.addi %add3A_1400, %add3A_1584 : i32
        %dma_start3A_1586 = arith.constant 0 : i32
        %dma_start3A_1587 = tpu.memref_slice %arg5[%add3A_1585, %dma_start3A_1586] : memref<50x512xi32, #tpu.memory_space<vmem>> -> memref<1x512xi32, #tpu.memory_space<vmem>>
        %dma_start3A_1588 = tpu.memref_squeeze %dma_start3A_1587 : memref<1x512xi32, #tpu.memory_space<vmem>> -> memref<512xi32, #tpu.memory_space<vmem>>
        %dma_start3A_1589 = arith.constant 0 : i32
        %dma_start3A_1590 = arith.constant 0 : i32
        %dma_start3A_1591 = tpu.memref_slice %arg3[%dma_start3A_1589, %dma_start3A_1590] : memref<1000000x32xf32, #tpu.memory_space<hbm>> -> memref<1000000x32xf32, #tpu.memory_space<hbm>>
        tpu.enqueue_indirect_dma source(%dma_start3A_1591 : memref<1000000x32xf32, #tpu.memory_space<hbm>>) target(%arg7 : memref<512x32xf32, #tpu.memory_space<vmem>>) offsets(%dma_start3A_1588 : memref<512xi32, #tpu.memory_space<vmem>>) semaphore(%arg12 : memref<!tpu.dma_semaphore, #tpu.memory_space<semaphore_mem>>)
      } else {
      }
      %dma_wait3A_1410 = arith.constant 0 : i32
      %dma_wait3A_1411 = arith.constant 0 : i32
      %dma_wait3A_1412 = tpu.memref_slice %arg5[%dma_wait3A_1410, %dma_wait3A_1411] : memref<50x512xi32, #tpu.memory_space<vmem>> -> memref<1x512xi32, #tpu.memory_space<vmem>>
      %dma_wait3A_1413 = tpu.memref_squeeze %dma_wait3A_1412 : memref<1x512xi32, #tpu.memory_space<vmem>> -> memref<512xi32, #tpu.memory_space<vmem>>
      %dma_wait3A_1414 = arith.constant 0 : i32
      %dma_wait3A_1415 = arith.constant 0 : i32
      %dma_wait3A_1416 = tpu.memref_slice %arg3[%dma_wait3A_1414, %dma_wait3A_1415] : memref<1000000x32xf32, #tpu.memory_space<hbm>> -> memref<1000000x32xf32, #tpu.memory_space<hbm>>
      tpu.wait_indirect_dma semaphore(%arg11 : memref<!tpu.dma_semaphore, #tpu.memory_space<semaphore_mem>>) src(%dma_wait3A_1416 : memref<1000000x32xf32, #tpu.memory_space<hbm>>) dst(%arg6 : memref<512x32xf32, #tpu.memory_space<vmem>>)
      %scan3A_1417 = arith.constant 0 : i32
      %scan3A_1418 = arith.constant 32 : i32
      %scan3A_1419 = arith.addi %scan3A_1417, %scan3A_1418 : i32
      %scan3A_1420 = arith.constant 1 : i32
      scf.for %scan3A_1584 = %scan3A_1417 to %scan3A_1419 step %scan3A_1420  : i32 {
        %mul3A_1585 = arith.constant 1 : i32
        %mul3A_1586 = arith.muli %scan3A_1584, %mul3A_1585 : i32
        %add3A_1587 = arith.constant 0 : i32
        %add3A_1588 = arith.addi %add3A_1587, %mul3A_1586 : i32
        %mul3A_1589 = arith.constant 16 : i32
        %mul3A_1590 = arith.muli %add3A_1588, %mul3A_1589 : i32
        %add3A_1591 = vector.broadcast %mul3A_1590 : i32 to vector<16xi32>
        %add3A_1592 = arith.addi %iota3A, %add3A_1591 : vector<16xi32>
        %jit3A_1593 = arith.constant 128 : i32
        %div3A_1594 = arith.divsi %mul3A_1590, %jit3A_1593 : i32
        %sign3A_1595 = arith.constant 0 : i32
        %sign3A_1596 = arith.cmpi sgt, %mul3A_1590, %sign3A_1595 : i32
        %sign3A_1597 = arith.extui %sign3A_1596 : i1 to i32
        %sign3A_1598 = arith.constant 0 : i32
        %sign3A_1599 = arith.cmpi slt, %mul3A_1590, %sign3A_1598 : i32
        %sign3A_1600 = arith.extui %sign3A_1599 : i1 to i32
        %sign3A_1601 = arith.subi %sign3A_1597, %sign3A_1600 : i32
        %sign3A_1602 = arith.constant 0 : i32
        %sign3A_1603 = arith.cmpi sgt, %jit3A_1593, %sign3A_1602 : i32
        %sign3A_1604 = arith.extui %sign3A_1603 : i1 to i32
        %sign3A_1605 = arith.constant 0 : i32
        %sign3A_1606 = arith.cmpi slt, %jit3A_1593, %sign3A_1605 : i32
        %sign3A_1607 = arith.extui %sign3A_1606 : i1 to i32
        %sign3A_1608 = arith.subi %sign3A_1604, %sign3A_1607 : i32
        %ne3A_1609 = arith.cmpi ne, %sign3A_1601, %sign3A_1608 : i32
        %rem3A_1610 = arith.remsi %mul3A_1590, %jit3A_1593 : i32
        %ne3A_1611 = arith.constant 0 : i32
        %ne3A_1612 = arith.cmpi ne, %rem3A_1610, %ne3A_1611 : i32
        %and3A_1613 = arith.andi %ne3A_1609, %ne3A_1612 : i1
        %sub3A_1614 = arith.constant 1 : i32
        %sub3A_1615 = arith.subi %div3A_1594, %sub3A_1614 : i32
        %select_n3A_1616 = arith.select %and3A_1613, %sub3A_1615, %div3A_1594 : i32
        %mul3A_1617 = arith.constant 1024 : i32
        %mul3A_1618 = arith.muli %select_n3A_1616, %mul3A_1617 : i32
        %jit3A_1619 = arith.constant 128 : i32
        %eq3A_1620 = arith.constant 0 : i32
        %eq3A_1621 = arith.cmpi eq, %jit3A_1619, %eq3A_1620 : i32
        %jit3A_1622 = arith.constant 1 : i32
        %select_n3A_1623 = arith.select %eq3A_1621, %jit3A_1622, %jit3A_1619 : i32
        %rem3A_1624 = arith.remsi %mul3A_1590, %select_n3A_1623 : i32
        %ne3A_1625 = arith.constant 0 : i32
        %ne3A_1626 = arith.cmpi ne, %rem3A_1624, %ne3A_1625 : i32
        %lt3A_1627 = arith.constant 0 : i32
        %lt3A_1628 = arith.cmpi slt, %rem3A_1624, %lt3A_1627 : i32
        %lt3A_1629 = arith.constant 0 : i32
        %lt3A_1630 = arith.cmpi slt, %select_n3A_1623, %lt3A_1629 : i32
        %ne3A_1631 = arith.xori %lt3A_1628, %lt3A_1630 : i1
        %and3A_1632 = arith.andi %ne3A_1631, %ne3A_1626 : i1
        %add3A_1633 = arith.addi %rem3A_1624, %select_n3A_1623 : i32
        %select_n3A_1634 = arith.select %and3A_1632, %add3A_1633, %rem3A_1624 : i32
        %add3A_1635 = arith.addi %mul3A_1618, %select_n3A_1634 : i32
        %add3A_1636 = arith.constant 0 : i32
        %add3A_1637 = arith.addi %add3A_1635, %add3A_1636 : i32
        %add3A_1638 = arith.constant 0 : i32
        %add3A_1639 = vector.broadcast %add3A_1638 : i32 to vector<16xi32>
        %add3A_1640 = arith.addi %select_n3A_20, %add3A_1639 : vector<16xi32>
        %gather3A = tpu.vector_load_idx %arg6[%add3A_1592, %add3A_1640] : memref<512x32xf32, #tpu.memory_space<vmem>>[vector<16xi32>, vector<16xi32>], vector<16xf32>,
        %add3A_1641 = vector.broadcast %add3A_1637 : i32 to vector<16xi32>
        %add3A_1642 = arith.addi %add3A_78, %add3A_1641 : vector<16xi32>
        tpu.vector_store_idx %arg8[%add3A_1642], %gather3A : memref<16384xf32, #tpu.memory_space<vmem>>[vector<16xi32>], vector<16xf32>,
        %add3A_1643 = arith.constant 0 : i32
        %add3A_1644 = vector.broadcast %add3A_1643 : i32 to vector<16xi32>
        %add3A_1645 = arith.addi %select_n3A_103, %add3A_1644 : vector<16xi32>
        %gather3A_1646 = tpu.vector_load_idx %arg6[%add3A_1592, %add3A_1645] : memref<512x32xf32, #tpu.memory_space<vmem>>[vector<16xi32>, vector<16xi32>], vector<16xf32>,
        %add3A_1647 = vector.broadcast %add3A_1637 : i32 to vector<16xi32>
        %add3A_1648 = arith.addi %add3A_164, %add3A_1647 : vector<16xi32>
        tpu.vector_store_idx %arg8[%add3A_1648], %gather3A_1646 : memref<16384xf32, #tpu.memory_space<vmem>>[vector<16xi32>], vector<16xf32>,
        %add3A_1649 = arith.constant 0 : i32
        %add3A_1650 = vector.broadcast %add3A_1649 : i32 to vector<16xi32>
        %add3A_1651 = arith.addi %select_n3A_189, %add3A_1650 : vector<16xi32>
        %gather3A_1652 = tpu.vector_load_idx %arg6[%add3A_1592, %add3A_1651] : memref<512x32xf32, #tpu.memory_space<vmem>>[vector<16xi32>, vector<16xi32>], vector<16xf32>,
        %add3A_1653 = vector.broadcast %add3A_1637 : i32 to vector<16xi32>
        %add3A_1654 = arith.addi %add3A_250, %add3A_1653 : vector<16xi32>
        tpu.vector_store_idx %arg8[%add3A_1654], %gather3A_1652 : memref<16384xf32, #tpu.memory_space<vmem>>[vector<16xi32>], vector<16xf32>,
        %add3A_1655 = arith.constant 0 : i32
        %add3A_1656 = vector.broadcast %add3A_1655 : i32 to vector<16xi32>
        %add3A_1657 = arith.addi %select_n3A_275, %add3A_1656 : vector<16xi32>
        %gather3A_1658 = tpu.vector_load_idx %arg6[%add3A_1592, %add3A_1657] : memref<512x32xf32, #tpu.memory_space<vmem>>[vector<16xi32>, vector<16xi32>], vector<16xf32>,
        %add3A_1659 = vector.broadcast %add3A_1637 : i32 to vector<16xi32>
        %add3A_1660 = arith.addi %add3A_336, %add3A_1659 : vector<16xi32>
        tpu.vector_store_idx %arg8[%add3A_1660], %gather3A_1658 : memref<16384xf32, #tpu.memory_space<vmem>>[vector<16xi32>], vector<16xf32>,
        %add3A_1661 = arith.constant 0 : i32
        %add3A_1662 = vector.broadcast %add3A_1661 : i32 to vector<16xi32>
        %add3A_1663 = arith.addi %select_n3A_361, %add3A_1662 : vector<16xi32>
        %gather3A_1664 = tpu.vector_load_idx %arg6[%add3A_1592, %add3A_1663] : memref<512x32xf32, #tpu.memory_space<vmem>>[vector<16xi32>, vector<16xi32>], vector<16xf32>,
        %add3A_1665 = vector.broadcast %add3A_1637 : i32 to vector<16xi32>
        %add3A_1666 = arith.addi %add3A_422, %add3A_1665 : vector<16xi32>
        tpu.vector_store_idx %arg8[%add3A_1666], %gather3A_1664 : memref<16384xf32, #tpu.memory_space<vmem>>[vector<16xi32>], vector<16xf32>,
        %add3A_1667 = arith.constant 0 : i32
        %add3A_1668 = vector.broadcast %add3A_1667 : i32 to vector<16xi32>
        %add3A_1669 = arith.addi %select_n3A_447, %add3A_1668 : vector<16xi32>
        %gather3A_1670 = tpu.vector_load_idx %arg6[%add3A_1592, %add3A_1669] : memref<512x32xf32, #tpu.memory_space<vmem>>[vector<16xi32>, vector<16xi32>], vector<16xf32>,
        %add3A_1671 = vector.broadcast %add3A_1637 : i32 to vector<16xi32>
        %add3A_1672 = arith.addi %add3A_508, %add3A_1671 : vector<16xi32>
        tpu.vector_store_idx %arg8[%add3A_1672], %gather3A_1670 : memref<16384xf32, #tpu.memory_space<vmem>>[vector<16xi32>], vector<16xf32>,
        %add3A_1673 = arith.constant 0 : i32
        %add3A_1674 = vector.broadcast %add3A_1673 : i32 to vector<16xi32>
        %add3A_1675 = arith.addi %select_n3A_533, %add3A_1674 : vector<16xi32>
        %gather3A_1676 = tpu.vector_load_idx %arg6[%add3A_1592, %add3A_1675] : memref<512x32xf32, #tpu.memory_space<vmem>>[vector<16xi32>, vector<16xi32>], vector<16xf32>,
        %add3A_1677 = vector.broadcast %add3A_1637 : i32 to vector<16xi32>
        %add3A_1678 = arith.addi %add3A_594, %add3A_1677 : vector<16xi32>
        tpu.vector_store_idx %arg8[%add3A_1678], %gather3A_1676 : memref<16384xf32, #tpu.memory_space<vmem>>[vector<16xi32>], vector<16xf32>,
        %add3A_1679 = arith.constant 0 : i32
        %add3A_1680 = vector.broadcast %add3A_1679 : i32 to vector<16xi32>
        %add3A_1681 = arith.addi %select_n3A_619, %add3A_1680 : vector<16xi32>
        %gather3A_1682 = tpu.vector_load_idx %arg6[%add3A_1592, %add3A_1681] : memref<512x32xf32, #tpu.memory_space<vmem>>[vector<16xi32>, vector<16xi32>], vector<16xf32>,
        %add3A_1683 = vector.broadcast %add3A_1637 : i32 to vector<16xi32>
        %add3A_1684 = arith.addi %add3A_680, %add3A_1683 : vector<16xi32>
        tpu.vector_store_idx %arg8[%add3A_1684], %gather3A_1682 : memref<16384xf32, #tpu.memory_space<vmem>>[vector<16xi32>], vector<16xf32>,
        %add3A_1685 = arith.constant 0 : i32
        %add3A_1686 = vector.broadcast %add3A_1685 : i32 to vector<16xi32>
        %add3A_1687 = arith.addi %select_n3A_705, %add3A_1686 : vector<16xi32>
        %gather3A_1688 = tpu.vector_load_idx %arg6[%add3A_1592, %add3A_1687] : memref<512x32xf32, #tpu.memory_space<vmem>>[vector<16xi32>, vector<16xi32>], vector<16xf32>,
        %add3A_1689 = vector.broadcast %add3A_1637 : i32 to vector<16xi32>
        %add3A_1690 = arith.addi %add3A_766, %add3A_1689 : vector<16xi32>
        tpu.vector_store_idx %arg8[%add3A_1690], %gather3A_1688 : memref<16384xf32, #tpu.memory_space<vmem>>[vector<16xi32>], vector<16xf32>,
        %add3A_1691 = arith.constant 0 : i32
        %add3A_1692 = vector.broadcast %add3A_1691 : i32 to vector<16xi32>
        %add3A_1693 = arith.addi %select_n3A_791, %add3A_1692 : vector<16xi32>
        %gather3A_1694 = tpu.vector_load_idx %arg6[%add3A_1592, %add3A_1693] : memref<512x32xf32, #tpu.memory_space<vmem>>[vector<16xi32>, vector<16xi32>], vector<16xf32>,
        %add3A_1695 = vector.broadcast %add3A_1637 : i32 to vector<16xi32>
        %add3A_1696 = arith.addi %add3A_852, %add3A_1695 : vector<16xi32>
        tpu.vector_store_idx %arg8[%add3A_1696], %gather3A_1694 : memref<16384xf32, #tpu.memory_space<vmem>>[vector<16xi32>], vector<16xf32>,
        %add3A_1697 = arith.constant 0 : i32
        %add3A_1698 = vector.broadcast %add3A_1697 : i32 to vector<16xi32>
        %add3A_1699 = arith.addi %select_n3A_877, %add3A_1698 : vector<16xi32>
        %gather3A_1700 = tpu.vector_load_idx %arg6[%add3A_1592, %add3A_1699] : memref<512x32xf32, #tpu.memory_space<vmem>>[vector<16xi32>, vector<16xi32>], vector<16xf32>,
        %add3A_1701 = vector.broadcast %add3A_1637 : i32 to vector<16xi32>
        %add3A_1702 = arith.addi %add3A_938, %add3A_1701 : vector<16xi32>
        tpu.vector_store_idx %arg8[%add3A_1702], %gather3A_1700 : memref<16384xf32, #tpu.memory_space<vmem>>[vector<16xi32>], vector<16xf32>,
        %add3A_1703 = arith.constant 0 : i32
        %add3A_1704 = vector.broadcast %add3A_1703 : i32 to vector<16xi32>
        %add3A_1705 = arith.addi %select_n3A_963, %add3A_1704 : vector<16xi32>
        %gather3A_1706 = tpu.vector_load_idx %arg6[%add3A_1592, %add3A_1705] : memref<512x32xf32, #tpu.memory_space<vmem>>[vector<16xi32>, vector<16xi32>], vector<16xf32>,
        %add3A_1707 = vector.broadcast %add3A_1637 : i32 to vector<16xi32>
        %add3A_1708 = arith.addi %add3A_1024, %add3A_1707 : vector<16xi32>
        tpu.vector_store_idx %arg8[%add3A_1708], %gather3A_1706 : memref<16384xf32, #tpu.memory_space<vmem>>[vector<16xi32>], vector<16xf32>,
        %add3A_1709 = arith.constant 0 : i32
        %add3A_1710 = vector.broadcast %add3A_1709 : i32 to vector<16xi32>
        %add3A_1711 = arith.addi %select_n3A_1049, %add3A_1710 : vector<16xi32>
        %gather3A_1712 = tpu.vector_load_idx %arg6[%add3A_1592, %add3A_1711] : memref<512x32xf32, #tpu.memory_space<vmem>>[vector<16xi32>, vector<16xi32>], vector<16xf32>,
        %add3A_1713 = vector.broadcast %add3A_1637 : i32 to vector<16xi32>
        %add3A_1714 = arith.addi %add3A_1110, %add3A_1713 : vector<16xi32>
        tpu.vector_store_idx %arg8[%add3A_1714], %gather3A_1712 : memref<16384xf32, #tpu.memory_space<vmem>>[vector<16xi32>], vector<16xf32>,
        %add3A_1715 = arith.constant 0 : i32
        %add3A_1716 = vector.broadcast %add3A_1715 : i32 to vector<16xi32>
        %add3A_1717 = arith.addi %select_n3A_1135, %add3A_1716 : vector<16xi32>
        %gather3A_1718 = tpu.vector_load_idx %arg6[%add3A_1592, %add3A_1717] : memref<512x32xf32, #tpu.memory_space<vmem>>[vector<16xi32>, vector<16xi32>], vector<16xf32>,
        %add3A_1719 = vector.broadcast %add3A_1637 : i32 to vector<16xi32>
        %add3A_1720 = arith.addi %add3A_1196, %add3A_1719 : vector<16xi32>
        tpu.vector_store_idx %arg8[%add3A_1720], %gather3A_1718 : memref<16384xf32, #tpu.memory_space<vmem>>[vector<16xi32>], vector<16xf32>,
        %add3A_1721 = arith.constant 0 : i32
        %add3A_1722 = vector.broadcast %add3A_1721 : i32 to vector<16xi32>
        %add3A_1723 = arith.addi %select_n3A_1221, %add3A_1722 : vector<16xi32>
        %gather3A_1724 = tpu.vector_load_idx %arg6[%add3A_1592, %add3A_1723] : memref<512x32xf32, #tpu.memory_space<vmem>>[vector<16xi32>, vector<16xi32>], vector<16xf32>,
        %add3A_1725 = vector.broadcast %add3A_1637 : i32 to vector<16xi32>
        %add3A_1726 = arith.addi %add3A_1282, %add3A_1725 : vector<16xi32>
        tpu.vector_store_idx %arg8[%add3A_1726], %gather3A_1724 : memref<16384xf32, #tpu.memory_space<vmem>>[vector<16xi32>], vector<16xf32>,
        %add3A_1727 = arith.constant 0 : i32
        %add3A_1728 = vector.broadcast %add3A_1727 : i32 to vector<16xi32>
        %add3A_1729 = arith.addi %select_n3A_1307, %add3A_1728 : vector<16xi32>
        %gather3A_1730 = tpu.vector_load_idx %arg6[%add3A_1592, %add3A_1729] : memref<512x32xf32, #tpu.memory_space<vmem>>[vector<16xi32>, vector<16xi32>], vector<16xf32>,
        %add3A_1731 = vector.broadcast %add3A_1637 : i32 to vector<16xi32>
        %add3A_1732 = arith.addi %add3A_1368, %add3A_1731 : vector<16xi32>
        tpu.vector_store_idx %arg8[%add3A_1732], %gather3A_1730 : memref<16384xf32, #tpu.memory_space<vmem>>[vector<16xi32>], vector<16xf32>,
        %add3A_1733 = arith.constant 8192 : i32
        %add3A_1734 = arith.addi %add3A_1635, %add3A_1733 : i32
        %add3A_1735 = arith.constant 16 : i32
        %add3A_1736 = vector.broadcast %add3A_1735 : i32 to vector<16xi32>
        %add3A_1737 = arith.addi %select_n3A_20, %add3A_1736 : vector<16xi32>
        %gather3A_1738 = tpu.vector_load_idx %arg6[%add3A_1592, %add3A_1737] : memref<512x32xf32, #tpu.memory_space<vmem>>[vector<16xi32>, vector<16xi32>], vector<16xf32>,
        %add3A_1739 = vector.broadcast %add3A_1734 : i32 to vector<16xi32>
        %add3A_1740 = arith.addi %add3A_78, %add3A_1739 : vector<16xi32>
        tpu.vector_store_idx %arg8[%add3A_1740], %gather3A_1738 : memref<16384xf32, #tpu.memory_space<vmem>>[vector<16xi32>], vector<16xf32>,
        %add3A_1741 = arith.constant 16 : i32
        %add3A_1742 = vector.broadcast %add3A_1741 : i32 to vector<16xi32>
        %add3A_1743 = arith.addi %select_n3A_103, %add3A_1742 : vector<16xi32>
        %gather3A_1744 = tpu.vector_load_idx %arg6[%add3A_1592, %add3A_1743] : memref<512x32xf32, #tpu.memory_space<vmem>>[vector<16xi32>, vector<16xi32>], vector<16xf32>,
        %add3A_1745 = vector.broadcast %add3A_1734 : i32 to vector<16xi32>
        %add3A_1746 = arith.addi %add3A_164, %add3A_1745 : vector<16xi32>
        tpu.vector_store_idx %arg8[%add3A_1746], %gather3A_1744 : memref<16384xf32, #tpu.memory_space<vmem>>[vector<16xi32>], vector<16xf32>,
        %add3A_1747 = arith.constant 16 : i32
        %add3A_1748 = vector.broadcast %add3A_1747 : i32 to vector<16xi32>
        %add3A_1749 = arith.addi %select_n3A_189, %add3A_1748 : vector<16xi32>
        %gather3A_1750 = tpu.vector_load_idx %arg6[%add3A_1592, %add3A_1749] : memref<512x32xf32, #tpu.memory_space<vmem>>[vector<16xi32>, vector<16xi32>], vector<16xf32>,
        %add3A_1751 = vector.broadcast %add3A_1734 : i32 to vector<16xi32>
        %add3A_1752 = arith.addi %add3A_250, %add3A_1751 : vector<16xi32>
        tpu.vector_store_idx %arg8[%add3A_1752], %gather3A_1750 : memref<16384xf32, #tpu.memory_space<vmem>>[vector<16xi32>], vector<16xf32>,
        %add3A_1753 = arith.constant 16 : i32
        %add3A_1754 = vector.broadcast %add3A_1753 : i32 to vector<16xi32>
        %add3A_1755 = arith.addi %select_n3A_275, %add3A_1754 : vector<16xi32>
        %gather3A_1756 = tpu.vector_load_idx %arg6[%add3A_1592, %add3A_1755] : memref<512x32xf32, #tpu.memory_space<vmem>>[vector<16xi32>, vector<16xi32>], vector<16xf32>,
        %add3A_1757 = vector.broadcast %add3A_1734 : i32 to vector<16xi32>
        %add3A_1758 = arith.addi %add3A_336, %add3A_1757 : vector<16xi32>
        tpu.vector_store_idx %arg8[%add3A_1758], %gather3A_1756 : memref<16384xf32, #tpu.memory_space<vmem>>[vector<16xi32>], vector<16xf32>,
        %add3A_1759 = arith.constant 16 : i32
        %add3A_1760 = vector.broadcast %add3A_1759 : i32 to vector<16xi32>
        %add3A_1761 = arith.addi %select_n3A_361, %add3A_1760 : vector<16xi32>
        %gather3A_1762 = tpu.vector_load_idx %arg6[%add3A_1592, %add3A_1761] : memref<512x32xf32, #tpu.memory_space<vmem>>[vector<16xi32>, vector<16xi32>], vector<16xf32>,
        %add3A_1763 = vector.broadcast %add3A_1734 : i32 to vector<16xi32>
        %add3A_1764 = arith.addi %add3A_422, %add3A_1763 : vector<16xi32>
        tpu.vector_store_idx %arg8[%add3A_1764], %gather3A_1762 : memref<16384xf32, #tpu.memory_space<vmem>>[vector<16xi32>], vector<16xf32>,
        %add3A_1765 = arith.constant 16 : i32
        %add3A_1766 = vector.broadcast %add3A_1765 : i32 to vector<16xi32>
        %add3A_1767 = arith.addi %select_n3A_447, %add3A_1766 : vector<16xi32>
        %gather3A_1768 = tpu.vector_load_idx %arg6[%add3A_1592, %add3A_1767] : memref<512x32xf32, #tpu.memory_space<vmem>>[vector<16xi32>, vector<16xi32>], vector<16xf32>,
        %add3A_1769 = vector.broadcast %add3A_1734 : i32 to vector<16xi32>
        %add3A_1770 = arith.addi %add3A_508, %add3A_1769 : vector<16xi32>
        tpu.vector_store_idx %arg8[%add3A_1770], %gather3A_1768 : memref<16384xf32, #tpu.memory_space<vmem>>[vector<16xi32>], vector<16xf32>,
        %add3A_1771 = arith.constant 16 : i32
        %add3A_1772 = vector.broadcast %add3A_1771 : i32 to vector<16xi32>
        %add3A_1773 = arith.addi %select_n3A_533, %add3A_1772 : vector<16xi32>
        %gather3A_1774 = tpu.vector_load_idx %arg6[%add3A_1592, %add3A_1773] : memref<512x32xf32, #tpu.memory_space<vmem>>[vector<16xi32>, vector<16xi32>], vector<16xf32>,
        %add3A_1775 = vector.broadcast %add3A_1734 : i32 to vector<16xi32>
        %add3A_1776 = arith.addi %add3A_594, %add3A_1775 : vector<16xi32>
        tpu.vector_store_idx %arg8[%add3A_1776], %gather3A_1774 : memref<16384xf32, #tpu.memory_space<vmem>>[vector<16xi32>], vector<16xf32>,
        %add3A_1777 = arith.constant 16 : i32
        %add3A_1778 = vector.broadcast %add3A_1777 : i32 to vector<16xi32>
        %add3A_1779 = arith.addi %select_n3A_619, %add3A_1778 : vector<16xi32>
        %gather3A_1780 = tpu.vector_load_idx %arg6[%add3A_1592, %add3A_1779] : memref<512x32xf32, #tpu.memory_space<vmem>>[vector<16xi32>, vector<16xi32>], vector<16xf32>,
        %add3A_1781 = vector.broadcast %add3A_1734 : i32 to vector<16xi32>
        %add3A_1782 = arith.addi %add3A_680, %add3A_1781 : vector<16xi32>
        tpu.vector_store_idx %arg8[%add3A_1782], %gather3A_1780 : memref<16384xf32, #tpu.memory_space<vmem>>[vector<16xi32>], vector<16xf32>,
        %add3A_1783 = arith.constant 16 : i32
        %add3A_1784 = vector.broadcast %add3A_1783 : i32 to vector<16xi32>
        %add3A_1785 = arith.addi %select_n3A_705, %add3A_1784 : vector<16xi32>
        %gather3A_1786 = tpu.vector_load_idx %arg6[%add3A_1592, %add3A_1785] : memref<512x32xf32, #tpu.memory_space<vmem>>[vector<16xi32>, vector<16xi32>], vector<16xf32>,
        %add3A_1787 = vector.broadcast %add3A_1734 : i32 to vector<16xi32>
        %add3A_1788 = arith.addi %add3A_766, %add3A_1787 : vector<16xi32>
        tpu.vector_store_idx %arg8[%add3A_1788], %gather3A_1786 : memref<16384xf32, #tpu.memory_space<vmem>>[vector<16xi32>], vector<16xf32>,
        %add3A_1789 = arith.constant 16 : i32
        %add3A_1790 = vector.broadcast %add3A_1789 : i32 to vector<16xi32>
        %add3A_1791 = arith.addi %select_n3A_791, %add3A_1790 : vector<16xi32>
        %gather3A_1792 = tpu.vector_load_idx %arg6[%add3A_1592, %add3A_1791] : memref<512x32xf32, #tpu.memory_space<vmem>>[vector<16xi32>, vector<16xi32>], vector<16xf32>,
        %add3A_1793 = vector.broadcast %add3A_1734 : i32 to vector<16xi32>
        %add3A_1794 = arith.addi %add3A_852, %add3A_1793 : vector<16xi32>
        tpu.vector_store_idx %arg8[%add3A_1794], %gather3A_1792 : memref<16384xf32, #tpu.memory_space<vmem>>[vector<16xi32>], vector<16xf32>,
        %add3A_1795 = arith.constant 16 : i32
        %add3A_1796 = vector.broadcast %add3A_1795 : i32 to vector<16xi32>
        %add3A_1797 = arith.addi %select_n3A_877, %add3A_1796 : vector<16xi32>
        %gather3A_1798 = tpu.vector_load_idx %arg6[%add3A_1592, %add3A_1797] : memref<512x32xf32, #tpu.memory_space<vmem>>[vector<16xi32>, vector<16xi32>], vector<16xf32>,
        %add3A_1799 = vector.broadcast %add3A_1734 : i32 to vector<16xi32>
        %add3A_1800 = arith.addi %add3A_938, %add3A_1799 : vector<16xi32>
        tpu.vector_store_idx %arg8[%add3A_1800], %gather3A_1798 : memref<16384xf32, #tpu.memory_space<vmem>>[vector<16xi32>], vector<16xf32>,
        %add3A_1801 = arith.constant 16 : i32
        %add3A_1802 = vector.broadcast %add3A_1801 : i32 to vector<16xi32>
        %add3A_1803 = arith.addi %select_n3A_963, %add3A_1802 : vector<16xi32>
        %gather3A_1804 = tpu.vector_load_idx %arg6[%add3A_1592, %add3A_1803] : memref<512x32xf32, #tpu.memory_space<vmem>>[vector<16xi32>, vector<16xi32>], vector<16xf32>,
        %add3A_1805 = vector.broadcast %add3A_1734 : i32 to vector<16xi32>
        %add3A_1806 = arith.addi %add3A_1024, %add3A_1805 : vector<16xi32>
        tpu.vector_store_idx %arg8[%add3A_1806], %gather3A_1804 : memref<16384xf32, #tpu.memory_space<vmem>>[vector<16xi32>], vector<16xf32>,
        %add3A_1807 = arith.constant 16 : i32
        %add3A_1808 = vector.broadcast %add3A_1807 : i32 to vector<16xi32>
        %add3A_1809 = arith.addi %select_n3A_1049, %add3A_1808 : vector<16xi32>
        %gather3A_1810 = tpu.vector_load_idx %arg6[%add3A_1592, %add3A_1809] : memref<512x32xf32, #tpu.memory_space<vmem>>[vector<16xi32>, vector<16xi32>], vector<16xf32>,
        %add3A_1811 = vector.broadcast %add3A_1734 : i32 to vector<16xi32>
        %add3A_1812 = arith.addi %add3A_1110, %add3A_1811 : vector<16xi32>
        tpu.vector_store_idx %arg8[%add3A_1812], %gather3A_1810 : memref<16384xf32, #tpu.memory_space<vmem>>[vector<16xi32>], vector<16xf32>,
        %add3A_1813 = arith.constant 16 : i32
        %add3A_1814 = vector.broadcast %add3A_1813 : i32 to vector<16xi32>
        %add3A_1815 = arith.addi %select_n3A_1135, %add3A_1814 : vector<16xi32>
        %gather3A_1816 = tpu.vector_load_idx %arg6[%add3A_1592, %add3A_1815] : memref<512x32xf32, #tpu.memory_space<vmem>>[vector<16xi32>, vector<16xi32>], vector<16xf32>,
        %add3A_1817 = vector.broadcast %add3A_1734 : i32 to vector<16xi32>
        %add3A_1818 = arith.addi %add3A_1196, %add3A_1817 : vector<16xi32>
        tpu.vector_store_idx %arg8[%add3A_1818], %gather3A_1816 : memref<16384xf32, #tpu.memory_space<vmem>>[vector<16xi32>], vector<16xf32>,
        %add3A_1819 = arith.constant 16 : i32
        %add3A_1820 = vector.broadcast %add3A_1819 : i32 to vector<16xi32>
        %add3A_1821 = arith.addi %select_n3A_1221, %add3A_1820 : vector<16xi32>
        %gather3A_1822 = tpu.vector_load_idx %arg6[%add3A_1592, %add3A_1821] : memref<512x32xf32, #tpu.memory_space<vmem>>[vector<16xi32>, vector<16xi32>], vector<16xf32>,
        %add3A_1823 = vector.broadcast %add3A_1734 : i32 to vector<16xi32>
        %add3A_1824 = arith.addi %add3A_1282, %add3A_1823 : vector<16xi32>
        tpu.vector_store_idx %arg8[%add3A_1824], %gather3A_1822 : memref<16384xf32, #tpu.memory_space<vmem>>[vector<16xi32>], vector<16xf32>,
        %add3A_1825 = arith.constant 16 : i32
        %add3A_1826 = vector.broadcast %add3A_1825 : i32 to vector<16xi32>
        %add3A_1827 = arith.addi %select_n3A_1307, %add3A_1826 : vector<16xi32>
        %gather3A_1828 = tpu.vector_load_idx %arg6[%add3A_1592, %add3A_1827] : memref<512x32xf32, #tpu.memory_space<vmem>>[vector<16xi32>, vector<16xi32>], vector<16xf32>,
        %add3A_1829 = vector.broadcast %add3A_1734 : i32 to vector<16xi32>
        %add3A_1830 = arith.addi %add3A_1368, %add3A_1829 : vector<16xi32>
        tpu.vector_store_idx %arg8[%add3A_1830], %gather3A_1828 : memref<16384xf32, #tpu.memory_space<vmem>>[vector<16xi32>], vector<16xf32>,
      }
      %scan3A_1421 = arith.constant 32 : i32
      %mul3A_1422 = arith.constant 4 : i32
      %mul3A_1423 = arith.muli %add3A_1400, %mul3A_1422 : i32
      %add3A_1424 = arith.constant 0 : i32
      %add3A_1425 = arith.addi %mul3A_1423, %add3A_1424 : i32
      %mul3A_1426 = arith.constant 128 : i32
      %mul3A_1427 = arith.muli %add3A_1425, %mul3A_1426 : i32
      %mul3A_1428 = arith.constant 4 : i32
      %mul3A_1429 = arith.muli %add3A, %mul3A_1428 : i32
      %add3A_1430 = arith.addi %mul3A_1427, %mul3A_1429 : i32
      %mul3A_1431 = arith.constant 1024 : i32
      %mul3A_1432 = arith.muli %add3A_1430, %mul3A_1431 : i32
      %dma_start3A_1433 = arith.constant 0 : i32
      %dma_start3A_1434 = tpu.memref_slice %arg8[%dma_start3A_1433] : memref<16384xf32, #tpu.memory_space<vmem>> -> memref<4096xf32, #tpu.memory_space<vmem>>
      %dma_start3A_1435 = tpu.memref_slice %arg4[%mul3A_1432] : memref<26214400xf32, #tpu.memory_space<hbm>> -> memref<4096xf32, #tpu.memory_space<hbm>>
      %dma_start3A_1436 = tpu.memref_slice %arg4[%mul3A_1432] : memref<26214400xf32, #tpu.memory_space<hbm>> -> memref<4096xf32, #tpu.memory_space<hbm>>
      %dma_start3A_1437 = arith.constant 0 : i32
      %dma_start3A_1438 = tpu.memref_slice %arg8[%dma_start3A_1437] : memref<16384xf32, #tpu.memory_space<vmem>> -> memref<4096xf32, #tpu.memory_space<vmem>>
      tpu.enqueue_dma source(%dma_start3A_1438 : memref<4096xf32, #tpu.memory_space<vmem>>) target(%dma_start3A_1436 : memref<4096xf32, #tpu.memory_space<hbm>>) target_semaphore(%arg13 : memref<!tpu.dma_semaphore, #tpu.memory_space<semaphore_mem>>)
      %mul3A_1439 = arith.constant 4 : i32
      %mul3A_1440 = arith.muli %add3A_1400, %mul3A_1439 : i32
      %add3A_1441 = arith.constant 1 : i32
      %add3A_1442 = arith.addi %mul3A_1440, %add3A_1441 : i32
      %mul3A_1443 = arith.constant 128 : i32
      %mul3A_1444 = arith.muli %add3A_1442, %mul3A_1443 : i32
      %mul3A_1445 = arith.constant 4 : i32
      %mul3A_1446 = arith.muli %add3A, %mul3A_1445 : i32
      %add3A_1447 = arith.addi %mul3A_1444, %mul3A_1446 : i32
      %mul3A_1448 = arith.constant 1024 : i32
      %mul3A_1449 = arith.muli %add3A_1447, %mul3A_1448 : i32
      %dma_start3A_1450 = arith.constant 4096 : i32
      %dma_start3A_1451 = tpu.memref_slice %arg8[%dma_start3A_1450] : memref<16384xf32, #tpu.memory_space<vmem>> -> memref<4096xf32, #tpu.memory_space<vmem>>
      %dma_start3A_1452 = tpu.memref_slice %arg4[%mul3A_1449] : memref<26214400xf32, #tpu.memory_space<hbm>> -> memref<4096xf32, #tpu.memory_space<hbm>>
      %dma_start3A_1453 = tpu.memref_slice %arg4[%mul3A_1449] : memref<26214400xf32, #tpu.memory_space<hbm>> -> memref<4096xf32, #tpu.memory_space<hbm>>
      %dma_start3A_1454 = arith.constant 4096 : i32
      %dma_start3A_1455 = tpu.memref_slice %arg8[%dma_start3A_1454] : memref<16384xf32, #tpu.memory_space<vmem>> -> memref<4096xf32, #tpu.memory_space<vmem>>
      tpu.enqueue_dma source(%dma_start3A_1455 : memref<4096xf32, #tpu.memory_space<vmem>>) target(%dma_start3A_1453 : memref<4096xf32, #tpu.memory_space<hbm>>) target_semaphore(%arg13 : memref<!tpu.dma_semaphore, #tpu.memory_space<semaphore_mem>>)
      %mul3A_1456 = arith.constant 4 : i32
      %mul3A_1457 = arith.muli %add3A_1400, %mul3A_1456 : i32
      %add3A_1458 = arith.constant 2 : i32
      %add3A_1459 = arith.addi %mul3A_1457, %add3A_1458 : i32
      %mul3A_1460 = arith.constant 128 : i32
      %mul3A_1461 = arith.muli %add3A_1459, %mul3A_1460 : i32
      %mul3A_1462 = arith.constant 4 : i32
      %mul3A_1463 = arith.muli %add3A, %mul3A_1462 : i32
      %add3A_1464 = arith.addi %mul3A_1461, %mul3A_1463 : i32
      %mul3A_1465 = arith.constant 1024 : i32
      %mul3A_1466 = arith.muli %add3A_1464, %mul3A_1465 : i32
      %dma_start3A_1467 = arith.constant 8192 : i32
      %dma_start3A_1468 = tpu.memref_slice %arg8[%dma_start3A_1467] : memref<16384xf32, #tpu.memory_space<vmem>> -> memref<4096xf32, #tpu.memory_space<vmem>>
      %dma_start3A_1469 = tpu.memref_slice %arg4[%mul3A_1466] : memref<26214400xf32, #tpu.memory_space<hbm>> -> memref<4096xf32, #tpu.memory_space<hbm>>
      %dma_start3A_1470 = tpu.memref_slice %arg4[%mul3A_1466] : memref<26214400xf32, #tpu.memory_space<hbm>> -> memref<4096xf32, #tpu.memory_space<hbm>>
      %dma_start3A_1471 = arith.constant 8192 : i32
      %dma_start3A_1472 = tpu.memref_slice %arg8[%dma_start3A_1471] : memref<16384xf32, #tpu.memory_space<vmem>> -> memref<4096xf32, #tpu.memory_space<vmem>>
      tpu.enqueue_dma source(%dma_start3A_1472 : memref<4096xf32, #tpu.memory_space<vmem>>) target(%dma_start3A_1470 : memref<4096xf32, #tpu.memory_space<hbm>>) target_semaphore(%arg13 : memref<!tpu.dma_semaphore, #tpu.memory_space<semaphore_mem>>)
      %mul3A_1473 = arith.constant 4 : i32
      %mul3A_1474 = arith.muli %add3A_1400, %mul3A_1473 : i32
      %add3A_1475 = arith.constant 3 : i32
      %add3A_1476 = arith.addi %mul3A_1474, %add3A_1475 : i32
      %mul3A_1477 = arith.constant 128 : i32
      %mul3A_1478 = arith.muli %add3A_1476, %mul3A_1477 : i32
      %mul3A_1479 = arith.constant 4 : i32
      %mul3A_1480 = arith.muli %add3A, %mul3A_1479 : i32
      %add3A_1481 = arith.addi %mul3A_1478, %mul3A_1480 : i32
      %mul3A_1482 = arith.constant 1024 : i32
      %mul3A_1483 = arith.muli %add3A_1481, %mul3A_1482 : i32
      %dma_start3A_1484 = arith.constant 12288 : i32
      %dma_start3A_1485 = tpu.memref_slice %arg8[%dma_start3A_1484] : memref<16384xf32, #tpu.memory_space<vmem>> -> memref<4096xf32, #tpu.memory_space<vmem>>
      %dma_start3A_1486 = tpu.memref_slice %arg4[%mul3A_1483] : memref<26214400xf32, #tpu.memory_space<hbm>> -> memref<4096xf32, #tpu.memory_space<hbm>>
      %dma_start3A_1487 = tpu.memref_slice %arg4[%mul3A_1483] : memref<26214400xf32, #tpu.memory_space<hbm>> -> memref<4096xf32, #tpu.memory_space<hbm>>
      %dma_start3A_1488 = arith.constant 12288 : i32
      %dma_start3A_1489 = tpu.memref_slice %arg8[%dma_start3A_1488] : memref<16384xf32, #tpu.memory_space<vmem>> -> memref<4096xf32, #tpu.memory_space<vmem>>
      tpu.enqueue_dma source(%dma_start3A_1489 : memref<4096xf32, #tpu.memory_space<vmem>>) target(%dma_start3A_1487 : memref<4096xf32, #tpu.memory_space<hbm>>) target_semaphore(%arg13 : memref<!tpu.dma_semaphore, #tpu.memory_space<semaphore_mem>>)
      %add3A_1490 = arith.constant 1 : i32
      %add3A_1491 = arith.addi %add3A_1398, %add3A_1490 : i32
      %ge3A_1492 = arith.constant 2 : i32
      %ge3A_1493 = arith.cmpi sge, %add3A_1491, %ge3A_1492 : i32
      %convert_element_type3A_1494 = arith.extui %ge3A_1493 : i1 to i32
      %cond3A_1495 = arith.constant 0 : i32
      %cond3A_1496 = arith.cmpi ne, %convert_element_type3A_1494, %cond3A_1495 : i32
      scf.if %cond3A_1496 {
        %dma_wait3A_1584 = arith.constant 0 : i32
        %dma_wait3A_1585 = tpu.memref_slice %arg4[%dma_wait3A_1584] : memref<26214400xf32, #tpu.memory_space<hbm>> -> memref<16384xf32, #tpu.memory_space<hbm>>
        %dma_wait3A_1586 = arith.constant 0 : i32
        %dma_wait3A_1587 = tpu.memref_slice %arg4[%dma_wait3A_1586] : memref<26214400xf32, #tpu.memory_space<hbm>> -> memref<16384xf32, #tpu.memory_space<hbm>>
        tpu.wait_dma2 semaphore(%arg14 : memref<!tpu.dma_semaphore, #tpu.memory_space<semaphore_mem>>) src(%arg9 : memref<16384xf32, #tpu.memory_space<vmem>>) dst(%dma_wait3A_1587 : memref<16384xf32, #tpu.memory_space<hbm>>)
      } else {
      }
      %add3A_1497 = arith.constant 1 : i32
      %add3A_1498 = arith.addi %add3A_1491, %add3A_1497 : i32
      %lt3A_1499 = arith.constant 50 : i32
      %lt3A_1500 = arith.cmpi slt, %add3A_1498, %lt3A_1499 : i32
      %convert_element_type3A_1501 = arith.extui %lt3A_1500 : i1 to i32
      %cond3A_1502 = arith.constant 0 : i32
      %cond3A_1503 = arith.cmpi ne, %convert_element_type3A_1501, %cond3A_1502 : i32
      scf.if %cond3A_1503 {
        %add3A_1584 = arith.constant 1 : i32
        %add3A_1585 = arith.addi %add3A_1491, %add3A_1584 : i32
        %dma_start3A_1586 = arith.constant 0 : i32
        %dma_start3A_1587 = tpu.memref_slice %arg5[%add3A_1585, %dma_start3A_1586] : memref<50x512xi32, #tpu.memory_space<vmem>> -> memref<1x512xi32, #tpu.memory_space<vmem>>
        %dma_start3A_1588 = tpu.memref_squeeze %dma_start3A_1587 : memref<1x512xi32, #tpu.memory_space<vmem>> -> memref<512xi32, #tpu.memory_space<vmem>>
        %dma_start3A_1589 = arith.constant 0 : i32
        %dma_start3A_1590 = arith.constant 0 : i32
        %dma_start3A_1591 = tpu.memref_slice %arg3[%dma_start3A_1589, %dma_start3A_1590] : memref<1000000x32xf32, #tpu.memory_space<hbm>> -> memref<1000000x32xf32, #tpu.memory_space<hbm>>
        tpu.enqueue_indirect_dma source(%dma_start3A_1591 : memref<1000000x32xf32, #tpu.memory_space<hbm>>) target(%arg6 : memref<512x32xf32, #tpu.memory_space<vmem>>) offsets(%dma_start3A_1588 : memref<512xi32, #tpu.memory_space<vmem>>) semaphore(%arg11 : memref<!tpu.dma_semaphore, #tpu.memory_space<semaphore_mem>>)
      } else {
      }
      %dma_wait3A_1504 = arith.constant 0 : i32
      %dma_wait3A_1505 = arith.constant 0 : i32
      %dma_wait3A_1506 = tpu.memref_slice %arg5[%dma_wait3A_1504, %dma_wait3A_1505] : memref<50x512xi32, #tpu.memory_space<vmem>> -> memref<1x512xi32, #tpu.memory_space<vmem>>
      %dma_wait3A_1507 = tpu.memref_squeeze %dma_wait3A_1506 : memref<1x512xi32, #tpu.memory_space<vmem>> -> memref<512xi32, #tpu.memory_space<vmem>>
      %dma_wait3A_1508 = arith.constant 0 : i32
      %dma_wait3A_1509 = arith.constant 0 : i32
      %dma_wait3A_1510 = tpu.memref_slice %arg3[%dma_wait3A_1508, %dma_wait3A_1509] : memref<1000000x32xf32, #tpu.memory_space<hbm>> -> memref<1000000x32xf32, #tpu.memory_space<hbm>>
      tpu.wait_indirect_dma semaphore(%arg12 : memref<!tpu.dma_semaphore, #tpu.memory_space<semaphore_mem>>) src(%dma_wait3A_1510 : memref<1000000x32xf32, #tpu.memory_space<hbm>>) dst(%arg7 : memref<512x32xf32, #tpu.memory_space<vmem>>)
      %scan3A_1511 = arith.constant 0 : i32
      %scan3A_1512 = arith.constant 32 : i32
      %scan3A_1513 = arith.addi %scan3A_1511, %scan3A_1512 : i32
      %scan3A_1514 = arith.constant 1 : i32
      scf.for %scan3A_1584 = %scan3A_1511 to %scan3A_1513 step %scan3A_1514  : i32 {
        %mul3A_1585 = arith.constant 1 : i32
        %mul3A_1586 = arith.muli %scan3A_1584, %mul3A_1585 : i32
        %add3A_1587 = arith.constant 0 : i32
        %add3A_1588 = arith.addi %add3A_1587, %mul3A_1586 : i32
        %mul3A_1589 = arith.constant 16 : i32
        %mul3A_1590 = arith.muli %add3A_1588, %mul3A_1589 : i32
        %add3A_1591 = vector.broadcast %mul3A_1590 : i32 to vector<16xi32>
        %add3A_1592 = arith.addi %iota3A, %add3A_1591 : vector<16xi32>
        %jit3A_1593 = arith.constant 128 : i32
        %div3A_1594 = arith.divsi %mul3A_1590, %jit3A_1593 : i32
        %sign3A_1595 = arith.constant 0 : i32
        %sign3A_1596 = arith.cmpi sgt, %mul3A_1590, %sign3A_1595 : i32
        %sign3A_1597 = arith.extui %sign3A_1596 : i1 to i32
        %sign3A_1598 = arith.constant 0 : i32
        %sign3A_1599 = arith.cmpi slt, %mul3A_1590, %sign3A_1598 : i32
        %sign3A_1600 = arith.extui %sign3A_1599 : i1 to i32
        %sign3A_1601 = arith.subi %sign3A_1597, %sign3A_1600 : i32
        %sign3A_1602 = arith.constant 0 : i32
        %sign3A_1603 = arith.cmpi sgt, %jit3A_1593, %sign3A_1602 : i32
        %sign3A_1604 = arith.extui %sign3A_1603 : i1 to i32
        %sign3A_1605 = arith.constant 0 : i32
        %sign3A_1606 = arith.cmpi slt, %jit3A_1593, %sign3A_1605 : i32
        %sign3A_1607 = arith.extui %sign3A_1606 : i1 to i32
        %sign3A_1608 = arith.subi %sign3A_1604, %sign3A_1607 : i32
        %ne3A_1609 = arith.cmpi ne, %sign3A_1601, %sign3A_1608 : i32
        %rem3A_1610 = arith.remsi %mul3A_1590, %jit3A_1593 : i32
        %ne3A_1611 = arith.constant 0 : i32
        %ne3A_1612 = arith.cmpi ne, %rem3A_1610, %ne3A_1611 : i32
        %and3A_1613 = arith.andi %ne3A_1609, %ne3A_1612 : i1
        %sub3A_1614 = arith.constant 1 : i32
        %sub3A_1615 = arith.subi %div3A_1594, %sub3A_1614 : i32
        %select_n3A_1616 = arith.select %and3A_1613, %sub3A_1615, %div3A_1594 : i32
        %mul3A_1617 = arith.constant 1024 : i32
        %mul3A_1618 = arith.muli %select_n3A_1616, %mul3A_1617 : i32
        %jit3A_1619 = arith.constant 128 : i32
        %eq3A_1620 = arith.constant 0 : i32
        %eq3A_1621 = arith.cmpi eq, %jit3A_1619, %eq3A_1620 : i32
        %jit3A_1622 = arith.constant 1 : i32
        %select_n3A_1623 = arith.select %eq3A_1621, %jit3A_1622, %jit3A_1619 : i32
        %rem3A_1624 = arith.remsi %mul3A_1590, %select_n3A_1623 : i32
        %ne3A_1625 = arith.constant 0 : i32
        %ne3A_1626 = arith.cmpi ne, %rem3A_1624, %ne3A_1625 : i32
        %lt3A_1627 = arith.constant 0 : i32
        %lt3A_1628 = arith.cmpi slt, %rem3A_1624, %lt3A_1627 : i32
        %lt3A_1629 = arith.constant 0 : i32
        %lt3A_1630 = arith.cmpi slt, %select_n3A_1623, %lt3A_1629 : i32
        %ne3A_1631 = arith.xori %lt3A_1628, %lt3A_1630 : i1
        %and3A_1632 = arith.andi %ne3A_1631, %ne3A_1626 : i1
        %add3A_1633 = arith.addi %rem3A_1624, %select_n3A_1623 : i32
        %select_n3A_1634 = arith.select %and3A_1632, %add3A_1633, %rem3A_1624 : i32
        %add3A_1635 = arith.addi %mul3A_1618, %select_n3A_1634 : i32
        %add3A_1636 = arith.constant 0 : i32
        %add3A_1637 = arith.addi %add3A_1635, %add3A_1636 : i32
        %add3A_1638 = arith.constant 0 : i32
        %add3A_1639 = vector.broadcast %add3A_1638 : i32 to vector<16xi32>
        %add3A_1640 = arith.addi %select_n3A_20, %add3A_1639 : vector<16xi32>
        %gather3A = tpu.vector_load_idx %arg7[%add3A_1592, %add3A_1640] : memref<512x32xf32, #tpu.memory_space<vmem>>[vector<16xi32>, vector<16xi32>], vector<16xf32>,
        %add3A_1641 = vector.broadcast %add3A_1637 : i32 to vector<16xi32>
        %add3A_1642 = arith.addi %add3A_78, %add3A_1641 : vector<16xi32>
        tpu.vector_store_idx %arg9[%add3A_1642], %gather3A : memref<16384xf32, #tpu.memory_space<vmem>>[vector<16xi32>], vector<16xf32>,
        %add3A_1643 = arith.constant 0 : i32
        %add3A_1644 = vector.broadcast %add3A_1643 : i32 to vector<16xi32>
        %add3A_1645 = arith.addi %select_n3A_103, %add3A_1644 : vector<16xi32>
        %gather3A_1646 = tpu.vector_load_idx %arg7[%add3A_1592, %add3A_1645] : memref<512x32xf32, #tpu.memory_space<vmem>>[vector<16xi32>, vector<16xi32>], vector<16xf32>,
        %add3A_1647 = vector.broadcast %add3A_1637 : i32 to vector<16xi32>
        %add3A_1648 = arith.addi %add3A_164, %add3A_1647 : vector<16xi32>
        tpu.vector_store_idx %arg9[%add3A_1648], %gather3A_1646 : memref<16384xf32, #tpu.memory_space<vmem>>[vector<16xi32>], vector<16xf32>,
        %add3A_1649 = arith.constant 0 : i32
        %add3A_1650 = vector.broadcast %add3A_1649 : i32 to vector<16xi32>
        %add3A_1651 = arith.addi %select_n3A_189, %add3A_1650 : vector<16xi32>
        %gather3A_1652 = tpu.vector_load_idx %arg7[%add3A_1592, %add3A_1651] : memref<512x32xf32, #tpu.memory_space<vmem>>[vector<16xi32>, vector<16xi32>], vector<16xf32>,
        %add3A_1653 = vector.broadcast %add3A_1637 : i32 to vector<16xi32>
        %add3A_1654 = arith.addi %add3A_250, %add3A_1653 : vector<16xi32>
        tpu.vector_store_idx %arg9[%add3A_1654], %gather3A_1652 : memref<16384xf32, #tpu.memory_space<vmem>>[vector<16xi32>], vector<16xf32>,
        %add3A_1655 = arith.constant 0 : i32
        %add3A_1656 = vector.broadcast %add3A_1655 : i32 to vector<16xi32>
        %add3A_1657 = arith.addi %select_n3A_275, %add3A_1656 : vector<16xi32>
        %gather3A_1658 = tpu.vector_load_idx %arg7[%add3A_1592, %add3A_1657] : memref<512x32xf32, #tpu.memory_space<vmem>>[vector<16xi32>, vector<16xi32>], vector<16xf32>,
        %add3A_1659 = vector.broadcast %add3A_1637 : i32 to vector<16xi32>
        %add3A_1660 = arith.addi %add3A_336, %add3A_1659 : vector<16xi32>
        tpu.vector_store_idx %arg9[%add3A_1660], %gather3A_1658 : memref<16384xf32, #tpu.memory_space<vmem>>[vector<16xi32>], vector<16xf32>,
        %add3A_1661 = arith.constant 0 : i32
        %add3A_1662 = vector.broadcast %add3A_1661 : i32 to vector<16xi32>
        %add3A_1663 = arith.addi %select_n3A_361, %add3A_1662 : vector<16xi32>
        %gather3A_1664 = tpu.vector_load_idx %arg7[%add3A_1592, %add3A_1663] : memref<512x32xf32, #tpu.memory_space<vmem>>[vector<16xi32>, vector<16xi32>], vector<16xf32>,
        %add3A_1665 = vector.broadcast %add3A_1637 : i32 to vector<16xi32>
        %add3A_1666 = arith.addi %add3A_422, %add3A_1665 : vector<16xi32>
        tpu.vector_store_idx %arg9[%add3A_1666], %gather3A_1664 : memref<16384xf32, #tpu.memory_space<vmem>>[vector<16xi32>], vector<16xf32>,
        %add3A_1667 = arith.constant 0 : i32
        %add3A_1668 = vector.broadcast %add3A_1667 : i32 to vector<16xi32>
        %add3A_1669 = arith.addi %select_n3A_447, %add3A_1668 : vector<16xi32>
        %gather3A_1670 = tpu.vector_load_idx %arg7[%add3A_1592, %add3A_1669] : memref<512x32xf32, #tpu.memory_space<vmem>>[vector<16xi32>, vector<16xi32>], vector<16xf32>,
        %add3A_1671 = vector.broadcast %add3A_1637 : i32 to vector<16xi32>
        %add3A_1672 = arith.addi %add3A_508, %add3A_1671 : vector<16xi32>
        tpu.vector_store_idx %arg9[%add3A_1672], %gather3A_1670 : memref<16384xf32, #tpu.memory_space<vmem>>[vector<16xi32>], vector<16xf32>,
        %add3A_1673 = arith.constant 0 : i32
        %add3A_1674 = vector.broadcast %add3A_1673 : i32 to vector<16xi32>
        %add3A_1675 = arith.addi %select_n3A_533, %add3A_1674 : vector<16xi32>
        %gather3A_1676 = tpu.vector_load_idx %arg7[%add3A_1592, %add3A_1675] : memref<512x32xf32, #tpu.memory_space<vmem>>[vector<16xi32>, vector<16xi32>], vector<16xf32>,
        %add3A_1677 = vector.broadcast %add3A_1637 : i32 to vector<16xi32>
        %add3A_1678 = arith.addi %add3A_594, %add3A_1677 : vector<16xi32>
        tpu.vector_store_idx %arg9[%add3A_1678], %gather3A_1676 : memref<16384xf32, #tpu.memory_space<vmem>>[vector<16xi32>], vector<16xf32>,
        %add3A_1679 = arith.constant 0 : i32
        %add3A_1680 = vector.broadcast %add3A_1679 : i32 to vector<16xi32>
        %add3A_1681 = arith.addi %select_n3A_619, %add3A_1680 : vector<16xi32>
        %gather3A_1682 = tpu.vector_load_idx %arg7[%add3A_1592, %add3A_1681] : memref<512x32xf32, #tpu.memory_space<vmem>>[vector<16xi32>, vector<16xi32>], vector<16xf32>,
        %add3A_1683 = vector.broadcast %add3A_1637 : i32 to vector<16xi32>
        %add3A_1684 = arith.addi %add3A_680, %add3A_1683 : vector<16xi32>
        tpu.vector_store_idx %arg9[%add3A_1684], %gather3A_1682 : memref<16384xf32, #tpu.memory_space<vmem>>[vector<16xi32>], vector<16xf32>,
        %add3A_1685 = arith.constant 0 : i32
        %add3A_1686 = vector.broadcast %add3A_1685 : i32 to vector<16xi32>
        %add3A_1687 = arith.addi %select_n3A_705, %add3A_1686 : vector<16xi32>
        %gather3A_1688 = tpu.vector_load_idx %arg7[%add3A_1592, %add3A_1687] : memref<512x32xf32, #tpu.memory_space<vmem>>[vector<16xi32>, vector<16xi32>], vector<16xf32>,
        %add3A_1689 = vector.broadcast %add3A_1637 : i32 to vector<16xi32>
        %add3A_1690 = arith.addi %add3A_766, %add3A_1689 : vector<16xi32>
        tpu.vector_store_idx %arg9[%add3A_1690], %gather3A_1688 : memref<16384xf32, #tpu.memory_space<vmem>>[vector<16xi32>], vector<16xf32>,
        %add3A_1691 = arith.constant 0 : i32
        %add3A_1692 = vector.broadcast %add3A_1691 : i32 to vector<16xi32>
        %add3A_1693 = arith.addi %select_n3A_791, %add3A_1692 : vector<16xi32>
        %gather3A_1694 = tpu.vector_load_idx %arg7[%add3A_1592, %add3A_1693] : memref<512x32xf32, #tpu.memory_space<vmem>>[vector<16xi32>, vector<16xi32>], vector<16xf32>,
        %add3A_1695 = vector.broadcast %add3A_1637 : i32 to vector<16xi32>
        %add3A_1696 = arith.addi %add3A_852, %add3A_1695 : vector<16xi32>
        tpu.vector_store_idx %arg9[%add3A_1696], %gather3A_1694 : memref<16384xf32, #tpu.memory_space<vmem>>[vector<16xi32>], vector<16xf32>,
        %add3A_1697 = arith.constant 0 : i32
        %add3A_1698 = vector.broadcast %add3A_1697 : i32 to vector<16xi32>
        %add3A_1699 = arith.addi %select_n3A_877, %add3A_1698 : vector<16xi32>
        %gather3A_1700 = tpu.vector_load_idx %arg7[%add3A_1592, %add3A_1699] : memref<512x32xf32, #tpu.memory_space<vmem>>[vector<16xi32>, vector<16xi32>], vector<16xf32>,
        %add3A_1701 = vector.broadcast %add3A_1637 : i32 to vector<16xi32>
        %add3A_1702 = arith.addi %add3A_938, %add3A_1701 : vector<16xi32>
        tpu.vector_store_idx %arg9[%add3A_1702], %gather3A_1700 : memref<16384xf32, #tpu.memory_space<vmem>>[vector<16xi32>], vector<16xf32>,
        %add3A_1703 = arith.constant 0 : i32
        %add3A_1704 = vector.broadcast %add3A_1703 : i32 to vector<16xi32>
        %add3A_1705 = arith.addi %select_n3A_963, %add3A_1704 : vector<16xi32>
        %gather3A_1706 = tpu.vector_load_idx %arg7[%add3A_1592, %add3A_1705] : memref<512x32xf32, #tpu.memory_space<vmem>>[vector<16xi32>, vector<16xi32>], vector<16xf32>,
        %add3A_1707 = vector.broadcast %add3A_1637 : i32 to vector<16xi32>
        %add3A_1708 = arith.addi %add3A_1024, %add3A_1707 : vector<16xi32>
        tpu.vector_store_idx %arg9[%add3A_1708], %gather3A_1706 : memref<16384xf32, #tpu.memory_space<vmem>>[vector<16xi32>], vector<16xf32>,
        %add3A_1709 = arith.constant 0 : i32
        %add3A_1710 = vector.broadcast %add3A_1709 : i32 to vector<16xi32>
        %add3A_1711 = arith.addi %select_n3A_1049, %add3A_1710 : vector<16xi32>
        %gather3A_1712 = tpu.vector_load_idx %arg7[%add3A_1592, %add3A_1711] : memref<512x32xf32, #tpu.memory_space<vmem>>[vector<16xi32>, vector<16xi32>], vector<16xf32>,
        %add3A_1713 = vector.broadcast %add3A_1637 : i32 to vector<16xi32>
        %add3A_1714 = arith.addi %add3A_1110, %add3A_1713 : vector<16xi32>
        tpu.vector_store_idx %arg9[%add3A_1714], %gather3A_1712 : memref<16384xf32, #tpu.memory_space<vmem>>[vector<16xi32>], vector<16xf32>,
        %add3A_1715 = arith.constant 0 : i32
        %add3A_1716 = vector.broadcast %add3A_1715 : i32 to vector<16xi32>
        %add3A_1717 = arith.addi %select_n3A_1135, %add3A_1716 : vector<16xi32>
        %gather3A_1718 = tpu.vector_load_idx %arg7[%add3A_1592, %add3A_1717] : memref<512x32xf32, #tpu.memory_space<vmem>>[vector<16xi32>, vector<16xi32>], vector<16xf32>,
        %add3A_1719 = vector.broadcast %add3A_1637 : i32 to vector<16xi32>
        %add3A_1720 = arith.addi %add3A_1196, %add3A_1719 : vector<16xi32>
        tpu.vector_store_idx %arg9[%add3A_1720], %gather3A_1718 : memref<16384xf32, #tpu.memory_space<vmem>>[vector<16xi32>], vector<16xf32>,
        %add3A_1721 = arith.constant 0 : i32
        %add3A_1722 = vector.broadcast %add3A_1721 : i32 to vector<16xi32>
        %add3A_1723 = arith.addi %select_n3A_1221, %add3A_1722 : vector<16xi32>
        %gather3A_1724 = tpu.vector_load_idx %arg7[%add3A_1592, %add3A_1723] : memref<512x32xf32, #tpu.memory_space<vmem>>[vector<16xi32>, vector<16xi32>], vector<16xf32>,
        %add3A_1725 = vector.broadcast %add3A_1637 : i32 to vector<16xi32>
        %add3A_1726 = arith.addi %add3A_1282, %add3A_1725 : vector<16xi32>
        tpu.vector_store_idx %arg9[%add3A_1726], %gather3A_1724 : memref<16384xf32, #tpu.memory_space<vmem>>[vector<16xi32>], vector<16xf32>,
        %add3A_1727 = arith.constant 0 : i32
        %add3A_1728 = vector.broadcast %add3A_1727 : i32 to vector<16xi32>
        %add3A_1729 = arith.addi %select_n3A_1307, %add3A_1728 : vector<16xi32>
        %gather3A_1730 = tpu.vector_load_idx %arg7[%add3A_1592, %add3A_1729] : memref<512x32xf32, #tpu.memory_space<vmem>>[vector<16xi32>, vector<16xi32>], vector<16xf32>,
        %add3A_1731 = vector.broadcast %add3A_1637 : i32 to vector<16xi32>
        %add3A_1732 = arith.addi %add3A_1368, %add3A_1731 : vector<16xi32>
        tpu.vector_store_idx %arg9[%add3A_1732], %gather3A_1730 : memref<16384xf32, #tpu.memory_space<vmem>>[vector<16xi32>], vector<16xf32>,
        %add3A_1733 = arith.constant 8192 : i32
        %add3A_1734 = arith.addi %add3A_1635, %add3A_1733 : i32
        %add3A_1735 = arith.constant 16 : i32
        %add3A_1736 = vector.broadcast %add3A_1735 : i32 to vector<16xi32>
        %add3A_1737 = arith.addi %select_n3A_20, %add3A_1736 : vector<16xi32>
        %gather3A_1738 = tpu.vector_load_idx %arg7[%add3A_1592, %add3A_1737] : memref<512x32xf32, #tpu.memory_space<vmem>>[vector<16xi32>, vector<16xi32>], vector<16xf32>,
        %add3A_1739 = vector.broadcast %add3A_1734 : i32 to vector<16xi32>
        %add3A_1740 = arith.addi %add3A_78, %add3A_1739 : vector<16xi32>
        tpu.vector_store_idx %arg9[%add3A_1740], %gather3A_1738 : memref<16384xf32, #tpu.memory_space<vmem>>[vector<16xi32>], vector<16xf32>,
        %add3A_1741 = arith.constant 16 : i32
        %add3A_1742 = vector.broadcast %add3A_1741 : i32 to vector<16xi32>
        %add3A_1743 = arith.addi %select_n3A_103, %add3A_1742 : vector<16xi32>
        %gather3A_1744 = tpu.vector_load_idx %arg7[%add3A_1592, %add3A_1743] : memref<512x32xf32, #tpu.memory_space<vmem>>[vector<16xi32>, vector<16xi32>], vector<16xf32>,
        %add3A_1745 = vector.broadcast %add3A_1734 : i32 to vector<16xi32>
        %add3A_1746 = arith.addi %add3A_164, %add3A_1745 : vector<16xi32>
        tpu.vector_store_idx %arg9[%add3A_1746], %gather3A_1744 : memref<16384xf32, #tpu.memory_space<vmem>>[vector<16xi32>], vector<16xf32>,
        %add3A_1747 = arith.constant 16 : i32
        %add3A_1748 = vector.broadcast %add3A_1747 : i32 to vector<16xi32>
        %add3A_1749 = arith.addi %select_n3A_189, %add3A_1748 : vector<16xi32>
        %gather3A_1750 = tpu.vector_load_idx %arg7[%add3A_1592, %add3A_1749] : memref<512x32xf32, #tpu.memory_space<vmem>>[vector<16xi32>, vector<16xi32>], vector<16xf32>,
        %add3A_1751 = vector.broadcast %add3A_1734 : i32 to vector<16xi32>
        %add3A_1752 = arith.addi %add3A_250, %add3A_1751 : vector<16xi32>
        tpu.vector_store_idx %arg9[%add3A_1752], %gather3A_1750 : memref<16384xf32, #tpu.memory_space<vmem>>[vector<16xi32>], vector<16xf32>,
        %add3A_1753 = arith.constant 16 : i32
        %add3A_1754 = vector.broadcast %add3A_1753 : i32 to vector<16xi32>
        %add3A_1755 = arith.addi %select_n3A_275, %add3A_1754 : vector<16xi32>
        %gather3A_1756 = tpu.vector_load_idx %arg7[%add3A_1592, %add3A_1755] : memref<512x32xf32, #tpu.memory_space<vmem>>[vector<16xi32>, vector<16xi32>], vector<16xf32>,
        %add3A_1757 = vector.broadcast %add3A_1734 : i32 to vector<16xi32>
        %add3A_1758 = arith.addi %add3A_336, %add3A_1757 : vector<16xi32>
        tpu.vector_store_idx %arg9[%add3A_1758], %gather3A_1756 : memref<16384xf32, #tpu.memory_space<vmem>>[vector<16xi32>], vector<16xf32>,
        %add3A_1759 = arith.constant 16 : i32
        %add3A_1760 = vector.broadcast %add3A_1759 : i32 to vector<16xi32>
        %add3A_1761 = arith.addi %select_n3A_361, %add3A_1760 : vector<16xi32>
        %gather3A_1762 = tpu.vector_load_idx %arg7[%add3A_1592, %add3A_1761] : memref<512x32xf32, #tpu.memory_space<vmem>>[vector<16xi32>, vector<16xi32>], vector<16xf32>,
        %add3A_1763 = vector.broadcast %add3A_1734 : i32 to vector<16xi32>
        %add3A_1764 = arith.addi %add3A_422, %add3A_1763 : vector<16xi32>
        tpu.vector_store_idx %arg9[%add3A_1764], %gather3A_1762 : memref<16384xf32, #tpu.memory_space<vmem>>[vector<16xi32>], vector<16xf32>,
        %add3A_1765 = arith.constant 16 : i32
        %add3A_1766 = vector.broadcast %add3A_1765 : i32 to vector<16xi32>
        %add3A_1767 = arith.addi %select_n3A_447, %add3A_1766 : vector<16xi32>
        %gather3A_1768 = tpu.vector_load_idx %arg7[%add3A_1592, %add3A_1767] : memref<512x32xf32, #tpu.memory_space<vmem>>[vector<16xi32>, vector<16xi32>], vector<16xf32>,
        %add3A_1769 = vector.broadcast %add3A_1734 : i32 to vector<16xi32>
        %add3A_1770 = arith.addi %add3A_508, %add3A_1769 : vector<16xi32>
        tpu.vector_store_idx %arg9[%add3A_1770], %gather3A_1768 : memref<16384xf32, #tpu.memory_space<vmem>>[vector<16xi32>], vector<16xf32>,
        %add3A_1771 = arith.constant 16 : i32
        %add3A_1772 = vector.broadcast %add3A_1771 : i32 to vector<16xi32>
        %add3A_1773 = arith.addi %select_n3A_533, %add3A_1772 : vector<16xi32>
        %gather3A_1774 = tpu.vector_load_idx %arg7[%add3A_1592, %add3A_1773] : memref<512x32xf32, #tpu.memory_space<vmem>>[vector<16xi32>, vector<16xi32>], vector<16xf32>,
        %add3A_1775 = vector.broadcast %add3A_1734 : i32 to vector<16xi32>
        %add3A_1776 = arith.addi %add3A_594, %add3A_1775 : vector<16xi32>
        tpu.vector_store_idx %arg9[%add3A_1776], %gather3A_1774 : memref<16384xf32, #tpu.memory_space<vmem>>[vector<16xi32>], vector<16xf32>,
        %add3A_1777 = arith.constant 16 : i32
        %add3A_1778 = vector.broadcast %add3A_1777 : i32 to vector<16xi32>
        %add3A_1779 = arith.addi %select_n3A_619, %add3A_1778 : vector<16xi32>
        %gather3A_1780 = tpu.vector_load_idx %arg7[%add3A_1592, %add3A_1779] : memref<512x32xf32, #tpu.memory_space<vmem>>[vector<16xi32>, vector<16xi32>], vector<16xf32>,
        %add3A_1781 = vector.broadcast %add3A_1734 : i32 to vector<16xi32>
        %add3A_1782 = arith.addi %add3A_680, %add3A_1781 : vector<16xi32>
        tpu.vector_store_idx %arg9[%add3A_1782], %gather3A_1780 : memref<16384xf32, #tpu.memory_space<vmem>>[vector<16xi32>], vector<16xf32>,
        %add3A_1783 = arith.constant 16 : i32
        %add3A_1784 = vector.broadcast %add3A_1783 : i32 to vector<16xi32>
        %add3A_1785 = arith.addi %select_n3A_705, %add3A_1784 : vector<16xi32>
        %gather3A_1786 = tpu.vector_load_idx %arg7[%add3A_1592, %add3A_1785] : memref<512x32xf32, #tpu.memory_space<vmem>>[vector<16xi32>, vector<16xi32>], vector<16xf32>,
        %add3A_1787 = vector.broadcast %add3A_1734 : i32 to vector<16xi32>
        %add3A_1788 = arith.addi %add3A_766, %add3A_1787 : vector<16xi32>
        tpu.vector_store_idx %arg9[%add3A_1788], %gather3A_1786 : memref<16384xf32, #tpu.memory_space<vmem>>[vector<16xi32>], vector<16xf32>,
        %add3A_1789 = arith.constant 16 : i32
        %add3A_1790 = vector.broadcast %add3A_1789 : i32 to vector<16xi32>
        %add3A_1791 = arith.addi %select_n3A_791, %add3A_1790 : vector<16xi32>
        %gather3A_1792 = tpu.vector_load_idx %arg7[%add3A_1592, %add3A_1791] : memref<512x32xf32, #tpu.memory_space<vmem>>[vector<16xi32>, vector<16xi32>], vector<16xf32>,
        %add3A_1793 = vector.broadcast %add3A_1734 : i32 to vector<16xi32>
        %add3A_1794 = arith.addi %add3A_852, %add3A_1793 : vector<16xi32>
        tpu.vector_store_idx %arg9[%add3A_1794], %gather3A_1792 : memref<16384xf32, #tpu.memory_space<vmem>>[vector<16xi32>], vector<16xf32>,
        %add3A_1795 = arith.constant 16 : i32
        %add3A_1796 = vector.broadcast %add3A_1795 : i32 to vector<16xi32>
        %add3A_1797 = arith.addi %select_n3A_877, %add3A_1796 : vector<16xi32>
        %gather3A_1798 = tpu.vector_load_idx %arg7[%add3A_1592, %add3A_1797] : memref<512x32xf32, #tpu.memory_space<vmem>>[vector<16xi32>, vector<16xi32>], vector<16xf32>,
        %add3A_1799 = vector.broadcast %add3A_1734 : i32 to vector<16xi32>
        %add3A_1800 = arith.addi %add3A_938, %add3A_1799 : vector<16xi32>
        tpu.vector_store_idx %arg9[%add3A_1800], %gather3A_1798 : memref<16384xf32, #tpu.memory_space<vmem>>[vector<16xi32>], vector<16xf32>,
        %add3A_1801 = arith.constant 16 : i32
        %add3A_1802 = vector.broadcast %add3A_1801 : i32 to vector<16xi32>
        %add3A_1803 = arith.addi %select_n3A_963, %add3A_1802 : vector<16xi32>
        %gather3A_1804 = tpu.vector_load_idx %arg7[%add3A_1592, %add3A_1803] : memref<512x32xf32, #tpu.memory_space<vmem>>[vector<16xi32>, vector<16xi32>], vector<16xf32>,
        %add3A_1805 = vector.broadcast %add3A_1734 : i32 to vector<16xi32>
        %add3A_1806 = arith.addi %add3A_1024, %add3A_1805 : vector<16xi32>
        tpu.vector_store_idx %arg9[%add3A_1806], %gather3A_1804 : memref<16384xf32, #tpu.memory_space<vmem>>[vector<16xi32>], vector<16xf32>,
        %add3A_1807 = arith.constant 16 : i32
        %add3A_1808 = vector.broadcast %add3A_1807 : i32 to vector<16xi32>
        %add3A_1809 = arith.addi %select_n3A_1049, %add3A_1808 : vector<16xi32>
        %gather3A_1810 = tpu.vector_load_idx %arg7[%add3A_1592, %add3A_1809] : memref<512x32xf32, #tpu.memory_space<vmem>>[vector<16xi32>, vector<16xi32>], vector<16xf32>,
        %add3A_1811 = vector.broadcast %add3A_1734 : i32 to vector<16xi32>
        %add3A_1812 = arith.addi %add3A_1110, %add3A_1811 : vector<16xi32>
        tpu.vector_store_idx %arg9[%add3A_1812], %gather3A_1810 : memref<16384xf32, #tpu.memory_space<vmem>>[vector<16xi32>], vector<16xf32>,
        %add3A_1813 = arith.constant 16 : i32
        %add3A_1814 = vector.broadcast %add3A_1813 : i32 to vector<16xi32>
        %add3A_1815 = arith.addi %select_n3A_1135, %add3A_1814 : vector<16xi32>
        %gather3A_1816 = tpu.vector_load_idx %arg7[%add3A_1592, %add3A_1815] : memref<512x32xf32, #tpu.memory_space<vmem>>[vector<16xi32>, vector<16xi32>], vector<16xf32>,
        %add3A_1817 = vector.broadcast %add3A_1734 : i32 to vector<16xi32>
        %add3A_1818 = arith.addi %add3A_1196, %add3A_1817 : vector<16xi32>
        tpu.vector_store_idx %arg9[%add3A_1818], %gather3A_1816 : memref<16384xf32, #tpu.memory_space<vmem>>[vector<16xi32>], vector<16xf32>,
        %add3A_1819 = arith.constant 16 : i32
        %add3A_1820 = vector.broadcast %add3A_1819 : i32 to vector<16xi32>
        %add3A_1821 = arith.addi %select_n3A_1221, %add3A_1820 : vector<16xi32>
        %gather3A_1822 = tpu.vector_load_idx %arg7[%add3A_1592, %add3A_1821] : memref<512x32xf32, #tpu.memory_space<vmem>>[vector<16xi32>, vector<16xi32>], vector<16xf32>,
        %add3A_1823 = vector.broadcast %add3A_1734 : i32 to vector<16xi32>
        %add3A_1824 = arith.addi %add3A_1282, %add3A_1823 : vector<16xi32>
        tpu.vector_store_idx %arg9[%add3A_1824], %gather3A_1822 : memref<16384xf32, #tpu.memory_space<vmem>>[vector<16xi32>], vector<16xf32>,
        %add3A_1825 = arith.constant 16 : i32
        %add3A_1826 = vector.broadcast %add3A_1825 : i32 to vector<16xi32>
        %add3A_1827 = arith.addi %select_n3A_1307, %add3A_1826 : vector<16xi32>
        %gather3A_1828 = tpu.vector_load_idx %arg7[%add3A_1592, %add3A_1827] : memref<512x32xf32, #tpu.memory_space<vmem>>[vector<16xi32>, vector<16xi32>], vector<16xf32>,
        %add3A_1829 = vector.broadcast %add3A_1734 : i32 to vector<16xi32>
        %add3A_1830 = arith.addi %add3A_1368, %add3A_1829 : vector<16xi32>
        tpu.vector_store_idx %arg9[%add3A_1830], %gather3A_1828 : memref<16384xf32, #tpu.memory_space<vmem>>[vector<16xi32>], vector<16xf32>,
      }
      %scan3A_1515 = arith.constant 32 : i32
      %mul3A_1516 = arith.constant 4 : i32
      %mul3A_1517 = arith.muli %add3A_1491, %mul3A_1516 : i32
      %add3A_1518 = arith.constant 0 : i32
      %add3A_1519 = arith.addi %mul3A_1517, %add3A_1518 : i32
      %mul3A_1520 = arith.constant 128 : i32
      %mul3A_1521 = arith.muli %add3A_1519, %mul3A_1520 : i32
      %mul3A_1522 = arith.constant 4 : i32
      %mul3A_1523 = arith.muli %add3A, %mul3A_1522 : i32
      %add3A_1524 = arith.addi %mul3A_1521, %mul3A_1523 : i32
      %mul3A_1525 = arith.constant 1024 : i32
      %mul3A_1526 = arith.muli %add3A_1524, %mul3A_1525 : i32
      %dma_start3A_1527 = arith.constant 0 : i32
      %dma_start3A_1528 = tpu.memref_slice %arg9[%dma_start3A_1527] : memref<16384xf32, #tpu.memory_space<vmem>> -> memref<4096xf32, #tpu.memory_space<vmem>>
      %dma_start3A_1529 = tpu.memref_slice %arg4[%mul3A_1526] : memref<26214400xf32, #tpu.memory_space<hbm>> -> memref<4096xf32, #tpu.memory_space<hbm>>
      %dma_start3A_1530 = tpu.memref_slice %arg4[%mul3A_1526] : memref<26214400xf32, #tpu.memory_space<hbm>> -> memref<4096xf32, #tpu.memory_space<hbm>>
      %dma_start3A_1531 = arith.constant 0 : i32
      %dma_start3A_1532 = tpu.memref_slice %arg9[%dma_start3A_1531] : memref<16384xf32, #tpu.memory_space<vmem>> -> memref<4096xf32, #tpu.memory_space<vmem>>
      tpu.enqueue_dma source(%dma_start3A_1532 : memref<4096xf32, #tpu.memory_space<vmem>>) target(%dma_start3A_1530 : memref<4096xf32, #tpu.memory_space<hbm>>) target_semaphore(%arg14 : memref<!tpu.dma_semaphore, #tpu.memory_space<semaphore_mem>>)
      %mul3A_1533 = arith.constant 4 : i32
      %mul3A_1534 = arith.muli %add3A_1491, %mul3A_1533 : i32
      %add3A_1535 = arith.constant 1 : i32
      %add3A_1536 = arith.addi %mul3A_1534, %add3A_1535 : i32
      %mul3A_1537 = arith.constant 128 : i32
      %mul3A_1538 = arith.muli %add3A_1536, %mul3A_1537 : i32
      %mul3A_1539 = arith.constant 4 : i32
      %mul3A_1540 = arith.muli %add3A, %mul3A_1539 : i32
      %add3A_1541 = arith.addi %mul3A_1538, %mul3A_1540 : i32
      %mul3A_1542 = arith.constant 1024 : i32
      %mul3A_1543 = arith.muli %add3A_1541, %mul3A_1542 : i32
      %dma_start3A_1544 = arith.constant 4096 : i32
      %dma_start3A_1545 = tpu.memref_slice %arg9[%dma_start3A_1544] : memref<16384xf32, #tpu.memory_space<vmem>> -> memref<4096xf32, #tpu.memory_space<vmem>>
      %dma_start3A_1546 = tpu.memref_slice %arg4[%mul3A_1543] : memref<26214400xf32, #tpu.memory_space<hbm>> -> memref<4096xf32, #tpu.memory_space<hbm>>
      %dma_start3A_1547 = tpu.memref_slice %arg4[%mul3A_1543] : memref<26214400xf32, #tpu.memory_space<hbm>> -> memref<4096xf32, #tpu.memory_space<hbm>>
      %dma_start3A_1548 = arith.constant 4096 : i32
      %dma_start3A_1549 = tpu.memref_slice %arg9[%dma_start3A_1548] : memref<16384xf32, #tpu.memory_space<vmem>> -> memref<4096xf32, #tpu.memory_space<vmem>>
      tpu.enqueue_dma source(%dma_start3A_1549 : memref<4096xf32, #tpu.memory_space<vmem>>) target(%dma_start3A_1547 : memref<4096xf32, #tpu.memory_space<hbm>>) target_semaphore(%arg14 : memref<!tpu.dma_semaphore, #tpu.memory_space<semaphore_mem>>)
      %mul3A_1550 = arith.constant 4 : i32
      %mul3A_1551 = arith.muli %add3A_1491, %mul3A_1550 : i32
      %add3A_1552 = arith.constant 2 : i32
      %add3A_1553 = arith.addi %mul3A_1551, %add3A_1552 : i32
      %mul3A_1554 = arith.constant 128 : i32
      %mul3A_1555 = arith.muli %add3A_1553, %mul3A_1554 : i32
      %mul3A_1556 = arith.constant 4 : i32
      %mul3A_1557 = arith.muli %add3A, %mul3A_1556 : i32
      %add3A_1558 = arith.addi %mul3A_1555, %mul3A_1557 : i32
      %mul3A_1559 = arith.constant 1024 : i32
      %mul3A_1560 = arith.muli %add3A_1558, %mul3A_1559 : i32
      %dma_start3A_1561 = arith.constant 8192 : i32
      %dma_start3A_1562 = tpu.memref_slice %arg9[%dma_start3A_1561] : memref<16384xf32, #tpu.memory_space<vmem>> -> memref<4096xf32, #tpu.memory_space<vmem>>
      %dma_start3A_1563 = tpu.memref_slice %arg4[%mul3A_1560] : memref<26214400xf32, #tpu.memory_space<hbm>> -> memref<4096xf32, #tpu.memory_space<hbm>>
      %dma_start3A_1564 = tpu.memref_slice %arg4[%mul3A_1560] : memref<26214400xf32, #tpu.memory_space<hbm>> -> memref<4096xf32, #tpu.memory_space<hbm>>
      %dma_start3A_1565 = arith.constant 8192 : i32
      %dma_start3A_1566 = tpu.memref_slice %arg9[%dma_start3A_1565] : memref<16384xf32, #tpu.memory_space<vmem>> -> memref<4096xf32, #tpu.memory_space<vmem>>
      tpu.enqueue_dma source(%dma_start3A_1566 : memref<4096xf32, #tpu.memory_space<vmem>>) target(%dma_start3A_1564 : memref<4096xf32, #tpu.memory_space<hbm>>) target_semaphore(%arg14 : memref<!tpu.dma_semaphore, #tpu.memory_space<semaphore_mem>>)
      %mul3A_1567 = arith.constant 4 : i32
      %mul3A_1568 = arith.muli %add3A_1491, %mul3A_1567 : i32
      %add3A_1569 = arith.constant 3 : i32
      %add3A_1570 = arith.addi %mul3A_1568, %add3A_1569 : i32
      %mul3A_1571 = arith.constant 128 : i32
      %mul3A_1572 = arith.muli %add3A_1570, %mul3A_1571 : i32
      %mul3A_1573 = arith.constant 4 : i32
      %mul3A_1574 = arith.muli %add3A, %mul3A_1573 : i32
      %add3A_1575 = arith.addi %mul3A_1572, %mul3A_1574 : i32
      %mul3A_1576 = arith.constant 1024 : i32
      %mul3A_1577 = arith.muli %add3A_1575, %mul3A_1576 : i32
      %dma_start3A_1578 = arith.constant 12288 : i32
      %dma_start3A_1579 = tpu.memref_slice %arg9[%dma_start3A_1578] : memref<16384xf32, #tpu.memory_space<vmem>> -> memref<4096xf32, #tpu.memory_space<vmem>>
      %dma_start3A_1580 = tpu.memref_slice %arg4[%mul3A_1577] : memref<26214400xf32, #tpu.memory_space<hbm>> -> memref<4096xf32, #tpu.memory_space<hbm>>
      %dma_start3A_1581 = tpu.memref_slice %arg4[%mul3A_1577] : memref<26214400xf32, #tpu.memory_space<hbm>> -> memref<4096xf32, #tpu.memory_space<hbm>>
      %dma_start3A_1582 = arith.constant 12288 : i32
      %dma_start3A_1583 = tpu.memref_slice %arg9[%dma_start3A_1582] : memref<16384xf32, #tpu.memory_space<vmem>> -> memref<4096xf32, #tpu.memory_space<vmem>>
      tpu.enqueue_dma source(%dma_start3A_1583 : memref<4096xf32, #tpu.memory_space<vmem>>) target(%dma_start3A_1581 : memref<4096xf32, #tpu.memory_space<hbm>>) target_semaphore(%arg14 : memref<!tpu.dma_semaphore, #tpu.memory_space<semaphore_mem>>)
    }
    %scan3A_1385 = arith.constant 25 : i32
    %dma_wait3A_1386 = arith.constant 0 : i32
    %dma_wait3A_1387 = tpu.memref_slice %arg4[%dma_wait3A_1386] : memref<26214400xf32, #tpu.memory_space<hbm>> -> memref<16384xf32, #tpu.memory_space<hbm>>
    %dma_wait3A_1388 = arith.constant 0 : i32
    %dma_wait3A_1389 = tpu.memref_slice %arg4[%dma_wait3A_1388] : memref<26214400xf32, #tpu.memory_space<hbm>> -> memref<16384xf32, #tpu.memory_space<hbm>>
    tpu.wait_dma2 semaphore(%arg13 : memref<!tpu.dma_semaphore, #tpu.memory_space<semaphore_mem>>) src(%arg8 : memref<16384xf32, #tpu.memory_space<vmem>>) dst(%dma_wait3A_1389 : memref<16384xf32, #tpu.memory_space<hbm>>)
    %dma_wait3A_1390 = arith.constant 0 : i32
    %dma_wait3A_1391 = tpu.memref_slice %arg4[%dma_wait3A_1390] : memref<26214400xf32, #tpu.memory_space<hbm>> -> memref<16384xf32, #tpu.memory_space<hbm>>
    %dma_wait3A_1392 = arith.constant 0 : i32
    %dma_wait3A_1393 = tpu.memref_slice %arg4[%dma_wait3A_1392] : memref<26214400xf32, #tpu.memory_space<hbm>> -> memref<16384xf32, #tpu.memory_space<hbm>>
    tpu.wait_dma2 semaphore(%arg14 : memref<!tpu.dma_semaphore, #tpu.memory_space<semaphore_mem>>) src(%arg9 : memref<16384xf32, #tpu.memory_space<vmem>>) dst(%dma_wait3A_1393 : memref<16384xf32, #tpu.memory_space<hbm>>)
    return
  }
}

</mosaic_0001>

<sc_bundles>
// kernel: kernel.3.cloned.1.call-start
scs
__scs_entry_jumppad:
0x0: {  	(pc) =	sbr.rel $0x88, $3  }
0x1: {  	(tag) =	ssettag $0x0;
	lr =	simm.s32 $0x1  }
0x2: {  	[smem:$0x3F9F] =	sst lr;
	_ =	strace $0xD0000000  }
0x3: {  	_ = 	snop  }
0x4: {  	_ = 	snop  }
0x5: {  	_ = 	snop  }
0x6: {  	_ = 	snop  }
0x7: {  	_ = 	snop  }
__scs_overlays_trampoline_lowered:
0x8: {  	[smem:$0x3FAE] =	sst s0  }
0x9: {  	[smem:$0x3FAF] =	sst s1  }
0xa: {  	[smem:$0x3FB0] =	sst s2  }
0xb: {  	[smem:$0x3FB1] =	sst s3  }
0xc: {  	[smem:$0x3FB2] =	sst s4  }
0xd: {  	[smem:$0x3FB3] =	sst s5  }
0xe: {  	[smem:$0x3FB4] =	sst s6  }
0xf: {  	[smem:$0x3FB5] =	sst s7  }
0x10: {  	[smem:$0x3FB6] =	sst s8  }
0x11: {  	[smem:$0x3FB7] =	sst s9;
	s0 =	simm.s32 @!p0 $0x0  }
0x12: {  	s1 =	sld [smem:$0x3F9D];
	s0 =	simm.s32 @p0 $0x1  }
0x13: {  	[smem:$0x3FB8] =	sst s0;
	s0 =	simm.s32 @!p1 $0x0  }
0x14: {  	s2 =	sld [smem:$0x3F9C];
	s0 =	simm.s32 @p1 $0x1  }
0x15: {  	[smem:$0x3FB9] =	sst s0;
	s0 =	simm.s32 @!p2 $0x0  }
0x16: {  	s3 =	sld [smem:$0x3FDB];
	s0 =	simm.s32 @p2 $0x1  }
0x17: {  	s4 =	simm.s32 $0x1BF5;
	[smem:$0x3FBB] =	sst s0  }
0x18: {  	s0 =	sld [smem:$0x3F9E];
	_ =	swait.ge [sflag:s4], $0x0  }
0x19: {  	s7 =	sld [smem:$0x3F9F]  }
0x1a: {  	s8 =	sadd.s32 $0xFFFFE003, lr  }
0x1b: {  	s9 =	sadd.s32 $0xFFFFFEF7, lr;
	s5 =	simm.s32 $0xFFFFFFFF;
	p2 =	slt.u32 s8, $0xFFFFF086  }
0x1c: {  	p1 =	slt.u32 s9, $0xF7A;
	s5 =	simm.s32 @!p2 $0x0  }
0x1d: {  	s5 =	simm.s32 @p1 $0x1;
	p0 =	seq.s32 s7, s2  }
0x1e: {  	s7 =	smul.u32 @!p0 $0xF7A, s2;
	p2 =	seq.s32 @!p0 s5, $0x0  }
0x1f: {  	s9 =	smul.u32 $0xF7A, s1;
	s8 =	simm.s32 @!p0 $0x1BF5;
	p2 =	por !p2, p0  }
0x20: {  	[sflag:s8] =	ssyncset.s32 @!p0 $0xFFFFF086;
	s6 =	sadd.s32 @!p0 s3, s7;
	s7 =	simm.s32 @!p0 $0x108  }
0x21: {  	s3 =	sadd.s32 s3, s9;
	s6 =	sadd.s32 @!p0 $0x88, s6;
	s7 =	simm.s32 @p2 $0x1082  }
0x22: {  	[simem:s7], [sflag:s8] =	dma.local @!p0 [hbm:s6], $0xF7A  }
0x23: {  	s9 =	sor.u32 $0xD0000000, s2;
	s6 =	simm.s32 $0x108;
	_ =	swait.ge @!p0 [sflag:s8], $0x0  }
0x24: {  	s3 =	sadd.s32 $0x88, s3;
	s6 =	simm.s32 @!p1 $0x1082;
	[sflag:s4] =	ssyncset.s32 $0xFFFFF086  }
0x25: {  	[simem:s6], [sflag:s4] =	dma.local [hbm:s3], $0xF7A  }
0x26: {  	[smem:$0x3F9F] =	sst s1;
	(tag) =	ssettag s2;
	_ =	strace s9  }
0x27: {  	s1 =	sld [smem:$0x3FAF]  }
0x28: {  	s2 =	sld [smem:$0x3FB0]  }
0x29: {  	s4 =	sld [smem:$0x3FB2]  }
0x2a: {  	p0 =	seq.s32 s5, $0x0;
	s5 =	sld [smem:$0x3FB3]  }
0x2b: {  	s6 =	sld [smem:$0x3FB4]  }
0x2c: {  	s7 =	sld [smem:$0x3FB5]  }
0x2d: {  	s3 =	simm.s32 $0x108;
	s8 =	sld [smem:$0x3FB6]  }
0x2e: {  	s3 =	simm.s32 @!p0 $0x1082;
	s9 =	sld [smem:$0x3FB7]  }
0x2f: {  	lr =	sadd.s32 s0, s3;
	s0 =	sld [smem:$0x3FAE]  }
0x30: {  	s3 =	sld [smem:$0x3FB1]  }
0x31: {  	[smem:$0x3FBA] =	sst s10  }
0x32: {  	s10 =	sld [smem:$0x3FB8];
	_ =	sdelay $0x3  }
0x33: {  	p0 =	seq.s32 s10, $0x1;
	s10 =	sld [smem:$0x3FBA];
	_ =	sdelay $0x3  }
0x34: {  	[smem:$0x3FBA] =	sst s10  }
0x35: {  	s10 =	sld [smem:$0x3FB9];
	_ =	sdelay $0x3  }
0x36: {  	p1 =	seq.s32 s10, $0x1;
	s10 =	sld [smem:$0x3FBA];
	_ =	sdelay $0x3  }
0x37: {  	[smem:$0x3FBA] =	sst s10  }
0x38: {  	s10 =	sld [smem:$0x3FBB]  }
0x39: {  	_ = 	snop;
	(pc) =	sbr.ind lr, $3  }
0x3a: {  	_ = 	snop  }
0x3b: {  	_ = 	snop  }
0x3c: {  	p2 =	seq.s32 s10, $0x1;
	s10 =	sld [smem:$0x3FBA]  }
0x3d: {  	_ =	shalt  }
0x3e: {  	_ =	shalt  }
0x3f: {  	_ =	shalt  }
0x40: {  	_ =	shalt  }
0x41: {  	_ =	shalt  }
0x42: {  	_ =	shalt  }
0x43: {  	_ =	shalt  }
0x44: {  	_ =	shalt  }
0x45: {  	_ =	shalt  }
0x46: {  	_ =	shalt  }
0x47: {  	_ =	shalt  }
0x48: {  	_ =	shalt  }
0x49: {  	_ =	shalt  }
0x4a: {  	_ =	shalt  }
0x4b: {  	_ =	shalt  }
0x4c: {  	_ =	shalt  }
0x4d: {  	_ =	shalt  }
0x4e: {  	_ =	shalt  }
0x4f: {  	_ =	shalt  }
0x50: {  	_ =	shalt  }
0x51: {  	_ =	shalt  }
0x52: {  	_ =	shalt  }
0x53: {  	_ =	shalt  }
0x54: {  	_ =	shalt  }
0x55: {  	_ =	shalt  }
0x56: {  	_ =	shalt  }
0x57: {  	_ =	shalt  }
0x58: {  	_ =	shalt  }
0x59: {  	_ =	shalt  }
0x5a: {  	_ =	shalt  }
0x5b: {  	_ =	shalt  }
0x5c: {  	_ =	shalt  }
0x5d: {  	_ =	shalt  }
0x5e: {  	_ =	shalt  }
0x5f: {  	_ =	shalt  }
0x60: {  	_ =	shalt  }
0x61: {  	_ =	shalt  }
0x62: {  	_ =	shalt  }
0x63: {  	_ =	shalt  }
0x64: {  	_ =	shalt  }
0x65: {  	_ =	shalt  }
0x66: {  	_ =	shalt  }
0x67: {  	_ =	shalt  }
0x68: {  	_ =	shalt  }
0x69: {  	_ =	shalt  }
0x6a: {  	_ =	shalt  }
0x6b: {  	_ =	shalt  }
0x6c: {  	_ =	shalt  }
0x6d: {  	_ =	shalt  }
0x6e: {  	_ =	shalt  }
0x6f: {  	_ =	shalt  }
0x70: {  	_ =	shalt  }
0x71: {  	_ =	shalt  }
0x72: {  	_ =	shalt  }
0x73: {  	_ =	shalt  }
0x74: {  	_ =	shalt  }
0x75: {  	_ =	shalt  }
0x76: {  	_ =	shalt  }
0x77: {  	_ =	shalt  }
0x78: {  	_ =	shalt  }
0x79: {  	_ =	shalt  }
0x7a: {  	_ =	shalt  }
0x7b: {  	_ =	shalt  }
0x7c: {  	_ =	shalt  }
0x7d: {  	_ =	shalt  }
0x7e: {  	_ =	shalt  }
0x7f: {  	_ =	shalt  }
0x80: {  	_ =	shalt  }
0x81: {  	_ =	shalt  }
0x82: {  	_ =	shalt  }
0x83: {  	_ =	shalt  }
0x84: {  	_ =	shalt  }
0x85: {  	_ =	shalt  }
0x86: {  	_ =	shalt  }
0x87: {  	_ =	shalt  }
.Lfunc_end0:
.L_simem_size_0:
called_computation_lowered:
.L_overlay_start_0:
0x88: {  	s2 =	sld [smem:$0x3FD9]  }
0x89: {  	s3 =	sld [smem:$0x3FFE];
	_ =	sdelay $0x1  }
0x8a: {  	s1 =	srdreg.scid  }
0x8b: {  	s0 =	sand.u32 $0x1, s1  }
0x8c: {  	s17 =	sshll.u32 s0, $0xA;
	s2 =	sadd.s32 s3, s2  }
0x8d: {  	s2 =	sadd.s32 s2, s17  }
0x8e: {  	[smem:$0x3FC6] =	sst s2  }
0x8f: {  	_ = 	snop  }
0x90: {  	s2 =	sld [smem:$0x3FD0];
	(tm) =	ssettm $0x1  }
0x91: {  	s18 =	sld [smem:$0x3FFB];
	_ =	sdelay $0x3  }
0x92: {  	_ =	strace s18  }
0x93: {  	s3 =	sld [smem:$0x3FFC];
	_ =	sdelay $0x3  }
0x94: {  	_ =	strace s3  }
0x95: {  	s3 =	sld [smem:$0x3FFD];
	_ =	sdelay $0x3  }
0x96: {  	_ =	strace s3  }
0x97: {  	_ =	strace $0x8FFFFFFF  }
0x98: {  	s19 =	sld [smem:$0x3FDB];
	_ =	sdelay $0x1  }
0x99: {  	s4 =	simm.s32 $_scs_section_size  }
0x9a: {  	s5 =	simm.s32 $_size__tile_overlayer_lowered;
	s6 =	simm.s32 $_tile_overlayer_lowered  }
0x9b: {  	s22 =	simm.s32 $0x1BFF;
	s21 =	sshll.u32 s6, $0x1;
	s3 =	sadd.s32 s4, s19  }
0x9c: {  	s7 =	simm.s32 $0x0;
	s20 =	sshll.u32 s5, $0x1;
	s5 =	sadd.s32 s21, s3  }
0x9d: {  	[timem:s7], [sflag:s22] =	dma.local [hbm:s5], s20  }
0x9e: {  	_ =	swait.ge [sflag:s22], s20  }
0x9f: {  	s4 =	ssub.s32 $0x0, s20;
	[sflag:s22] =	ssyncset.done $0x0  }
0xa0: {  	[sflag:s22] =	ssyncadd.s32 s4;
	_ =	sdelay $0x1  }
0xa1: {  	s23 =	simm.s32 $0x1B8B  }
0xa2: {  	_ =	swait.ge [sflag:s23], $0x1  }
0xa3: {  	[sflag:s23] =	ssyncset.done $0x0  }
0xa4: {  	s25 =	simm.s32 $0x1B8E;
	s24 =	sld [smem:$0x3FFE];
	[sflag:s23] =	ssyncadd.s32 $0xFFFFFFFF  }
0xa5: {  	s26 =	simm.s32 $execute0_lowered;
	[smem:$0x3FD2] =	sst s25  }
0xa6: {  	s5 =	sshll.u32 s26, $0x1;
	_ =	strace $0x80000046;
	[dreg:$0x1] =	wrdreg $0xFFFFFFFF  }
0xa7: {  	s28 =	simm.s32 $_size_execute0_lowered;
	s3 =	sadd.s32 s3, s5;
	[dreg:$0x0] =	wrdreg $0x0  }
0xa8: {  	s5 =	sshll.u32 s28, $0x1;
	[dreg:$0x2] =	wrdreg s3  }
0xa9: {  	[dreg:$0x3] =	wrdreg s5  }
0xaa: {  	[dreg:$0x4] =	wrdreg $0xC0  }
0xab: {  	_ =	task [dreg:s7], $0x5FFFF  }
0xac: {  	[dreg:$0x1] =	wrdreg $0xFFFFFFFF  }
0xad: {  	[dreg:$0x0] =	wrdreg $0x60  }
0xae: {  	[dreg:$0x2] =	wrdreg s24  }
0xaf: {  	[dreg:$0x3] =	wrdreg s2  }
0xb0: {  	[dreg:$0x4] =	wrdreg $0x9  }
0xb1: {  	_ =	task.clear_ibuf [dreg:s7], $0x5FFFF;
	_ =	strace $0x90000046  }
0xb2: {  	s29 =	simm.s32 $0x9;
	_ =	strace $0x80000048  }
0xb3: {  	_ =	swait.ge [sflag:s29], $0x1  }
0xb4: {  	[sflag:s29] =	ssyncadd.s32 $0xFFFFFFFF  }
0xb5: {  	_ =	strace $0x90000048  }
0xb6: {  	_ =	sfence  }
0xb7: {  	s30 =	sld [smem:$0x0];
	_ =	sdelay $0x2  }
0xb8: {  	s31 =	sshll.u32 s1, $0xD;
	s1 =	sshrl.u32 s1, $0x2  }
0xb9: {  	s3 =	sand.u32 $0x4000, s31;
	s1 =	sadd.s32 s1, s30  }
0xba: {  	s0 =	sor.u32 s3, s0;
	s1 =	sshll.u32 s1, $0x11  }
0xbb: {  	s0 =	sor.u32 s1, s0  }
0xbc: {  	s0 =	sadd.s32 $0x8F2B, s0  }
0xbd: {  	[sflag:s0] =	ssyncadd.remote.s32 $0x1  }
0xbe: {  	_ =	sfence.sel $0xFFFF  }
0xbf: {  	[dreg:$0x0] =	wrdreg $0xFFFFFFFF;
	(pc) =	sbr.abs _section_cstart, $3  }
0xc0: {  	[dreg:$0x1] =	wrdreg $0xFFFFFFFF  }
0xc1: {  	_ =	task.clear_ibuf [dreg:s7], $0x2FFFF;
	_ =	strace $0x9FFFFFFF  }
0xc2: {  	(tm) =	ssettm $0x7FFFFFFF  }
0xc3: {  	_ =	shalt  }
tec
execute0_lowered:
.L_overlay_start_1:
0x0: {  	(tag) =	ssettag $0x1  }
0x1: {  	v0 =	vimm.s32 $0x138F  }
0x2: {  	vm14 =	vcmask $0x300;
	vm13 =	vcmask $0x704;
	vm12 =	vcmask $0xB08  }
0x3: {  	vm11 =	vcmask $0xF0C;
	vm10 =	vcmask $0x1310;
	vm9 =	vcmask $0x1714  }
0x4: {  	vm8 =	vcmask $0x1B18;
	vm6 =	vcmask $0x1F1C;
	vm7 =	vcmask $0x2320  }
0x5: {  	vm3 =	vcmask $0x2724;
	v2 =	vimm.s32 $0xF;
	vm4 =	vcmask $0x2B28  }
0x6: {  	vm2 =	vcmask $0x2F2C;
	vm0 =	vcmask $0x3330;
	vm5 =	vcmask $0x3734  }
0x7: {  	v4 =	vimm.s32 $0xFEDCBA9;
	v5 =	vimm.s32 $0x87654321;
	v6 =	vimm.s32 $0x8F  }
0x8: {  	vm1 =	vcmask $0x3B38;
	v7 =	vimm.s32 $0x98765432;
	v8 =	vimm.s32 $0x10F  }
0x9: {  	v11 =	vimm.s32 $0xBA987654;
	v13 =	vimm.s32 $0xCBA98765;
	v15 =	vimm.s32 $0xDCBA9876  }
0xa: {  	v16 =	vimm.s32 $0x30F;
	v17 =	vimm.s32 $0xEDCBA987;
	v60 =	vimm.s32 $0x76543210  }
0xb: {  	v34 =	vimm.s32 $0xFEDCBA98;
	v62 =	vimm.s32 $0x108F;
	v36 =	vimm.s32 $0x110F  }
0xc: {  	v38 =	vimm.s32 $0x118F;
	v40 =	vimm.s32 $0x120F;
	v42 =	vimm.s32 $0x128F  }
0xd: {  	v43 =	vimm.s32 $0x130F;
	v46 =	vimm.s32 $0x1C1B1A19;
	v47 =	vimm.s32 $0x101F1E1D  }
0xe: {  	v48 =	vimm.s32 $0x14131211;
	v49 =	vimm.s32 $0x18171615;
	v50 =	vimm.s32 $0x1D1C1B1A  }
0xf: {  	v51 =	vimm.s32 $0x11101F1E;
	v52 =	vimm.s32 $0x15141312;
	v53 =	vimm.s32 $0x19181716  }
0x10: {  	v56 =	vimm.s32 $0x1E1D1C1B;
	v57 =	vimm.s32 $0x1211101F;
	v58 =	vimm.s32 $0x16151413  }
0x11: {  	v59 =	vimm.s32 $0x1A191817;
	v0 =	vsel vm14, $0x0, v0;
	v2 =	vsel vm14, $0x80, v2  }
0x12: {  	v4 =	vunpack.c.l.s4.s8 v4;
	v5 =	vunpack.c.l.s4.s8 v5;
	v6 =	vsel vm14, $0x100, v6  }
0x13: {  	v7 =	vunpack.c.l.s4.s8 v7;
	v11 =	vunpack.c.l.s4.s8 v11;
	v13 =	vunpack.c.l.s4.s8 v13  }
0x14: {  	v15 =	vunpack.c.l.s4.s8 v15;
	v17 =	vunpack.c.l.s4.s8 v17;
	v34 =	vunpack.c.l.s4.s8 v34  }
0x15: {  	v63 =	vsel vm14, $0x1100, v62;
	v41 =	vsel vm14, $0x1280, v40;
	v0 =	vsel vm13, $0x81, v0  }
0x16: {  	v62 =	vimm.s32 $0x17161514;
	v2 =	vsel vm13, $0x101, v2;
	v0 =	vsel vm12, $0x102, v0  }
0x17: {  	v2 =	vsel vm12, $0x182, v2;
	v18 =	vunpack.c.0.s8.s32 v4;
	v0 =	vsel vm11, $0x183, v0  }
0x18: {  	v4 =	vsel vm13, $0x181, v6;
	v19 =	vunpack.c.0.s8.s32 v5;
	v0 =	vsel vm10, $0x204, v0  }
0x19: {  	v21 =	vunpack.c.0.s8.s32 v7;
	v2 =	vsel vm11, $0x203, v2;
	v0 =	vsel vm9, $0x285, v0  }
0x1a: {  	v7 =	vimm.s32 $0x210FEDCB;
	v2 =	vsel vm10, $0x284, v2;
	v1 =	vsel vm8, $0x306, v0  }
0x1b: {  	v25 =	vunpack.c.0.s8.s32 v11;
	v2 =	vsel vm9, $0x305, v2;
	v1 =	vsel vm6, $0x387, v1  }
0x1c: {  	v27 =	vunpack.c.0.s8.s32 v13;
	v2 =	vsel vm8, $0x386, v2;
	v1 =	vsel vm7, $0x1008, v1  }
0x1d: {  	v30 =	vunpack.c.0.s8.s32 v15;
	v2 =	vsel vm6, $0x1007, v2;
	v1 =	vsel vm3, $0x1089, v1  }
0x1e: {  	v4 =	vsel vm12, $0x202, v4;
	v2 =	vsel vm7, $0x1088, v2;
	v1 =	vsel vm4, $0x110A, v1  }
0x1f: {  	v4 =	vsel vm11, $0x283, v4;
	v2 =	vsel vm3, $0x1109, v2;
	v3 =	vsel vm2, $0x118B, v1  }
0x20: {  	v5 =	vcombine.low v19, v18;
	v2 =	vsel vm4, $0x118A, v2;
	v3 =	vsel vm0, $0x120C, v3  }
0x21: {  	v4 =	vsel vm10, $0x304, v4;
	v6 =	vsel vm2, $0x120B, v2;
	v3 =	vsel vm5, $0x128D, v3  }
0x22: {  	v4 =	vsel vm9, $0x385, v4;
	v6 =	vsel vm0, $0x128C, v6;
	v2 =	vsel vm1, $0x130E, v3  }
0x23: {  	v3 =	vand.u32 $0xF, v5;
	v5 =	vsel vm5, $0x130D, v6;
	v6 =	vsel vm8, $0x1006, v4  }
0x24: {  	v4 =	vsel vm1, $0x138E, v5;
	v5 =	vimm.s32 $0x10FEDCBA;
	v6 =	vsel vm6, $0x1087, v6  }
0x25: {  	v32 =	vunpack.c.0.s8.s32 v17;
	v5 =	vunpack.c.l.s4.s8 v5;
	v6 =	vsel vm7, $0x1108, v6  }
0x26: {  	v34 =	vunpack.c.0.s8.s32 v34;
	v7 =	vunpack.c.l.s4.s8 v7;
	v6 =	vsel vm3, $0x1189, v6  }
0x27: {  	v20 =	vunpack.c.0.s8.s32 v5;
	v5 =	vsel vm4, $0x120A, v6;
	v6 =	vsel vm14, $0x180, v8  }
0x28: {  	v34 =	vand.u32 $0xF, v34;
	v19 =	vcombine.low v18, v19;
	v6 =	vsel vm13, $0x201, v6  }
0x29: {  	v22 =	vunpack.c.0.s8.s32 v7;
	v8 =	vimm.s32 $0xA9876543;
	v6 =	vsel vm12, $0x282, v6  }
0x2a: {  	v5 =	vsel vm2, $0x128B, v5;
	v8 =	vunpack.c.l.s4.s8 v8;
	v6 =	vsel vm11, $0x303, v6  }
0x2b: {  	v0 =	vlaneseq.u32;
	v10 =	vsel vm0, $0x130C, v5;
	v5 =	vsel vm10, $0x384, v6  }
0x2c: {  	v9 =	vcombine.low v21, v20;
	v23 =	vunpack.c.0.s8.s32 v8;
	v6 =	vsel vm9, $0x1005, v5  }
0x2d: {  	v7 =	vsel vm5, $0x138D, v10;
	v10 =	vimm.s32 $0x18F;
	v6 =	vsel vm8, $0x1086, v6  }
0x2e: {  	v5 =	vand.u32 $0xF, v9;
	v8 =	vcombine.low v23, v22;
	v9 =	vsel vm6, $0x1107, v6  }
0x2f: {  	v10 =	vsel vm14, $0x200, v10;
	v6 =	vsel vm1, $0xE, v7;
	v9 =	vsel vm7, $0x1188, v9  }
0x30: {  	v7 =	vand.u32 $0xF, v8;
	v8 =	vsel vm3, $0x1209, v9;
	v9 =	vsel vm13, $0x281, v10  }
0x31: {  	v19 =	vand.u32 $0xF, v19;
	v10 =	vimm.s32 $0x3210FEDC;
	v9 =	vsel vm12, $0x302, v9  }
0x32: {  	v1 =	vmul.u32 $0x20, v0;
	v10 =	vunpack.c.l.s4.s8 v10;
	v9 =	vsel vm11, $0x383, v9  }
0x33: {  	v21 =	vcombine.low v20, v21;
	v23 =	vcombine.low v22, v23;
	v9 =	vsel vm10, $0x1004, v9  }
0x34: {  	v24 =	vunpack.c.0.s8.s32 v10;
	v10 =	vimm.s32 $0x20F;
	v9 =	vsel vm9, $0x1085, v9  }
0x35: {  	v21 =	vand.u32 $0xF, v21;
	v10 =	vsel vm14, $0x280, v10;
	v9 =	vsel vm8, $0x1106, v9  }
0x36: {  	v23 =	vand.u32 $0xF, v23;
	v10 =	vsel vm13, $0x301, v10;
	v9 =	vsel vm6, $0x1187, v9  }
0x37: {  	v11 =	vcombine.low v25, v24;
	v10 =	vsel vm12, $0x382, v10;
	v9 =	vsel vm7, $0x1208, v9  }
0x38: {  	v8 =	vsel vm4, $0x128A, v8;
	v10 =	vsel vm11, $0x1003, v10;
	v12 =	vsel vm3, $0x1289, v9  }
0x39: {  	v9 =	vand.u32 $0xF, v11;
	v11 =	vsel vm4, $0x130A, v12;
	v12 =	vimm.s32 $0x43210FED  }
0x3a: {  	v8 =	vsel vm2, $0x130B, v8;
	v10 =	vsel vm10, $0x1084, v10;
	v12 =	vunpack.c.l.s4.s8 v12  }
0x3b: {  	v8 =	vsel vm0, $0x138C, v8;
	v10 =	vsel vm9, $0x1105, v10;
	v11 =	vsel vm2, $0x138B, v11  }
0x3c: {  	v10 =	vsel vm8, $0x1186, v10;
	v26 =	vunpack.c.0.s8.s32 v12;
	v12 =	vimm.s32 $0x28F  }
0x3d: {  	v11 =	vsel vm0, $0xC, v11;
	v10 =	vsel vm6, $0x1207, v10;
	v12 =	vsel vm14, $0x300, v12  }
0x3e: {  	v10 =	vsel vm7, $0x1288, v10;
	v11 =	vsel vm5, $0x8D, v11;
	v12 =	vsel vm13, $0x381, v12  }
0x3f: {  	v10 =	vsel vm3, $0x1309, v10;
	v13 =	vcombine.low v27, v26;
	v12 =	vsel vm12, $0x1002, v12  }
0x40: {  	v14 =	vsel vm4, $0x138A, v10;
	v10 =	vsel vm1, $0x10E, v11;
	v12 =	vsel vm11, $0x1083, v12  }
0x41: {  	v14 =	vsel vm2, $0xB, v14;
	v11 =	vand.u32 $0xF, v13;
	v12 =	vsel vm10, $0x1104, v12  }
0x42: {  	v13 =	vsel vm0, $0x8C, v14;
	v14 =	vimm.s32 $0x543210FE;
	v12 =	vsel vm9, $0x1185, v12  }
0x43: {  	v8 =	vsel vm5, $0xD, v8;
	v14 =	vunpack.c.l.s4.s8 v14;
	v12 =	vsel vm8, $0x1206, v12  }
0x44: {  	v8 =	vsel vm1, $0x8E, v8;
	v25 =	vcombine.low v24, v25;
	v12 =	vsel vm6, $0x1287, v12  }
0x45: {  	v29 =	vunpack.c.0.s8.s32 v14;
	v14 =	vsel vm14, $0x380, v16;
	v12 =	vsel vm7, $0x1308, v12  }
0x46: {  	v13 =	vsel vm5, $0x10D, v13;
	v14 =	vsel vm13, $0x1001, v14;
	v15 =	vsel vm3, $0x1389, v12  }
0x47: {  	v14 =	vsel vm12, $0x1082, v14;
	v12 =	vsel vm1, $0x18E, v13;
	v13 =	vsel vm4, $0xA, v15  }
0x48: {  	v25 =	vand.u32 $0xF, v25;
	v16 =	vsel vm2, $0x8B, v13;
	v13 =	vsel vm11, $0x1103, v14  }
0x49: {  	v15 =	vcombine.low v30, v29;
	v14 =	vimm.s32 $0x6543210F;
	v13 =	vsel vm10, $0x1184, v13  }
0x4a: {  	v27 =	vcombine.low v26, v27;
	v14 =	vunpack.c.l.s4.s8 v14;
	v28 =	vsel vm9, $0x1205, v13  }
0x4b: {  	v13 =	vand.u32 $0xF, v15;
	v15 =	vsel vm0, $0x10C, v16;
	v16 =	vsel vm8, $0x1286, v28  }
0x4c: {  	v29 =	vcombine.low v29, v30;
	v31 =	vunpack.c.0.s8.s32 v14;
	v14 =	vsel vm6, $0x1307, v16  }
0x4d: {  	v15 =	vsel vm5, $0x18D, v15;
	v16 =	vimm.s32 $0x38F;
	v14 =	vsel vm7, $0x1388, v14  }
0x4e: {  	v17 =	vcombine.low v32, v31;
	v16 =	vsel vm14, $0x1000, v16;
	v28 =	vsel vm3, $0x9, v14  }
0x4f: {  	v14 =	vsel vm1, $0x20E, v15;
	v16 =	vsel vm13, $0x1081, v16;
	v28 =	vsel vm4, $0x8A, v28  }
0x50: {  	v15 =	vand.u32 $0xF, v17;
	v16 =	vsel vm12, $0x1102, v16;
	v17 =	vsel vm2, $0x10B, v28  }
0x51: {  	v16 =	vsel vm11, $0x1183, v16;
	v28 =	vimm.s32 $0x100F;
	v17 =	vsel vm0, $0x18C, v17  }
0x52: {  	v33 =	vsel vm10, $0x1204, v16;
	v28 =	vsel vm14, $0x1080, v28;
	v17 =	vsel vm5, $0x20D, v17  }
0x53: {  	v28 =	vsel vm13, $0x1101, v28;
	v16 =	vsel vm1, $0x28E, v17;
	v17 =	vsel vm9, $0x1285, v33  }
0x54: {  	v27 =	vand.u32 $0xF, v27;
	v28 =	vsel vm12, $0x1182, v28;
	v17 =	vsel vm8, $0x1306, v17  }
0x55: {  	v29 =	vand.u32 $0xF, v29;
	v28 =	vsel vm11, $0x1203, v28;
	v17 =	vsel vm6, $0x1387, v17  }
0x56: {  	v31 =	vcombine.low v31, v32;
	v28 =	vsel vm10, $0x1284, v28;
	v17 =	vsel vm7, $0x8, v17  }
0x57: {  	v33 =	vunpack.c.l.s4.s8 v60;
	v28 =	vsel vm9, $0x1305, v28;
	v17 =	vsel vm3, $0x89, v17  }
0x58: {  	v31 =	vand.u32 $0xF, v31;
	v28 =	vsel vm8, $0x1386, v28;
	v17 =	vsel vm4, $0x10A, v17  }
0x59: {  	v33 =	vunpack.c.0.s8.s32 v33;
	v28 =	vsel vm6, $0x7, v28;
	v17 =	vsel vm2, $0x18B, v17  }
0x5a: {  	v60 =	vimm.s32 $0x1F1E1D1C;
	v28 =	vsel vm7, $0x88, v28;
	v35 =	vsel vm0, $0x20C, v17  }
0x5b: {  	v17 =	vcombine.low v34, v33;
	v28 =	vsel vm3, $0x109, v28;
	v33 =	vsel vm13, $0x1181, v63  }
0x5c: {  	v34 =	vsel vm14, $0x1180, v36;
	v36 =	vunpack.c.0.s8.s32 v46;
	v63 =	vimm.s32 $0x1B1A1918  }
0x5d: {  	v61 =	vsel vm5, $0x28D, v35;
	v28 =	vsel vm4, $0x18A, v28;
	v33 =	vsel vm12, $0x1202, v33  }
0x5e: {  	v37 =	vsel vm13, $0x1201, v34;
	v34 =	vsel vm14, $0x1200, v38;
	v38 =	vunpack.c.0.s8.s32 v48  }
0x5f: {  	v35 =	vunpack.c.0.s8.s32 v53;
	v18 =	vsel vm1, $0x30E, v61;
	v28 =	vsel vm2, $0x20B, v28  }
0x60: {  	v33 =	vsel vm11, $0x1283, v33;
	v34 =	vsel vm13, $0x1281, v34;
	v28 =	vsel vm0, $0x28C, v28  }
0x61: {  	v61 =	vimm.s32 $0x13121110;
	v34 =	vsel vm12, $0x1302, v34;
	v28 =	vsel vm5, $0x30D, v28  }
0x62: {  	v53 =	vunpack.c.0.s8.s32 v61;
	v34 =	vsel vm11, $0x1383, v34;
	v20 =	vsel vm1, $0x38E, v28  }
0x63: {  	v28 =	vsel vm10, $0x1304, v33;
	v33 =	vsel vm12, $0x1282, v37;
	v34 =	vsel vm10, $0x4, v34  }
0x64: {  	v37 =	vunpack.c.0.s8.s32 v47;
	v28 =	vsel vm9, $0x1385, v28;
	v33 =	vsel vm11, $0x1303, v33  }
0x65: {  	v34 =	vsel vm9, $0x85, v34;
	v28 =	vsel vm8, $0x6, v28;
	v33 =	vsel vm10, $0x1384, v33  }
0x66: {  	v34 =	vsel vm8, $0x106, v34;
	v28 =	vsel vm6, $0x87, v28;
	v33 =	vsel vm9, $0x5, v33  }
0x67: {  	v34 =	vsel vm6, $0x187, v34;
	v28 =	vsel vm7, $0x108, v28;
	v33 =	vsel vm8, $0x86, v33  }
0x68: {  	v39 =	vsel vm7, $0x208, v34;
	v28 =	vsel vm3, $0x189, v28;
	v33 =	vsel vm6, $0x107, v33  }
0x69: {  	v34 =	vsel vm14, $0x1380, v43;
	v28 =	vsel vm4, $0x20A, v28;
	v33 =	vsel vm7, $0x188, v33  }
0x6a: {  	v34 =	vsel vm13, $0x1, v34;
	v28 =	vsel vm2, $0x28B, v28;
	v33 =	vsel vm3, $0x209, v33  }
0x6b: {  	v34 =	vsel vm12, $0x82, v34;
	v28 =	vsel vm0, $0x30C, v28;
	v33 =	vsel vm4, $0x28A, v33  }
0x6c: {  	v34 =	vsel vm11, $0x103, v34;
	v28 =	vsel vm5, $0x38D, v28;
	v33 =	vsel vm2, $0x30B, v33  }
0x6d: {  	v22 =	vsel vm1, $0x100E, v28;
	v28 =	vsel vm0, $0x38C, v33;
	v33 =	vsel vm3, $0x289, v39  }
0x6e: {  	v34 =	vsel vm10, $0x184, v34;
	v28 =	vsel vm5, $0x100D, v28;
	v33 =	vsel vm4, $0x30A, v33  }
0x6f: {  	v34 =	vsel vm9, $0x205, v34;
	v24 =	vsel vm1, $0x108E, v28;
	v28 =	vsel vm2, $0x38B, v33  }
0x70: {  	v34 =	vsel vm8, $0x286, v34;
	v33 =	vsel vm13, $0x1301, v41;
	v28 =	vsel vm0, $0x100C, v28  }
0x71: {  	v34 =	vsel vm6, $0x307, v34;
	v33 =	vsel vm12, $0x1382, v33;
	v28 =	vsel vm5, $0x108D, v28  }
0x72: {  	v26 =	vsel vm1, $0x110E, v28;
	v28 =	vsel vm11, $0x3, v33;
	v33 =	vsel vm14, $0x1300, v42  }
0x73: {  	v39 =	vunpack.c.0.s8.s32 v49;
	v34 =	vsel vm7, $0x388, v34;
	v33 =	vsel vm13, $0x1381, v33  }
0x74: {  	s2 =	rddreg [dreg:$0x0];
	s1 =	simm.s32 $0x0;
	v41 =	vor.u32 $0x10, v0;
	v44 =	vsel vm3, $0x1009, v34;
	v33 =	vsel vm12, $0x2, v33  }
0x75: {  	[smem:$0x7FF] =	sst s1;
	v34 =	vunpack.c.0.s8.s32 v52;
	v45 =	vsel vm4, $0x108A, v44;
	v33 =	vsel vm11, $0x83, v33  }
0x76: {  	s0 =	rddreg [dreg:$0x1];
	_ =	strace $0x80000047;
	[tilespmem:$0x1FF20] =	vst v36;
	v32 =	vsel vm2, $0x110B, v45;
	v28 =	vsel vm10, $0x84, v28;
	v33 =	vsel vm10, $0x104, v33  }
0x77: {  	[tilespmem:$0x1FF40] =	vst v38;
	v32 =	vsel vm0, $0x118C, v32;
	v28 =	vsel vm9, $0x105, v28;
	v33 =	vsel vm9, $0x185, v33  }
0x78: {  	s3 =	srdreg.scid;
	s4 =	stileid.u32;
	s11 =	simm.s32 $0x200;
	[tilespmem:$0x1FF90] =	vst v35;
	v32 =	vsel vm5, $0x120D, v32;
	v28 =	vsel vm8, $0x186, v28;
	v33 =	vsel vm8, $0x206, v33  }
0x79: {  	s13 =	simm.s32 $0x6400;
	s14 =	simm.s32 $0x1;
	s15 =	simm.s32 $0xA400;
	[tilespmem:$0x1FF30] =	vst v37;
	v40 =	vsel vm1, $0x128E, v32;
	v28 =	vsel vm6, $0x207, v28;
	v33 =	vsel vm6, $0x287, v33  }
0x7a: {  	s16 =	simm.s32 $0xE400;
	s17 =	simm.s32 $0x2;
	s18 =	simm.s32 $0xF400;
	[tilespmem:$0x1FF50] =	vst v39;
	v32 =	vunpack.c.0.s8.s32 v56;
	v28 =	vsel vm7, $0x288, v28;
	v33 =	vsel vm7, $0x308, v33  }
0x7b: {  	s19 =	simm.s32 $0x10400;
	s20 =	simm.s32 $0x11400;
	s21 =	simm.s32 $0x3;
	v42 =	vunpack.c.0.s8.s32 v50;
	[tilespmem:$0x1FF80] =	vst v34;
	v28 =	vsel vm3, $0x309, v28;
	v33 =	vsel vm3, $0x389, v33  }
0x7c: {  	s22 =	simm.s32 $0x12400;
	s23 =	simm.s32 $0x13400;
	s24 =	simm.s32 $0x14400;
	[tilespmem:$0x1FFE0] =	vst v32;
	v32 =	vunpack.c.0.s8.s32 v57;
	v28 =	vsel vm4, $0x38A, v28;
	v33 =	vsel vm4, $0x100A, v33  }
0x7d: {  	s25 =	simm.s32 $0x15400;
	s3 =	sand.u32 $0x1, s3;
	s4 =	sshll.u32 s4, $0x1;
	[tilespmem:$0x1FF60] =	vst v42;
	v28 =	vsel vm2, $0x100B, v28;
	v30 =	vsel vm2, $0x108B, v33;
	v33 =	vunpack.c.0.s8.s32 v51  }
0x7e: {  	s26 =	simm.s32 $0x4;
	s28 =	simm.s32 $0x5;
	s5 =	sor.u32 s3, s4;
	[tilespmem:$0x1FFF0] =	vst v32;
	v28 =	vsel vm0, $0x108C, v28;
	v30 =	vsel vm0, $0x110C, v30;
	vm0 =	vcmask $0x1F10  }
0x7f: {  	s29 =	simm.s32 $0x0;
	s3 =	ssub.s32 $0x2, s3;
	s4 =	sshll.u32 s5, $0x6;
	v52 =	vunpack.c.0.s8.s32 v60;
	v28 =	vsel vm5, $0x110D, v28;
	v54 =	vsel vm0, v37, v36;
	[tilespmem:$0x1FF70] =	vst v33  }
0x80: {  	s8 =	sadd.s32 $0x8000, s0;
	s6 =	sshrl.u32 s3, $0x1;
	s7 =	sadd.s32 s4, s2;
	v50 =	vunpack.c.0.s8.s32 v58;
	v28 =	vsel vm1, $0x118E, v28;
	v55 =	vsel vm0, v39, v38;
	[tilespmem:$0x1FFA0] =	vst v54  }
0x81: {  	s9 =	sadd.s32 $0xC000, s0;
	s30 =	ssub.s32 s3, s6;
	s31 =	sadd.s32 $0x600, s7;
	v51 =	vunpack.c.0.s8.s32 v59;
	v30 =	vsel vm5, $0x118D, v30;
	v33 =	vsel vm0, v33, v42;
	[tilespmem:$0x1FFB0] =	vst v55  }
0x82: {  	s4 =	sadd.s32 $0xF42A00, s2;
	s2 =	smax.u32 s30, $0x1;
	[dreg:$0x3] =	wrdreg s31;
	v34 =	vsel vm0, v35, v34;
	v30 =	vsel vm1, $0x120E, v30;
	v46 =	vcombine.low v55, v54;
	[tilespmem:$0x1FFC0] =	vst v33  }
0x83: {  	s6 =	sshll.u32 s5, $0x9;
	s7 =	sadd.s32 $0x4000, s0;
	[dreg:$0x4] =	wrdreg s2;
	[tilespmem:$0x1FFD0] =	vst v34;
	v47 =	vcombine.low v34, v33;
	v54 =	vunpack.c.0.s8.s32 v62;
	v55 =	vunpack.c.0.s8.s32 v63  }
.LBB2_1:
0x84: {  	s2 =	rddreg [dreg:$0x3];
	s3 =	simm.s32 $0x4000  }
0x85: {  	[tilespmem:s1], [sflag:$0x1] =	stream.strided.gather [hbm4b:s2+s11], $0x6400, s3, s11, $0x38;
	[tilespmem:$0x16400] =	vst v63  }
0x86: {  	_ =	swait.ge [sflag:s14], $0x6400  }
0x87: {  	[sflag:s14] =	ssyncset.done $0x0  }
0x88: {  	s30 =	simm.s32 $0x0;
	[sflag:s14] =	ssyncadd.s32 $0xFFFF9C00  }
0x89: {  	[tilespmem:s13], [sflag:$0x2] =	stream.indirect.gather [hbm4b:s4+s11], $0x20, s1, s11, $0xb8;
	[tilespmem:$0x16400] =	vst v63  }
.LBB2_2:
0x8a: {  	p0 =	seq.s32 s30, $0x0;
	s2 =	simm.s32 $0x0  }
0x8b: {  	s3 =	sshll.u32 s30, $0x1;
	s5 =	simm.s32 @!p0 $0x4;
	v32 =	vmov s2  }
0x8c: {  	s31 =	sor.u32 $0x1, s3;
	_ =	swait.ge @!p0 [sflag:s5], $0x4000;
	v32 =	vshll.u32 v32, $0x5  }
0x8d: {  	s3 =	sshll.u32 s31, $0x9;
	[sflag:s5] =	ssyncset.done @!p0 $0x0;
	v37 =	vor.u32 v1, v32  }
0x8e: {  	s3 =	sand.u32 $0x3FFFFE00, s3;
	[sflag:s5] =	ssyncadd.s32 @!p0 $0xFFFFC000;
	v32 =	vor.u32 v0, v37  }
0x8f: {  	[tilespmem:s15], [sflag:$0x3] =	stream.indirect.gather [hbm4b:s4+s11], $0x20, s3, s11, $0xb8;
	[tilespmem:$0x16400] =	vst v63  }
0x90: {  	_ =	swait.ge [sflag:s17], $0x4000  }
0x91: {  	s12 =	sand.u32 $0x70, s2;
	s2 =	sand.u32 $0xC00, s2;
	[sflag:s17] =	ssyncset.done $0x0  }
0x92: {  	s2 =	sor.u32 s12, s2;
	[sflag:s17] =	ssyncadd.s32 $0xFFFFC000  }
0x93: {  	v33 =	vor.u32 s2, v2;
	v32 =	vld.idx.msk [tilespmem:v32+s13+$0x0], $0xffff  }
0x94: {  	v34 =	vor.u32 v3, v37;
	_ =	sdelay $0x3  }
0x95: {  	[tilespmem:v33+s16+$0x0] =	vst.idx.msk $0xffff, v32  }
0x96: {  	v48 =	vor.u32 s2, v4;
	v32 =	vld.idx.msk [tilespmem:v34+s13+$0x0], $0xffff  }
0x97: {  	v49 =	vor.u32 v5, v37;
	_ =	sdelay $0x3  }
0x98: {  	[tilespmem:v48+s16+$0x0] =	vst.idx.msk $0xffff, v32  }
0x99: {  	v56 =	vor.u32 s2, v6;
	v32 =	vld.idx.msk [tilespmem:v49+s13+$0x0], $0xffff  }
0x9a: {  	v57 =	vor.u32 v7, v37;
	_ =	sdelay $0x3  }
0x9b: {  	[tilespmem:v56+s16+$0x0] =	vst.idx.msk $0xffff, v32  }
0x9c: {  	v58 =	vor.u32 s2, v8;
	v32 =	vld.idx.msk [tilespmem:v57+s13+$0x0], $0xffff  }
0x9d: {  	v59 =	vor.u32 v9, v37;
	_ =	sdelay $0x3  }
0x9e: {  	[tilespmem:v58+s16+$0x0] =	vst.idx.msk $0xffff, v32  }
0x9f: {  	v60 =	vor.u32 s2, v10;
	v32 =	vld.idx.msk [tilespmem:v59+s13+$0x0], $0xffff  }
0xa0: {  	v61 =	vor.u32 v11, v37;
	_ =	sdelay $0x3  }
0xa1: {  	[tilespmem:v60+s16+$0x0] =	vst.idx.msk $0xffff, v32  }
0xa2: {  	v62 =	vor.u32 s2, v12;
	v32 =	vld.idx.msk [tilespmem:v61+s13+$0x0], $0xffff  }
0xa3: {  	v63 =	vor.u32 v13, v37;
	_ =	sdelay $0x3  }
0xa4: {  	[tilespmem:v62+s16+$0x0] =	vst.idx.msk $0xffff, v32  }
0xa5: {  	v36 =	vor.u32 s2, v14;
	v32 =	vld.idx.msk [tilespmem:v63+s13+$0x0], $0xffff  }
0xa6: {  	v38 =	vor.u32 v15, v37;
	_ =	sdelay $0x3  }
0xa7: {  	[tilespmem:v36+s16+$0x0] =	vst.idx.msk $0xffff, v32  }
0xa8: {  	v39 =	vor.u32 s2, v16;
	v32 =	vld.idx.msk [tilespmem:v38+s13+$0x0], $0xffff  }
0xa9: {  	v42 =	vor.u32 v17, v37;
	_ =	sdelay $0x3  }
0xaa: {  	[tilespmem:v39+s16+$0x0] =	vst.idx.msk $0xffff, v32  }
0xab: {  	v43 =	vor.u32 s2, v18;
	v32 =	vld.idx.msk [tilespmem:v42+s13+$0x0], $0xffff  }
0xac: {  	v44 =	vor.u32 v19, v37;
	_ =	sdelay $0x3  }
0xad: {  	[tilespmem:v43+s16+$0x0] =	vst.idx.msk $0xffff, v32  }
0xae: {  	v45 =	vor.u32 s2, v20;
	v32 =	vld.idx.msk [tilespmem:v44+s13+$0x0], $0xffff  }
0xaf: {  	v48 =	vor.u32 v21, v37;
	_ =	sdelay $0x3  }
0xb0: {  	[tilespmem:v45+s16+$0x0] =	vst.idx.msk $0xffff, v32  }
0xb1: {  	v49 =	vor.u32 s2, v22;
	v32 =	vld.idx.msk [tilespmem:v48+s13+$0x0], $0xffff  }
0xb2: {  	v56 =	vor.u32 v23, v37;
	_ =	sdelay $0x3  }
0xb3: {  	[tilespmem:v49+s16+$0x0] =	vst.idx.msk $0xffff, v32  }
0xb4: {  	v57 =	vor.u32 s2, v24;
	v32 =	vld.idx.msk [tilespmem:v56+s13+$0x0], $0xffff  }
0xb5: {  	v58 =	vor.u32 v25, v37;
	_ =	sdelay $0x3  }
0xb6: {  	[tilespmem:v57+s16+$0x0] =	vst.idx.msk $0xffff, v32  }
0xb7: {  	v59 =	vor.u32 s2, v26;
	v32 =	vld.idx.msk [tilespmem:v58+s13+$0x0], $0xffff  }
0xb8: {  	v60 =	vor.u32 v27, v37;
	_ =	sdelay $0x3  }
0xb9: {  	[tilespmem:v59+s16+$0x0] =	vst.idx.msk $0xffff, v32  }
0xba: {  	v61 =	vor.u32 s2, v28;
	v32 =	vld.idx.msk [tilespmem:v60+s13+$0x0], $0xffff  }
0xbb: {  	v62 =	vor.u32 v29, v37;
	_ =	sdelay $0x3  }
0xbc: {  	[tilespmem:v61+s16+$0x0] =	vst.idx.msk $0xffff, v32  }
0xbd: {  	v63 =	vor.u32 s2, v30;
	v32 =	vld.idx.msk [tilespmem:v62+s13+$0x0], $0xffff  }
0xbe: {  	v36 =	vor.u32 v31, v37;
	_ =	sdelay $0x3  }
0xbf: {  	[tilespmem:v63+s16+$0x0] =	vst.idx.msk $0xffff, v32  }
0xc0: {  	v38 =	vor.u32 s2, v40;
	v32 =	vld.idx.msk [tilespmem:v36+s13+$0x0], $0xffff  }
0xc1: {  	v39 =	vor.u32 v41, v37;
	_ =	sdelay $0x3  }
0xc2: {  	s5 =	sor.u32 $0x2000, s2;
	[tilespmem:v38+s16+$0x0] =	vst.idx.msk $0xffff, v32  }
0xc3: {  	v42 =	vor.u32 s5, v2;
	v32 =	vld.idx.msk [tilespmem:v39+s13+$0x0], $0xffff  }
0xc4: {  	v43 =	vor.u32 v46, v37;
	_ =	sdelay $0x2  }
0xc5: {  	v49 =	vld [tilespmem:$0x1FFE0]  }
0xc6: {  	v60 =	vld [tilespmem:$0x1FFF0];
	[tilespmem:v42+s16+$0x0] =	vst.idx.msk $0xffff, v32  }
0xc7: {  	v44 =	vor.u32 s5, v4;
	v32 =	vld.idx.msk [tilespmem:v43+s13+$0x0], $0xffff  }
0xc8: {  	v45 =	vor.u32 v47, v37;
	_ =	sdelay $0x2  }
0xc9: {  	v35 =	vsel vm0, v60, v49;
	v36 =	vsel vm0, v51, v50  }
0xca: {  	v56 =	vcombine.low v36, v35;
	[tilespmem:v44+s16+$0x0] =	vst.idx.msk $0xffff, v32  }
0xcb: {  	v61 =	vor.u32 s5, v6;
	v32 =	vld.idx.msk [tilespmem:v45+s13+$0x0], $0xffff  }
0xcc: {  	v62 =	vor.u32 v56, v37;
	_ =	sdelay $0x2  }
0xcd: {  	v38 =	vsel vm0, v53, v52;
	v39 =	vsel vm0, v55, v54  }
0xce: {  	v57 =	vcombine.low v39, v38;
	[tilespmem:v61+s16+$0x0] =	vst.idx.msk $0xffff, v32  }
0xcf: {  	v63 =	vor.u32 s5, v8;
	v32 =	vld.idx.msk [tilespmem:v62+s13+$0x0], $0xffff  }
0xd0: {  	v48 =	vor.u32 v57, v37;
	v42 =	vld [tilespmem:$0x1FF30]  }
0xd1: {  	v43 =	vld [tilespmem:$0x1FF40]  }
0xd2: {  	v44 =	vld [tilespmem:$0x1FF50]  }
0xd3: {  	v45 =	vld [tilespmem:$0x1FF80]  }
0xd4: {  	v61 =	vld [tilespmem:$0x1FF20];
	[tilespmem:v63+s16+$0x0] =	vst.idx.msk $0xffff, v32  }
0xd5: {  	v32 =	vld.idx.msk [tilespmem:v48+s13+$0x0], $0xffff  }
0xd6: {  	v48 =	vld [tilespmem:$0x1FF70];
	_ =	sdelay $0x3  }
0xd7: {  	v59 =	vld [tilespmem:$0x1FF60];
	v42 =	vsel vm0, v43, v42;
	v43 =	vsel vm0, v61, v44  }
0xd8: {  	v58 =	vcombine.low v43, v42;
	v44 =	vsel vm0, v45, v48;
	v48 =	vld [tilespmem:$0x1FF90]  }
0xd9: {  	v62 =	vor.u32 s5, v10  }
0xda: {  	v63 =	vor.u32 v58, v37;
	_ =	sdelay $0x2  }
0xdb: {  	v45 =	vsel vm0, v59, v48  }
0xdc: {  	[tilespmem:v62+s16+$0x0] =	vst.idx.msk $0xffff, v32;
	v59 =	vcombine.low v45, v44  }
0xdd: {  	v61 =	vor.u32 s5, v12;
	v32 =	vld.idx.msk [tilespmem:v63+s13+$0x0], $0xffff  }
0xde: {  	v34 =	vor.u32 v59, v37;
	_ =	sdelay $0x2  }
0xdf: {  	v49 =	vsel vm0, v49, v51;
	v48 =	vsel vm0, v50, v60  }
0xe0: {  	[tilespmem:v61+s16+$0x0] =	vst.idx.msk $0xffff, v32;
	v60 =	vcombine.low v49, v48  }
0xe1: {  	v33 =	vor.u32 s5, v14;
	v32 =	vld.idx.msk [tilespmem:v34+s13+$0x0], $0xffff  }
0xe2: {  	v34 =	vor.u32 v60, v37;
	_ =	sdelay $0x3  }
0xe3: {  	v62 =	vsel vm0, v52, v55;
	v61 =	vsel vm0, v54, v53;
	[tilespmem:v33+s16+$0x0] =	vst.idx.msk $0xffff, v32  }
0xe4: {  	v61 =	vcombine.low v62, v61;
	v62 =	vor.u32 s5, v16;
	v32 =	vld.idx.msk [tilespmem:v34+s13+$0x0], $0xffff;
	_ =	sdelay $0x3  }
0xe5: {  	v63 =	vld [tilespmem:$0x1FFA0]  }
0xe6: {  	v34 =	vor.u32 v61, v37;
	[tilespmem:v62+s16+$0x0] =	vst.idx.msk $0xffff, v32;
	v62 =	vld [tilespmem:$0x1FFB0];
	_ =	sdelay $0x4  }
0xe7: {  	v32 =	vld.idx.msk [tilespmem:v34+s13+$0x0], $0xffff;
	v62 =	vcombine.low v63, v62;
	v63 =	vor.u32 s5, v18;
	_ =	sdelay $0x4  }
0xe8: {  	[tilespmem:v63+s16+$0x0] =	vst.idx.msk $0xffff, v32;
	v32 =	vld [tilespmem:$0x1FFC0]  }
0xe9: {  	v63 =	vld [tilespmem:$0x1FFD0]  }
0xea: {  	v34 =	vor.u32 v62, v37;
	_ =	sdelay $0x3  }
0xeb: {  	v63 =	vcombine.low v32, v63  }
0xec: {  	v33 =	vor.u32 s5, v20;
	v32 =	vld.idx.msk [tilespmem:v34+s13+$0x0], $0xffff  }
0xed: {  	v34 =	vor.u32 v63, v37;
	_ =	sdelay $0x3  }
0xee: {  	[tilespmem:v33+s16+$0x0] =	vst.idx.msk $0xffff, v32;
	v32 =	vcombine.low v35, v36  }
0xef: {  	v36 =	vor.u32 s5, v22;
	v33 =	vld.idx.msk [tilespmem:v34+s13+$0x0], $0xffff  }
0xf0: {  	v35 =	vor.u32 v32, v37;
	_ =	sdelay $0x3  }
0xf1: {  	[tilespmem:v36+s16+$0x0] =	vst.idx.msk $0xffff, v33;
	v33 =	vcombine.low v38, v39  }
0xf2: {  	v34 =	vld.idx.msk [tilespmem:v35+s13+$0x0], $0xffff;
	v35 =	vor.u32 s5, v24  }
0xf3: {  	v36 =	vor.u32 v33, v37;
	_ =	sdelay $0x3  }
0xf4: {  	[tilespmem:v35+s16+$0x0] =	vst.idx.msk $0xffff, v34;
	v34 =	vcombine.low v42, v43  }
0xf5: {  	v43 =	vor.u32 s5, v26;
	v35 =	vld.idx.msk [tilespmem:v36+s13+$0x0], $0xffff  }
0xf6: {  	v42 =	vor.u32 v34, v37;
	_ =	sdelay $0x3  }
0xf7: {  	[tilespmem:v43+s16+$0x0] =	vst.idx.msk $0xffff, v35;
	v35 =	vcombine.low v44, v45  }
0xf8: {  	v43 =	vor.u32 s5, v28;
	v36 =	vld.idx.msk [tilespmem:v42+s13+$0x0], $0xffff  }
0xf9: {  	v44 =	vor.u32 v35, v37;
	_ =	sdelay $0x3  }
0xfa: {  	[tilespmem:v43+s16+$0x0] =	vst.idx.msk $0xffff, v36;
	v36 =	vcombine.low v48, v49  }
0xfb: {  	v45 =	vor.u32 s5, v30;
	v38 =	vld.idx.msk [tilespmem:v44+s13+$0x0], $0xffff  }
0xfc: {  	v37 =	vor.u32 v36, v37;
	_ =	sdelay $0x2  }
0xfd: {  	s3 =	simm.s32 $0x10  }
0xfe: {  	s12 =	simm.s32 $0x100;
	s2 =	simm.s32 $0x80;
	[tilespmem:v45+s16+$0x0] =	vst.idx.msk $0xffff, v38;
	v38 =	vmov s3  }
.LBB2_3:
0xff: {  	p1 =	sne.s32 s12, $0xF80;
	v38 =	vshll.u32 v38, $0x5;
	v39 =	vld.idx.msk [tilespmem:v37+s13+$0x0], $0xffff  }
0x100: {  	v37 =	vor.u32 v1, v38;
	v38 =	vor.u32 s5, v40  }
0x101: {  	v42 =	vor.u32 v0, v37;
	_ =	sdelay $0x3  }
0x102: {  	s10 =	sand.u32 $0xC00, s2;
	s2 =	smov.u32 s12;
	s5 =	sand.u32 $0x70, s3;
	[tilespmem:v38+s16+$0x0] =	vst.idx.msk $0xffff, v39  }
0x103: {  	s5 =	sor.u32 s5, s10;
	v38 =	vld.idx.msk [tilespmem:v42+s13+$0x0], $0xffff  }
0x104: {  	v39 =	vor.u32 s5, v2  }
0x105: {  	v42 =	vor.u32 v3, v37;
	_ =	sdelay $0x3  }
0x106: {  	[tilespmem:v39+s16+$0x0] =	vst.idx.msk $0xffff, v38  }
0x107: {  	v38 =	vld.idx.msk [tilespmem:v42+s13+$0x0], $0xffff  }
0x108: {  	v39 =	vor.u32 s5, v4  }
0x109: {  	v42 =	vor.u32 v5, v37;
	_ =	sdelay $0x3  }
0x10a: {  	[tilespmem:v39+s16+$0x0] =	vst.idx.msk $0xffff, v38  }
0x10b: {  	v38 =	vld.idx.msk [tilespmem:v42+s13+$0x0], $0xffff  }
0x10c: {  	v39 =	vor.u32 s5, v6  }
0x10d: {  	v42 =	vor.u32 v7, v37;
	_ =	sdelay $0x3  }
0x10e: {  	[tilespmem:v39+s16+$0x0] =	vst.idx.msk $0xffff, v38  }
0x10f: {  	v38 =	vld.idx.msk [tilespmem:v42+s13+$0x0], $0xffff  }
0x110: {  	v39 =	vor.u32 s5, v8  }
0x111: {  	v42 =	vor.u32 v9, v37;
	_ =	sdelay $0x3  }
0x112: {  	[tilespmem:v39+s16+$0x0] =	vst.idx.msk $0xffff, v38  }
0x113: {  	v38 =	vld.idx.msk [tilespmem:v42+s13+$0x0], $0xffff  }
0x114: {  	v39 =	vor.u32 s5, v10  }
0x115: {  	v42 =	vor.u32 v11, v37;
	_ =	sdelay $0x3  }
0x116: {  	[tilespmem:v39+s16+$0x0] =	vst.idx.msk $0xffff, v38  }
0x117: {  	v38 =	vld.idx.msk [tilespmem:v42+s13+$0x0], $0xffff  }
0x118: {  	v39 =	vor.u32 s5, v12  }
0x119: {  	v42 =	vor.u32 v13, v37;
	_ =	sdelay $0x3  }
0x11a: {  	[tilespmem:v39+s16+$0x0] =	vst.idx.msk $0xffff, v38  }
0x11b: {  	v38 =	vld.idx.msk [tilespmem:v42+s13+$0x0], $0xffff  }
0x11c: {  	v39 =	vor.u32 s5, v14  }
0x11d: {  	v42 =	vor.u32 v15, v37;
	_ =	sdelay $0x3  }
0x11e: {  	[tilespmem:v39+s16+$0x0] =	vst.idx.msk $0xffff, v38  }
0x11f: {  	v38 =	vld.idx.msk [tilespmem:v42+s13+$0x0], $0xffff  }
0x120: {  	v39 =	vor.u32 s5, v16  }
0x121: {  	v42 =	vor.u32 v17, v37;
	_ =	sdelay $0x3  }
0x122: {  	[tilespmem:v39+s16+$0x0] =	vst.idx.msk $0xffff, v38  }
0x123: {  	v38 =	vld.idx.msk [tilespmem:v42+s13+$0x0], $0xffff  }
0x124: {  	v39 =	vor.u32 s5, v18  }
0x125: {  	v42 =	vor.u32 v19, v37;
	_ =	sdelay $0x3  }
0x126: {  	[tilespmem:v39+s16+$0x0] =	vst.idx.msk $0xffff, v38  }
0x127: {  	v38 =	vld.idx.msk [tilespmem:v42+s13+$0x0], $0xffff  }
0x128: {  	v39 =	vor.u32 s5, v20  }
0x129: {  	v42 =	vor.u32 v21, v37;
	_ =	sdelay $0x3  }
0x12a: {  	[tilespmem:v39+s16+$0x0] =	vst.idx.msk $0xffff, v38  }
0x12b: {  	v38 =	vld.idx.msk [tilespmem:v42+s13+$0x0], $0xffff  }
0x12c: {  	v39 =	vor.u32 s5, v22  }
0x12d: {  	v42 =	vor.u32 v23, v37;
	_ =	sdelay $0x3  }
0x12e: {  	[tilespmem:v39+s16+$0x0] =	vst.idx.msk $0xffff, v38  }
0x12f: {  	v38 =	vld.idx.msk [tilespmem:v42+s13+$0x0], $0xffff  }
0x130: {  	v39 =	vor.u32 s5, v24  }
0x131: {  	v42 =	vor.u32 v25, v37;
	_ =	sdelay $0x3  }
0x132: {  	[tilespmem:v39+s16+$0x0] =	vst.idx.msk $0xffff, v38  }
0x133: {  	v38 =	vld.idx.msk [tilespmem:v42+s13+$0x0], $0xffff  }
0x134: {  	v39 =	vor.u32 s5, v26  }
0x135: {  	v42 =	vor.u32 v27, v37;
	_ =	sdelay $0x3  }
0x136: {  	[tilespmem:v39+s16+$0x0] =	vst.idx.msk $0xffff, v38  }
0x137: {  	v38 =	vld.idx.msk [tilespmem:v42+s13+$0x0], $0xffff  }
0x138: {  	v39 =	vor.u32 s5, v28  }
0x139: {  	v42 =	vor.u32 v29, v37;
	_ =	sdelay $0x3  }
0x13a: {  	[tilespmem:v39+s16+$0x0] =	vst.idx.msk $0xffff, v38  }
0x13b: {  	v38 =	vld.idx.msk [tilespmem:v42+s13+$0x0], $0xffff  }
0x13c: {  	v39 =	vor.u32 s5, v30  }
0x13d: {  	v42 =	vor.u32 v31, v37;
	_ =	sdelay $0x3  }
0x13e: {  	[tilespmem:v39+s16+$0x0] =	vst.idx.msk $0xffff, v38  }
0x13f: {  	v38 =	vld.idx.msk [tilespmem:v42+s13+$0x0], $0xffff  }
0x140: {  	v39 =	vor.u32 s5, v40  }
0x141: {  	v42 =	vor.u32 v41, v37;
	_ =	sdelay $0x3  }
0x142: {  	[tilespmem:v39+s16+$0x0] =	vst.idx.msk $0xffff, v38  }
0x143: {  	s5 =	sor.u32 $0x2000, s5;
	v38 =	vld.idx.msk [tilespmem:v42+s13+$0x0], $0xffff  }
0x144: {  	v39 =	vor.u32 s5, v2  }
0x145: {  	v42 =	vor.u32 v46, v37;
	_ =	sdelay $0x3  }
0x146: {  	[tilespmem:v39+s16+$0x0] =	vst.idx.msk $0xffff, v38  }
0x147: {  	v38 =	vld.idx.msk [tilespmem:v42+s13+$0x0], $0xffff  }
0x148: {  	v39 =	vor.u32 s5, v4  }
0x149: {  	v42 =	vor.u32 v47, v37;
	_ =	sdelay $0x3  }
0x14a: {  	[tilespmem:v39+s16+$0x0] =	vst.idx.msk $0xffff, v38  }
0x14b: {  	v38 =	vld.idx.msk [tilespmem:v42+s13+$0x0], $0xffff  }
0x14c: {  	v39 =	vor.u32 s5, v6  }
0x14d: {  	v42 =	vor.u32 v56, v37;
	_ =	sdelay $0x3  }
0x14e: {  	[tilespmem:v39+s16+$0x0] =	vst.idx.msk $0xffff, v38  }
0x14f: {  	v38 =	vld.idx.msk [tilespmem:v42+s13+$0x0], $0xffff  }
0x150: {  	v39 =	vor.u32 s5, v8  }
0x151: {  	v42 =	vor.u32 v57, v37;
	_ =	sdelay $0x3  }
0x152: {  	[tilespmem:v39+s16+$0x0] =	vst.idx.msk $0xffff, v38  }
0x153: {  	v38 =	vld.idx.msk [tilespmem:v42+s13+$0x0], $0xffff  }
0x154: {  	v39 =	vor.u32 s5, v10  }
0x155: {  	v42 =	vor.u32 v58, v37;
	_ =	sdelay $0x3  }
0x156: {  	[tilespmem:v39+s16+$0x0] =	vst.idx.msk $0xffff, v38  }
0x157: {  	v38 =	vld.idx.msk [tilespmem:v42+s13+$0x0], $0xffff  }
0x158: {  	v39 =	vor.u32 s5, v12  }
0x159: {  	v42 =	vor.u32 v59, v37;
	_ =	sdelay $0x3  }
0x15a: {  	[tilespmem:v39+s16+$0x0] =	vst.idx.msk $0xffff, v38  }
0x15b: {  	v38 =	vld.idx.msk [tilespmem:v42+s13+$0x0], $0xffff  }
0x15c: {  	v39 =	vor.u32 s5, v14  }
0x15d: {  	v42 =	vor.u32 v60, v37;
	_ =	sdelay $0x3  }
0x15e: {  	[tilespmem:v39+s16+$0x0] =	vst.idx.msk $0xffff, v38  }
0x15f: {  	v38 =	vld.idx.msk [tilespmem:v42+s13+$0x0], $0xffff  }
0x160: {  	v39 =	vor.u32 s5, v16  }
0x161: {  	v42 =	vor.u32 v61, v37;
	_ =	sdelay $0x3  }
0x162: {  	[tilespmem:v39+s16+$0x0] =	vst.idx.msk $0xffff, v38  }
0x163: {  	v38 =	vld.idx.msk [tilespmem:v42+s13+$0x0], $0xffff  }
0x164: {  	v39 =	vor.u32 s5, v18  }
0x165: {  	v42 =	vor.u32 v62, v37;
	_ =	sdelay $0x3  }
0x166: {  	[tilespmem:v39+s16+$0x0] =	vst.idx.msk $0xffff, v38  }
0x167: {  	v38 =	vld.idx.msk [tilespmem:v42+s13+$0x0], $0xffff  }
0x168: {  	v39 =	vor.u32 s5, v20  }
0x169: {  	v42 =	vor.u32 v63, v37;
	_ =	sdelay $0x3  }
0x16a: {  	[tilespmem:v39+s16+$0x0] =	vst.idx.msk $0xffff, v38  }
0x16b: {  	v38 =	vld.idx.msk [tilespmem:v42+s13+$0x0], $0xffff  }
0x16c: {  	v39 =	vor.u32 s5, v22  }
0x16d: {  	v42 =	vor.u32 v32, v37;
	_ =	sdelay $0x3  }
0x16e: {  	[tilespmem:v39+s16+$0x0] =	vst.idx.msk $0xffff, v38  }
0x16f: {  	v38 =	vld.idx.msk [tilespmem:v42+s13+$0x0], $0xffff  }
0x170: {  	v39 =	vor.u32 s5, v24  }
0x171: {  	v42 =	vor.u32 v33, v37;
	_ =	sdelay $0x3  }
0x172: {  	[tilespmem:v39+s16+$0x0] =	vst.idx.msk $0xffff, v38  }
0x173: {  	v38 =	vld.idx.msk [tilespmem:v42+s13+$0x0], $0xffff  }
0x174: {  	v39 =	vor.u32 s5, v26  }
0x175: {  	v42 =	vor.u32 v34, v37;
	_ =	sdelay $0x3  }
0x176: {  	[tilespmem:v39+s16+$0x0] =	vst.idx.msk $0xffff, v38  }
0x177: {  	v38 =	vld.idx.msk [tilespmem:v42+s13+$0x0], $0xffff  }
0x178: {  	v39 =	vor.u32 s5, v28  }
0x179: {  	v42 =	vor.u32 v35, v37;
	_ =	sdelay $0x3  }
0x17a: {  	[tilespmem:v39+s16+$0x0] =	vst.idx.msk $0xffff, v38  }
0x17b: {  	v39 =	vld.idx.msk [tilespmem:v42+s13+$0x0], $0xffff  }
0x17c: {  	v42 =	vor.u32 s5, v30  }
.Ltmp0:
0x17d: {  	v37 =	vor.u32 v36, v37;
	(pc) =	sbr.rel @p1 .LBB2_3-.Ltmp0, $3  }
0x17e: {  	_ =	sdelay $0x1  }
0x17f: {  	s3 =	sadd.s32 $0x10, s3  }
0x180: {  	s12 =	sadd.s32 $0x80, s12;
	v38 =	vmov s3;
	[tilespmem:v42+s16+$0x0] =	vst.idx.msk $0xffff, v39  }
0x181: {  	_ =	sdelay $0x2  }
0x182: {  	v38 =	vshll.u32 v38, $0x5  }
0x183: {  	v39 =	vld.idx.msk [tilespmem:v37+s13+$0x0], $0xffff;
	v49 =	vor.u32 s5, v40;
	v37 =	vor.u32 v1, v38  }
0x184: {  	v42 =	vor.u32 v0, v37;
	_ =	sdelay $0x2  }
0x185: {  	s3 =	sand.u32 $0x70, s3;
	s2 =	sand.u32 $0xC00, s2  }
0x186: {  	s2 =	sor.u32 s3, s2;
	[tilespmem:v49+s16+$0x0] =	vst.idx.msk $0xffff, v39  }
0x187: {  	v45 =	vor.u32 s2, v2;
	v38 =	vld.idx.msk [tilespmem:v42+s13+$0x0], $0xffff  }
0x188: {  	v48 =	vor.u32 v3, v37;
	_ =	sdelay $0x3  }
0x189: {  	[tilespmem:v45+s16+$0x0] =	vst.idx.msk $0xffff, v38  }
0x18a: {  	v49 =	vor.u32 s2, v4;
	v38 =	vld.idx.msk [tilespmem:v48+s13+$0x0], $0xffff  }
0x18b: {  	v45 =	vor.u32 v5, v37;
	_ =	sdelay $0x3  }
0x18c: {  	[tilespmem:v49+s16+$0x0] =	vst.idx.msk $0xffff, v38  }
0x18d: {  	v48 =	vor.u32 s2, v6;
	v38 =	vld.idx.msk [tilespmem:v45+s13+$0x0], $0xffff  }
0x18e: {  	v49 =	vor.u32 v7, v37;
	_ =	sdelay $0x3  }
0x18f: {  	[tilespmem:v48+s16+$0x0] =	vst.idx.msk $0xffff, v38  }
0x190: {  	v45 =	vor.u32 s2, v8;
	v38 =	vld.idx.msk [tilespmem:v49+s13+$0x0], $0xffff  }
0x191: {  	v48 =	vor.u32 v9, v37;
	_ =	sdelay $0x3  }
0x192: {  	[tilespmem:v45+s16+$0x0] =	vst.idx.msk $0xffff, v38  }
0x193: {  	v49 =	vor.u32 s2, v10;
	v38 =	vld.idx.msk [tilespmem:v48+s13+$0x0], $0xffff  }
0x194: {  	v45 =	vor.u32 v11, v37;
	_ =	sdelay $0x3  }
0x195: {  	[tilespmem:v49+s16+$0x0] =	vst.idx.msk $0xffff, v38  }
0x196: {  	v48 =	vor.u32 s2, v12;
	v38 =	vld.idx.msk [tilespmem:v45+s13+$0x0], $0xffff  }
0x197: {  	v49 =	vor.u32 v13, v37;
	_ =	sdelay $0x3  }
0x198: {  	[tilespmem:v48+s16+$0x0] =	vst.idx.msk $0xffff, v38  }
0x199: {  	v45 =	vor.u32 s2, v14;
	v38 =	vld.idx.msk [tilespmem:v49+s13+$0x0], $0xffff  }
0x19a: {  	v48 =	vor.u32 v15, v37;
	_ =	sdelay $0x3  }
0x19b: {  	[tilespmem:v45+s16+$0x0] =	vst.idx.msk $0xffff, v38  }
0x19c: {  	v49 =	vor.u32 s2, v16;
	v38 =	vld.idx.msk [tilespmem:v48+s13+$0x0], $0xffff  }
0x19d: {  	v45 =	vor.u32 v17, v37;
	_ =	sdelay $0x3  }
0x19e: {  	[tilespmem:v49+s16+$0x0] =	vst.idx.msk $0xffff, v38  }
0x19f: {  	v48 =	vor.u32 s2, v18;
	v38 =	vld.idx.msk [tilespmem:v45+s13+$0x0], $0xffff  }
0x1a0: {  	v49 =	vor.u32 v19, v37;
	_ =	sdelay $0x3  }
0x1a1: {  	[tilespmem:v48+s16+$0x0] =	vst.idx.msk $0xffff, v38  }
0x1a2: {  	v45 =	vor.u32 s2, v20;
	v38 =	vld.idx.msk [tilespmem:v49+s13+$0x0], $0xffff  }
0x1a3: {  	v48 =	vor.u32 v21, v37;
	_ =	sdelay $0x3  }
0x1a4: {  	[tilespmem:v45+s16+$0x0] =	vst.idx.msk $0xffff, v38  }
0x1a5: {  	v49 =	vor.u32 s2, v22;
	v38 =	vld.idx.msk [tilespmem:v48+s13+$0x0], $0xffff  }
0x1a6: {  	v45 =	vor.u32 v23, v37;
	_ =	sdelay $0x3  }
0x1a7: {  	[tilespmem:v49+s16+$0x0] =	vst.idx.msk $0xffff, v38  }
0x1a8: {  	v48 =	vor.u32 s2, v24;
	v38 =	vld.idx.msk [tilespmem:v45+s13+$0x0], $0xffff  }
0x1a9: {  	v49 =	vor.u32 v25, v37;
	_ =	sdelay $0x3  }
0x1aa: {  	[tilespmem:v48+s16+$0x0] =	vst.idx.msk $0xffff, v38  }
0x1ab: {  	v45 =	vor.u32 s2, v26;
	v38 =	vld.idx.msk [tilespmem:v49+s13+$0x0], $0xffff  }
0x1ac: {  	v48 =	vor.u32 v27, v37;
	_ =	sdelay $0x3  }
0x1ad: {  	[tilespmem:v45+s16+$0x0] =	vst.idx.msk $0xffff, v38  }
0x1ae: {  	v49 =	vor.u32 s2, v28;
	v38 =	vld.idx.msk [tilespmem:v48+s13+$0x0], $0xffff  }
0x1af: {  	v45 =	vor.u32 v29, v37;
	_ =	sdelay $0x3  }
0x1b0: {  	[tilespmem:v49+s16+$0x0] =	vst.idx.msk $0xffff, v38  }
0x1b1: {  	v48 =	vor.u32 s2, v30;
	v38 =	vld.idx.msk [tilespmem:v45+s13+$0x0], $0xffff  }
0x1b2: {  	v49 =	vor.u32 v31, v37;
	_ =	sdelay $0x3  }
0x1b3: {  	[tilespmem:v48+s16+$0x0] =	vst.idx.msk $0xffff, v38  }
0x1b4: {  	v45 =	vor.u32 s2, v40;
	v38 =	vld.idx.msk [tilespmem:v49+s13+$0x0], $0xffff  }
0x1b5: {  	v48 =	vor.u32 v41, v37;
	_ =	sdelay $0x3  }
0x1b6: {  	s2 =	sor.u32 $0x2000, s2;
	[tilespmem:v45+s16+$0x0] =	vst.idx.msk $0xffff, v38  }
0x1b7: {  	v49 =	vor.u32 s2, v2;
	v38 =	vld.idx.msk [tilespmem:v48+s13+$0x0], $0xffff  }
0x1b8: {  	v45 =	vor.u32 v46, v37;
	_ =	sdelay $0x3  }
0x1b9: {  	[tilespmem:v49+s16+$0x0] =	vst.idx.msk $0xffff, v38  }
0x1ba: {  	v48 =	vor.u32 s2, v4;
	v38 =	vld.idx.msk [tilespmem:v45+s13+$0x0], $0xffff  }
0x1bb: {  	v49 =	vor.u32 v47, v37;
	_ =	sdelay $0x3  }
0x1bc: {  	[tilespmem:v48+s16+$0x0] =	vst.idx.msk $0xffff, v38  }
0x1bd: {  	v45 =	vor.u32 s2, v6;
	v38 =	vld.idx.msk [tilespmem:v49+s13+$0x0], $0xffff  }
0x1be: {  	v48 =	vor.u32 v56, v37;
	_ =	sdelay $0x3  }
0x1bf: {  	[tilespmem:v45+s16+$0x0] =	vst.idx.msk $0xffff, v38  }
0x1c0: {  	v49 =	vor.u32 s2, v8;
	v38 =	vld.idx.msk [tilespmem:v48+s13+$0x0], $0xffff  }
0x1c1: {  	v45 =	vor.u32 v57, v37;
	_ =	sdelay $0x3  }
0x1c2: {  	[tilespmem:v49+s16+$0x0] =	vst.idx.msk $0xffff, v38  }
0x1c3: {  	v48 =	vor.u32 s2, v10;
	v38 =	vld.idx.msk [tilespmem:v45+s13+$0x0], $0xffff  }
0x1c4: {  	v49 =	vor.u32 v58, v37;
	_ =	sdelay $0x3  }
0x1c5: {  	[tilespmem:v48+s16+$0x0] =	vst.idx.msk $0xffff, v38  }
0x1c6: {  	v45 =	vor.u32 s2, v12;
	v38 =	vld.idx.msk [tilespmem:v49+s13+$0x0], $0xffff  }
0x1c7: {  	v48 =	vor.u32 v59, v37;
	_ =	sdelay $0x3  }
0x1c8: {  	[tilespmem:v45+s16+$0x0] =	vst.idx.msk $0xffff, v38  }
0x1c9: {  	v49 =	vor.u32 s2, v14;
	v38 =	vld.idx.msk [tilespmem:v48+s13+$0x0], $0xffff  }
0x1ca: {  	v45 =	vor.u32 v60, v37;
	_ =	sdelay $0x3  }
0x1cb: {  	[tilespmem:v49+s16+$0x0] =	vst.idx.msk $0xffff, v38  }
0x1cc: {  	v48 =	vor.u32 s2, v16;
	v38 =	vld.idx.msk [tilespmem:v45+s13+$0x0], $0xffff  }
0x1cd: {  	v49 =	vor.u32 v61, v37;
	_ =	sdelay $0x3  }
0x1ce: {  	[tilespmem:v48+s16+$0x0] =	vst.idx.msk $0xffff, v38  }
0x1cf: {  	v45 =	vor.u32 s2, v18;
	v38 =	vld.idx.msk [tilespmem:v49+s13+$0x0], $0xffff  }
0x1d0: {  	v48 =	vor.u32 v62, v37;
	_ =	sdelay $0x3  }
0x1d1: {  	[tilespmem:v45+s16+$0x0] =	vst.idx.msk $0xffff, v38  }
0x1d2: {  	v49 =	vor.u32 s2, v20;
	v38 =	vld.idx.msk [tilespmem:v48+s13+$0x0], $0xffff  }
0x1d3: {  	v45 =	vor.u32 v63, v37;
	_ =	sdelay $0x3  }
0x1d4: {  	[tilespmem:v49+s16+$0x0] =	vst.idx.msk $0xffff, v38  }
0x1d5: {  	v48 =	vor.u32 s2, v22;
	v38 =	vld.idx.msk [tilespmem:v45+s13+$0x0], $0xffff  }
0x1d6: {  	v49 =	vor.u32 v32, v37;
	_ =	sdelay $0x3  }
0x1d7: {  	[tilespmem:v48+s16+$0x0] =	vst.idx.msk $0xffff, v38  }
0x1d8: {  	v45 =	vor.u32 s2, v24;
	v38 =	vld.idx.msk [tilespmem:v49+s13+$0x0], $0xffff  }
0x1d9: {  	v48 =	vor.u32 v33, v37;
	_ =	sdelay $0x3  }
0x1da: {  	[tilespmem:v45+s16+$0x0] =	vst.idx.msk $0xffff, v38  }
0x1db: {  	v49 =	vor.u32 s2, v26;
	v38 =	vld.idx.msk [tilespmem:v48+s13+$0x0], $0xffff  }
0x1dc: {  	v45 =	vor.u32 v34, v37;
	_ =	sdelay $0x3  }
0x1dd: {  	[tilespmem:v49+s16+$0x0] =	vst.idx.msk $0xffff, v38  }
0x1de: {  	v48 =	vor.u32 s2, v28;
	v38 =	vld.idx.msk [tilespmem:v45+s13+$0x0], $0xffff  }
0x1df: {  	v49 =	vor.u32 v35, v37;
	_ =	sdelay $0x3  }
0x1e0: {  	[tilespmem:v48+s16+$0x0] =	vst.idx.msk $0xffff, v38  }
0x1e1: {  	v43 =	vor.u32 s2, v30;
	v38 =	vld.idx.msk [tilespmem:v49+s13+$0x0], $0xffff  }
0x1e2: {  	v37 =	vor.u32 v36, v37;
	_ =	sdelay $0x3  }
0x1e3: {  	[tilespmem:v43+s16+$0x0] =	vst.idx.msk $0xffff, v38  }
0x1e4: {  	v44 =	vor.u32 s2, v40;
	v37 =	vld.idx.msk [tilespmem:v37+s13+$0x0], $0xffff;
	_ =	sdelay $0x2  }
0x1e5: {  	s5 =	sshll.u32 s30, $0x11  }
0x1e6: {  	s2 =	sor.u32 s6, s5  }
0x1e7: {  	s10 =	sadd.s32 s0, s2;
	[tilespmem:v44+s16+$0x0] =	vst.idx.msk $0xffff, v37  }
0x1e8: {  	[hbm4b:s10+s1] =	stream.linear.scatter [tilespmem:s16], [sflag:$0x4], $0x1000, $0x38;
	[tilespmem:$0x16400] =	vst v63  }
0x1e9: {  	s12 =	sadd.s32 s2, s7  }
0x1ea: {  	[hbm4b:s12+s1] =	stream.linear.scatter [tilespmem:s18], [sflag:$0x4], $0x1000, $0x38;
	[tilespmem:$0x16400] =	vst v63  }
0x1eb: {  	s5 =	sadd.s32 s2, s8  }
0x1ec: {  	[hbm4b:s5+s1] =	stream.linear.scatter [tilespmem:s19], [sflag:$0x4], $0x1000, $0x38;
	[tilespmem:$0x16400] =	vst v63  }
0x1ed: {  	s2 =	sadd.s32 s2, s9  }
0x1ee: {  	[hbm4b:s2+s1] =	stream.linear.scatter [tilespmem:s20], [sflag:$0x4], $0x1000, $0x38;
	[tilespmem:$0x16400] =	vst v63  }
0x1ef: {  	s2 =	simm.s32 @!p0 $0x5  }
0x1f0: {  	p1 =	seq.s32 @!p0 s30, $0x18;
	s10 =	simm.s32 $0x0;
	_ =	swait.ge @!p0 [sflag:s2], $0x4000  }
0x1f1: {  	p1 =	por p0, !p1;
	v45 =	vmov s10;
	[sflag:s2] =	ssyncset.done @!p0 $0x0  }
0x1f2: {  	v37 =	vshll.u32 v45, $0x5;
	[sflag:s2] =	ssyncadd.s32 @!p0 $0xFFFFC000;
	s2 =	sshll.u32 @p1 s30, $0xA  }
0x1f3: {  	v37 =	vor.u32 v1, v37;
	s2 =	sand.u32 @p1 $0x3FFFFC00, s2  }
0x1f4: {  	v48 =	vor.u32 v0, v37;
	s2 =	sadd.s32 @p1 $0x400, s2  }
0x1f5: {  	[tilespmem:s13], [sflag:$0x2] =	stream.indirect.gather @p1 [hbm4b:s4+s11], $0x20, s2, s11, $0xb8;
	[tilespmem:$0x16400] =	vst v63  }
0x1f6: {  	_ =	swait.ge [sflag:s21], $0x4000  }
0x1f7: {  	s12 =	sand.u32 $0x70, s10;
	s2 =	sand.u32 $0xC00, s10;
	[sflag:s21] =	ssyncset.done $0x0  }
0x1f8: {  	s2 =	sor.u32 s12, s2;
	[sflag:s21] =	ssyncadd.s32 $0xFFFFC000  }
0x1f9: {  	v49 =	vor.u32 s2, v2;
	v38 =	vld.idx.msk [tilespmem:v48+s15+$0x0], $0xffff  }
0x1fa: {  	v45 =	vor.u32 v3, v37;
	_ =	sdelay $0x3  }
0x1fb: {  	[tilespmem:v49+s22+$0x0] =	vst.idx.msk $0xffff, v38  }
0x1fc: {  	v48 =	vor.u32 s2, v4;
	v38 =	vld.idx.msk [tilespmem:v45+s15+$0x0], $0xffff  }
0x1fd: {  	v49 =	vor.u32 v5, v37;
	_ =	sdelay $0x3  }
0x1fe: {  	[tilespmem:v48+s22+$0x0] =	vst.idx.msk $0xffff, v38  }
0x1ff: {  	v45 =	vor.u32 s2, v6;
	v38 =	vld.idx.msk [tilespmem:v49+s15+$0x0], $0xffff  }
0x200: {  	v48 =	vor.u32 v7, v37;
	_ =	sdelay $0x3  }
0x201: {  	[tilespmem:v45+s22+$0x0] =	vst.idx.msk $0xffff, v38  }
0x202: {  	v49 =	vor.u32 s2, v8;
	v38 =	vld.idx.msk [tilespmem:v48+s15+$0x0], $0xffff  }
0x203: {  	v45 =	vor.u32 v9, v37;
	_ =	sdelay $0x3  }
0x204: {  	[tilespmem:v49+s22+$0x0] =	vst.idx.msk $0xffff, v38  }
0x205: {  	v48 =	vor.u32 s2, v10;
	v38 =	vld.idx.msk [tilespmem:v45+s15+$0x0], $0xffff  }
0x206: {  	v49 =	vor.u32 v11, v37;
	_ =	sdelay $0x3  }
0x207: {  	[tilespmem:v48+s22+$0x0] =	vst.idx.msk $0xffff, v38  }
0x208: {  	v45 =	vor.u32 s2, v12;
	v38 =	vld.idx.msk [tilespmem:v49+s15+$0x0], $0xffff  }
0x209: {  	v48 =	vor.u32 v13, v37;
	_ =	sdelay $0x3  }
0x20a: {  	[tilespmem:v45+s22+$0x0] =	vst.idx.msk $0xffff, v38  }
0x20b: {  	v49 =	vor.u32 s2, v14;
	v38 =	vld.idx.msk [tilespmem:v48+s15+$0x0], $0xffff  }
0x20c: {  	v45 =	vor.u32 v15, v37;
	_ =	sdelay $0x3  }
0x20d: {  	[tilespmem:v49+s22+$0x0] =	vst.idx.msk $0xffff, v38  }
0x20e: {  	v48 =	vor.u32 s2, v16;
	v38 =	vld.idx.msk [tilespmem:v45+s15+$0x0], $0xffff  }
0x20f: {  	v49 =	vor.u32 v17, v37;
	_ =	sdelay $0x3  }
0x210: {  	[tilespmem:v48+s22+$0x0] =	vst.idx.msk $0xffff, v38  }
0x211: {  	v45 =	vor.u32 s2, v18;
	v38 =	vld.idx.msk [tilespmem:v49+s15+$0x0], $0xffff  }
0x212: {  	v48 =	vor.u32 v19, v37;
	_ =	sdelay $0x3  }
0x213: {  	[tilespmem:v45+s22+$0x0] =	vst.idx.msk $0xffff, v38  }
0x214: {  	v49 =	vor.u32 s2, v20;
	v38 =	vld.idx.msk [tilespmem:v48+s15+$0x0], $0xffff  }
0x215: {  	v45 =	vor.u32 v21, v37;
	_ =	sdelay $0x3  }
0x216: {  	[tilespmem:v49+s22+$0x0] =	vst.idx.msk $0xffff, v38  }
0x217: {  	v48 =	vor.u32 s2, v22;
	v38 =	vld.idx.msk [tilespmem:v45+s15+$0x0], $0xffff  }
0x218: {  	v49 =	vor.u32 v23, v37;
	_ =	sdelay $0x3  }
0x219: {  	[tilespmem:v48+s22+$0x0] =	vst.idx.msk $0xffff, v38  }
0x21a: {  	v45 =	vor.u32 s2, v24;
	v38 =	vld.idx.msk [tilespmem:v49+s15+$0x0], $0xffff  }
0x21b: {  	v48 =	vor.u32 v25, v37;
	_ =	sdelay $0x3  }
0x21c: {  	[tilespmem:v45+s22+$0x0] =	vst.idx.msk $0xffff, v38  }
0x21d: {  	v49 =	vor.u32 s2, v26;
	v38 =	vld.idx.msk [tilespmem:v48+s15+$0x0], $0xffff  }
0x21e: {  	v45 =	vor.u32 v27, v37;
	_ =	sdelay $0x3  }
0x21f: {  	[tilespmem:v49+s22+$0x0] =	vst.idx.msk $0xffff, v38  }
0x220: {  	v48 =	vor.u32 s2, v28;
	v38 =	vld.idx.msk [tilespmem:v45+s15+$0x0], $0xffff  }
0x221: {  	v49 =	vor.u32 v29, v37;
	_ =	sdelay $0x3  }
0x222: {  	[tilespmem:v48+s22+$0x0] =	vst.idx.msk $0xffff, v38  }
0x223: {  	v45 =	vor.u32 s2, v30;
	v38 =	vld.idx.msk [tilespmem:v49+s15+$0x0], $0xffff  }
0x224: {  	v48 =	vor.u32 v31, v37;
	_ =	sdelay $0x3  }
0x225: {  	[tilespmem:v45+s22+$0x0] =	vst.idx.msk $0xffff, v38  }
0x226: {  	v49 =	vor.u32 s2, v40;
	v38 =	vld.idx.msk [tilespmem:v48+s15+$0x0], $0xffff  }
0x227: {  	v45 =	vor.u32 v41, v37;
	_ =	sdelay $0x3  }
0x228: {  	s5 =	sor.u32 $0x2000, s2;
	[tilespmem:v49+s22+$0x0] =	vst.idx.msk $0xffff, v38  }
0x229: {  	v48 =	vor.u32 s5, v2;
	v38 =	vld.idx.msk [tilespmem:v45+s15+$0x0], $0xffff  }
0x22a: {  	v49 =	vor.u32 v46, v37;
	_ =	sdelay $0x3  }
0x22b: {  	[tilespmem:v48+s22+$0x0] =	vst.idx.msk $0xffff, v38  }
0x22c: {  	v45 =	vor.u32 s5, v4;
	v38 =	vld.idx.msk [tilespmem:v49+s15+$0x0], $0xffff  }
0x22d: {  	v48 =	vor.u32 v47, v37;
	_ =	sdelay $0x3  }
0x22e: {  	[tilespmem:v45+s22+$0x0] =	vst.idx.msk $0xffff, v38  }
0x22f: {  	v49 =	vor.u32 s5, v6;
	v38 =	vld.idx.msk [tilespmem:v48+s15+$0x0], $0xffff  }
0x230: {  	v45 =	vor.u32 v56, v37;
	_ =	sdelay $0x3  }
0x231: {  	[tilespmem:v49+s22+$0x0] =	vst.idx.msk $0xffff, v38  }
0x232: {  	v48 =	vor.u32 s5, v8;
	v38 =	vld.idx.msk [tilespmem:v45+s15+$0x0], $0xffff  }
0x233: {  	v49 =	vor.u32 v57, v37;
	_ =	sdelay $0x3  }
0x234: {  	[tilespmem:v48+s22+$0x0] =	vst.idx.msk $0xffff, v38  }
0x235: {  	v45 =	vor.u32 s5, v10;
	v38 =	vld.idx.msk [tilespmem:v49+s15+$0x0], $0xffff  }
0x236: {  	v48 =	vor.u32 v58, v37;
	_ =	sdelay $0x3  }
0x237: {  	[tilespmem:v45+s22+$0x0] =	vst.idx.msk $0xffff, v38  }
0x238: {  	v49 =	vor.u32 s5, v12;
	v38 =	vld.idx.msk [tilespmem:v48+s15+$0x0], $0xffff  }
0x239: {  	v45 =	vor.u32 v59, v37;
	_ =	sdelay $0x3  }
0x23a: {  	[tilespmem:v49+s22+$0x0] =	vst.idx.msk $0xffff, v38  }
0x23b: {  	v48 =	vor.u32 s5, v14;
	v38 =	vld.idx.msk [tilespmem:v45+s15+$0x0], $0xffff  }
0x23c: {  	v49 =	vor.u32 v60, v37;
	_ =	sdelay $0x3  }
0x23d: {  	[tilespmem:v48+s22+$0x0] =	vst.idx.msk $0xffff, v38  }
0x23e: {  	v45 =	vor.u32 s5, v16;
	v38 =	vld.idx.msk [tilespmem:v49+s15+$0x0], $0xffff  }
0x23f: {  	v48 =	vor.u32 v61, v37;
	_ =	sdelay $0x3  }
0x240: {  	[tilespmem:v45+s22+$0x0] =	vst.idx.msk $0xffff, v38  }
0x241: {  	v49 =	vor.u32 s5, v18;
	v38 =	vld.idx.msk [tilespmem:v48+s15+$0x0], $0xffff  }
0x242: {  	v45 =	vor.u32 v62, v37;
	_ =	sdelay $0x3  }
0x243: {  	[tilespmem:v49+s22+$0x0] =	vst.idx.msk $0xffff, v38  }
0x244: {  	v48 =	vor.u32 s5, v20;
	v38 =	vld.idx.msk [tilespmem:v45+s15+$0x0], $0xffff  }
0x245: {  	v49 =	vor.u32 v63, v37;
	_ =	sdelay $0x3  }
0x246: {  	[tilespmem:v48+s22+$0x0] =	vst.idx.msk $0xffff, v38  }
0x247: {  	v45 =	vor.u32 s5, v22;
	v38 =	vld.idx.msk [tilespmem:v49+s15+$0x0], $0xffff  }
0x248: {  	v48 =	vor.u32 v32, v37;
	_ =	sdelay $0x3  }
0x249: {  	[tilespmem:v45+s22+$0x0] =	vst.idx.msk $0xffff, v38  }
0x24a: {  	v49 =	vor.u32 s5, v24;
	v38 =	vld.idx.msk [tilespmem:v48+s15+$0x0], $0xffff  }
0x24b: {  	v45 =	vor.u32 v33, v37;
	_ =	sdelay $0x3  }
0x24c: {  	[tilespmem:v49+s22+$0x0] =	vst.idx.msk $0xffff, v38  }
0x24d: {  	v48 =	vor.u32 s5, v26;
	v38 =	vld.idx.msk [tilespmem:v45+s15+$0x0], $0xffff  }
0x24e: {  	v49 =	vor.u32 v34, v37;
	_ =	sdelay $0x3  }
0x24f: {  	[tilespmem:v48+s22+$0x0] =	vst.idx.msk $0xffff, v38  }
0x250: {  	v45 =	vor.u32 s5, v28;
	v38 =	vld.idx.msk [tilespmem:v49+s15+$0x0], $0xffff  }
0x251: {  	v48 =	vor.u32 v35, v37;
	_ =	sdelay $0x3  }
0x252: {  	[tilespmem:v45+s22+$0x0] =	vst.idx.msk $0xffff, v38  }
0x253: {  	v49 =	vor.u32 s5, v30;
	v39 =	vld.idx.msk [tilespmem:v48+s15+$0x0], $0xffff  }
0x254: {  	v37 =	vor.u32 v36, v37;
	_ =	sdelay $0x2  }
0x255: {  	s3 =	simm.s32 $0x10  }
0x256: {  	s12 =	simm.s32 $0x100;
	s2 =	simm.s32 $0x80;
	v38 =	vmov s3;
	[tilespmem:v49+s22+$0x0] =	vst.idx.msk $0xffff, v39  }
.LBB2_5:
0x257: {  	p0 =	sne.s32 s12, $0xF80;
	v38 =	vshll.u32 v38, $0x5;
	v39 =	vld.idx.msk [tilespmem:v37+s15+$0x0], $0xffff  }
0x258: {  	v37 =	vor.u32 v1, v38;
	v38 =	vor.u32 s5, v40  }
0x259: {  	v42 =	vor.u32 v0, v37;
	_ =	sdelay $0x3  }
0x25a: {  	s10 =	sand.u32 $0xC00, s2;
	s2 =	smov.u32 s12;
	s5 =	sand.u32 $0x70, s3;
	[tilespmem:v38+s22+$0x0] =	vst.idx.msk $0xffff, v39  }
0x25b: {  	s5 =	sor.u32 s5, s10;
	v38 =	vld.idx.msk [tilespmem:v42+s15+$0x0], $0xffff  }
0x25c: {  	v39 =	vor.u32 s5, v2  }
0x25d: {  	v42 =	vor.u32 v3, v37;
	_ =	sdelay $0x3  }
0x25e: {  	[tilespmem:v39+s22+$0x0] =	vst.idx.msk $0xffff, v38  }
0x25f: {  	v38 =	vld.idx.msk [tilespmem:v42+s15+$0x0], $0xffff  }
0x260: {  	v39 =	vor.u32 s5, v4  }
0x261: {  	v42 =	vor.u32 v5, v37;
	_ =	sdelay $0x3  }
0x262: {  	[tilespmem:v39+s22+$0x0] =	vst.idx.msk $0xffff, v38  }
0x263: {  	v38 =	vld.idx.msk [tilespmem:v42+s15+$0x0], $0xffff  }
0x264: {  	v39 =	vor.u32 s5, v6  }
0x265: {  	v42 =	vor.u32 v7, v37;
	_ =	sdelay $0x3  }
0x266: {  	[tilespmem:v39+s22+$0x0] =	vst.idx.msk $0xffff, v38  }
0x267: {  	v38 =	vld.idx.msk [tilespmem:v42+s15+$0x0], $0xffff  }
0x268: {  	v39 =	vor.u32 s5, v8  }
0x269: {  	v42 =	vor.u32 v9, v37;
	_ =	sdelay $0x3  }
0x26a: {  	[tilespmem:v39+s22+$0x0] =	vst.idx.msk $0xffff, v38  }
0x26b: {  	v38 =	vld.idx.msk [tilespmem:v42+s15+$0x0], $0xffff  }
0x26c: {  	v39 =	vor.u32 s5, v10  }
0x26d: {  	v42 =	vor.u32 v11, v37;
	_ =	sdelay $0x3  }
0x26e: {  	[tilespmem:v39+s22+$0x0] =	vst.idx.msk $0xffff, v38  }
0x26f: {  	v38 =	vld.idx.msk [tilespmem:v42+s15+$0x0], $0xffff  }
0x270: {  	v39 =	vor.u32 s5, v12  }
0x271: {  	v42 =	vor.u32 v13, v37;
	_ =	sdelay $0x3  }
0x272: {  	[tilespmem:v39+s22+$0x0] =	vst.idx.msk $0xffff, v38  }
0x273: {  	v38 =	vld.idx.msk [tilespmem:v42+s15+$0x0], $0xffff  }
0x274: {  	v39 =	vor.u32 s5, v14  }
0x275: {  	v42 =	vor.u32 v15, v37;
	_ =	sdelay $0x3  }
0x276: {  	[tilespmem:v39+s22+$0x0] =	vst.idx.msk $0xffff, v38  }
0x277: {  	v38 =	vld.idx.msk [tilespmem:v42+s15+$0x0], $0xffff  }
0x278: {  	v39 =	vor.u32 s5, v16  }
0x279: {  	v42 =	vor.u32 v17, v37;
	_ =	sdelay $0x3  }
0x27a: {  	[tilespmem:v39+s22+$0x0] =	vst.idx.msk $0xffff, v38  }
0x27b: {  	v38 =	vld.idx.msk [tilespmem:v42+s15+$0x0], $0xffff  }
0x27c: {  	v39 =	vor.u32 s5, v18  }
0x27d: {  	v42 =	vor.u32 v19, v37;
	_ =	sdelay $0x3  }
0x27e: {  	[tilespmem:v39+s22+$0x0] =	vst.idx.msk $0xffff, v38  }
0x27f: {  	v38 =	vld.idx.msk [tilespmem:v42+s15+$0x0], $0xffff  }
0x280: {  	v39 =	vor.u32 s5, v20  }
0x281: {  	v42 =	vor.u32 v21, v37;
	_ =	sdelay $0x3  }
0x282: {  	[tilespmem:v39+s22+$0x0] =	vst.idx.msk $0xffff, v38  }
0x283: {  	v38 =	vld.idx.msk [tilespmem:v42+s15+$0x0], $0xffff  }
0x284: {  	v39 =	vor.u32 s5, v22  }
0x285: {  	v42 =	vor.u32 v23, v37;
	_ =	sdelay $0x3  }
0x286: {  	[tilespmem:v39+s22+$0x0] =	vst.idx.msk $0xffff, v38  }
0x287: {  	v38 =	vld.idx.msk [tilespmem:v42+s15+$0x0], $0xffff  }
0x288: {  	v39 =	vor.u32 s5, v24  }
0x289: {  	v42 =	vor.u32 v25, v37;
	_ =	sdelay $0x3  }
0x28a: {  	[tilespmem:v39+s22+$0x0] =	vst.idx.msk $0xffff, v38  }
0x28b: {  	v38 =	vld.idx.msk [tilespmem:v42+s15+$0x0], $0xffff  }
0x28c: {  	v39 =	vor.u32 s5, v26  }
0x28d: {  	v42 =	vor.u32 v27, v37;
	_ =	sdelay $0x3  }
0x28e: {  	[tilespmem:v39+s22+$0x0] =	vst.idx.msk $0xffff, v38  }
0x28f: {  	v38 =	vld.idx.msk [tilespmem:v42+s15+$0x0], $0xffff  }
0x290: {  	v39 =	vor.u32 s5, v28  }
0x291: {  	v42 =	vor.u32 v29, v37;
	_ =	sdelay $0x3  }
0x292: {  	[tilespmem:v39+s22+$0x0] =	vst.idx.msk $0xffff, v38  }
0x293: {  	v38 =	vld.idx.msk [tilespmem:v42+s15+$0x0], $0xffff  }
0x294: {  	v39 =	vor.u32 s5, v30  }
0x295: {  	v42 =	vor.u32 v31, v37;
	_ =	sdelay $0x3  }
0x296: {  	[tilespmem:v39+s22+$0x0] =	vst.idx.msk $0xffff, v38  }
0x297: {  	v38 =	vld.idx.msk [tilespmem:v42+s15+$0x0], $0xffff  }
0x298: {  	v39 =	vor.u32 s5, v40  }
0x299: {  	v42 =	vor.u32 v41, v37;
	_ =	sdelay $0x3  }
0x29a: {  	[tilespmem:v39+s22+$0x0] =	vst.idx.msk $0xffff, v38  }
0x29b: {  	s5 =	sor.u32 $0x2000, s5;
	v38 =	vld.idx.msk [tilespmem:v42+s15+$0x0], $0xffff  }
0x29c: {  	v39 =	vor.u32 s5, v2  }
0x29d: {  	v42 =	vor.u32 v46, v37;
	_ =	sdelay $0x3  }
0x29e: {  	[tilespmem:v39+s22+$0x0] =	vst.idx.msk $0xffff, v38  }
0x29f: {  	v38 =	vld.idx.msk [tilespmem:v42+s15+$0x0], $0xffff  }
0x2a0: {  	v39 =	vor.u32 s5, v4  }
0x2a1: {  	v42 =	vor.u32 v47, v37;
	_ =	sdelay $0x3  }
0x2a2: {  	[tilespmem:v39+s22+$0x0] =	vst.idx.msk $0xffff, v38  }
0x2a3: {  	v38 =	vld.idx.msk [tilespmem:v42+s15+$0x0], $0xffff  }
0x2a4: {  	v39 =	vor.u32 s5, v6  }
0x2a5: {  	v42 =	vor.u32 v56, v37;
	_ =	sdelay $0x3  }
0x2a6: {  	[tilespmem:v39+s22+$0x0] =	vst.idx.msk $0xffff, v38  }
0x2a7: {  	v38 =	vld.idx.msk [tilespmem:v42+s15+$0x0], $0xffff  }
0x2a8: {  	v39 =	vor.u32 s5, v8  }
0x2a9: {  	v42 =	vor.u32 v57, v37;
	_ =	sdelay $0x3  }
0x2aa: {  	[tilespmem:v39+s22+$0x0] =	vst.idx.msk $0xffff, v38  }
0x2ab: {  	v38 =	vld.idx.msk [tilespmem:v42+s15+$0x0], $0xffff  }
0x2ac: {  	v39 =	vor.u32 s5, v10  }
0x2ad: {  	v42 =	vor.u32 v58, v37;
	_ =	sdelay $0x3  }
0x2ae: {  	[tilespmem:v39+s22+$0x0] =	vst.idx.msk $0xffff, v38  }
0x2af: {  	v38 =	vld.idx.msk [tilespmem:v42+s15+$0x0], $0xffff  }
0x2b0: {  	v39 =	vor.u32 s5, v12  }
0x2b1: {  	v42 =	vor.u32 v59, v37;
	_ =	sdelay $0x3  }
0x2b2: {  	[tilespmem:v39+s22+$0x0] =	vst.idx.msk $0xffff, v38  }
0x2b3: {  	v38 =	vld.idx.msk [tilespmem:v42+s15+$0x0], $0xffff  }
0x2b4: {  	v39 =	vor.u32 s5, v14  }
0x2b5: {  	v42 =	vor.u32 v60, v37;
	_ =	sdelay $0x3  }
0x2b6: {  	[tilespmem:v39+s22+$0x0] =	vst.idx.msk $0xffff, v38  }
0x2b7: {  	v38 =	vld.idx.msk [tilespmem:v42+s15+$0x0], $0xffff  }
0x2b8: {  	v39 =	vor.u32 s5, v16  }
0x2b9: {  	v42 =	vor.u32 v61, v37;
	_ =	sdelay $0x3  }
0x2ba: {  	[tilespmem:v39+s22+$0x0] =	vst.idx.msk $0xffff, v38  }
0x2bb: {  	v38 =	vld.idx.msk [tilespmem:v42+s15+$0x0], $0xffff  }
0x2bc: {  	v39 =	vor.u32 s5, v18  }
0x2bd: {  	v42 =	vor.u32 v62, v37;
	_ =	sdelay $0x3  }
0x2be: {  	[tilespmem:v39+s22+$0x0] =	vst.idx.msk $0xffff, v38  }
0x2bf: {  	v38 =	vld.idx.msk [tilespmem:v42+s15+$0x0], $0xffff  }
0x2c0: {  	v39 =	vor.u32 s5, v20  }
0x2c1: {  	v42 =	vor.u32 v63, v37;
	_ =	sdelay $0x3  }
0x2c2: {  	[tilespmem:v39+s22+$0x0] =	vst.idx.msk $0xffff, v38  }
0x2c3: {  	v38 =	vld.idx.msk [tilespmem:v42+s15+$0x0], $0xffff  }
0x2c4: {  	v39 =	vor.u32 s5, v22  }
0x2c5: {  	v42 =	vor.u32 v32, v37;
	_ =	sdelay $0x3  }
0x2c6: {  	[tilespmem:v39+s22+$0x0] =	vst.idx.msk $0xffff, v38  }
0x2c7: {  	v38 =	vld.idx.msk [tilespmem:v42+s15+$0x0], $0xffff  }
0x2c8: {  	v39 =	vor.u32 s5, v24  }
0x2c9: {  	v42 =	vor.u32 v33, v37;
	_ =	sdelay $0x3  }
0x2ca: {  	[tilespmem:v39+s22+$0x0] =	vst.idx.msk $0xffff, v38  }
0x2cb: {  	v38 =	vld.idx.msk [tilespmem:v42+s15+$0x0], $0xffff  }
0x2cc: {  	v39 =	vor.u32 s5, v26  }
0x2cd: {  	v42 =	vor.u32 v34, v37;
	_ =	sdelay $0x3  }
0x2ce: {  	[tilespmem:v39+s22+$0x0] =	vst.idx.msk $0xffff, v38  }
0x2cf: {  	v38 =	vld.idx.msk [tilespmem:v42+s15+$0x0], $0xffff  }
0x2d0: {  	v39 =	vor.u32 s5, v28  }
0x2d1: {  	v42 =	vor.u32 v35, v37;
	_ =	sdelay $0x3  }
0x2d2: {  	[tilespmem:v39+s22+$0x0] =	vst.idx.msk $0xffff, v38  }
0x2d3: {  	v39 =	vld.idx.msk [tilespmem:v42+s15+$0x0], $0xffff  }
0x2d4: {  	v42 =	vor.u32 s5, v30  }
.Ltmp1:
0x2d5: {  	v37 =	vor.u32 v36, v37;
	(pc) =	sbr.rel @p0 .LBB2_5-.Ltmp1, $3  }
0x2d6: {  	_ =	sdelay $0x1  }
0x2d7: {  	s3 =	sadd.s32 $0x10, s3  }
0x2d8: {  	s12 =	sadd.s32 $0x80, s12;
	v38 =	vmov s3;
	[tilespmem:v42+s22+$0x0] =	vst.idx.msk $0xffff, v39  }
0x2d9: {  	_ =	sdelay $0x2  }
0x2da: {  	v38 =	vshll.u32 v38, $0x5  }
0x2db: {  	v39 =	vld.idx.msk [tilespmem:v37+s15+$0x0], $0xffff;
	v45 =	vor.u32 s5, v40;
	v37 =	vor.u32 v1, v38  }
0x2dc: {  	v42 =	vor.u32 v0, v37;
	_ =	sdelay $0x2  }
0x2dd: {  	s3 =	sand.u32 $0x70, s3;
	s2 =	sand.u32 $0xC00, s2  }
0x2de: {  	s2 =	sor.u32 s3, s2;
	[tilespmem:v45+s22+$0x0] =	vst.idx.msk $0xffff, v39  }
0x2df: {  	v48 =	vor.u32 s2, v2;
	v38 =	vld.idx.msk [tilespmem:v42+s15+$0x0], $0xffff  }
0x2e0: {  	v49 =	vor.u32 v3, v37;
	_ =	sdelay $0x3  }
0x2e1: {  	[tilespmem:v48+s22+$0x0] =	vst.idx.msk $0xffff, v38  }
0x2e2: {  	v45 =	vor.u32 s2, v4;
	v38 =	vld.idx.msk [tilespmem:v49+s15+$0x0], $0xffff  }
0x2e3: {  	v48 =	vor.u32 v5, v37;
	_ =	sdelay $0x3  }
0x2e4: {  	[tilespmem:v45+s22+$0x0] =	vst.idx.msk $0xffff, v38  }
0x2e5: {  	v49 =	vor.u32 s2, v6;
	v38 =	vld.idx.msk [tilespmem:v48+s15+$0x0], $0xffff  }
0x2e6: {  	v45 =	vor.u32 v7, v37;
	_ =	sdelay $0x3  }
0x2e7: {  	[tilespmem:v49+s22+$0x0] =	vst.idx.msk $0xffff, v38  }
0x2e8: {  	v48 =	vor.u32 s2, v8;
	v38 =	vld.idx.msk [tilespmem:v45+s15+$0x0], $0xffff  }
0x2e9: {  	v49 =	vor.u32 v9, v37;
	_ =	sdelay $0x3  }
0x2ea: {  	[tilespmem:v48+s22+$0x0] =	vst.idx.msk $0xffff, v38  }
0x2eb: {  	v45 =	vor.u32 s2, v10;
	v38 =	vld.idx.msk [tilespmem:v49+s15+$0x0], $0xffff  }
0x2ec: {  	v48 =	vor.u32 v11, v37;
	_ =	sdelay $0x3  }
0x2ed: {  	[tilespmem:v45+s22+$0x0] =	vst.idx.msk $0xffff, v38  }
0x2ee: {  	v49 =	vor.u32 s2, v12;
	v38 =	vld.idx.msk [tilespmem:v48+s15+$0x0], $0xffff  }
0x2ef: {  	v45 =	vor.u32 v13, v37;
	_ =	sdelay $0x3  }
0x2f0: {  	[tilespmem:v49+s22+$0x0] =	vst.idx.msk $0xffff, v38  }
0x2f1: {  	v48 =	vor.u32 s2, v14;
	v38 =	vld.idx.msk [tilespmem:v45+s15+$0x0], $0xffff  }
0x2f2: {  	v49 =	vor.u32 v15, v37;
	_ =	sdelay $0x3  }
0x2f3: {  	[tilespmem:v48+s22+$0x0] =	vst.idx.msk $0xffff, v38  }
0x2f4: {  	v45 =	vor.u32 s2, v16;
	v38 =	vld.idx.msk [tilespmem:v49+s15+$0x0], $0xffff  }
0x2f5: {  	v48 =	vor.u32 v17, v37;
	_ =	sdelay $0x3  }
0x2f6: {  	[tilespmem:v45+s22+$0x0] =	vst.idx.msk $0xffff, v38  }
0x2f7: {  	v49 =	vor.u32 s2, v18;
	v38 =	vld.idx.msk [tilespmem:v48+s15+$0x0], $0xffff  }
0x2f8: {  	v45 =	vor.u32 v19, v37;
	_ =	sdelay $0x3  }
0x2f9: {  	[tilespmem:v49+s22+$0x0] =	vst.idx.msk $0xffff, v38  }
0x2fa: {  	v48 =	vor.u32 s2, v20;
	v38 =	vld.idx.msk [tilespmem:v45+s15+$0x0], $0xffff  }
0x2fb: {  	v49 =	vor.u32 v21, v37;
	_ =	sdelay $0x3  }
0x2fc: {  	[tilespmem:v48+s22+$0x0] =	vst.idx.msk $0xffff, v38  }
0x2fd: {  	v45 =	vor.u32 s2, v22;
	v38 =	vld.idx.msk [tilespmem:v49+s15+$0x0], $0xffff  }
0x2fe: {  	v48 =	vor.u32 v23, v37;
	_ =	sdelay $0x3  }
0x2ff: {  	[tilespmem:v45+s22+$0x0] =	vst.idx.msk $0xffff, v38  }
0x300: {  	v49 =	vor.u32 s2, v24;
	v38 =	vld.idx.msk [tilespmem:v48+s15+$0x0], $0xffff  }
0x301: {  	v45 =	vor.u32 v25, v37;
	_ =	sdelay $0x3  }
0x302: {  	[tilespmem:v49+s22+$0x0] =	vst.idx.msk $0xffff, v38  }
0x303: {  	v48 =	vor.u32 s2, v26;
	v38 =	vld.idx.msk [tilespmem:v45+s15+$0x0], $0xffff  }
0x304: {  	v49 =	vor.u32 v27, v37;
	_ =	sdelay $0x3  }
0x305: {  	[tilespmem:v48+s22+$0x0] =	vst.idx.msk $0xffff, v38  }
0x306: {  	v45 =	vor.u32 s2, v28;
	v38 =	vld.idx.msk [tilespmem:v49+s15+$0x0], $0xffff  }
0x307: {  	v48 =	vor.u32 v29, v37;
	_ =	sdelay $0x3  }
0x308: {  	[tilespmem:v45+s22+$0x0] =	vst.idx.msk $0xffff, v38  }
0x309: {  	v49 =	vor.u32 s2, v30;
	v38 =	vld.idx.msk [tilespmem:v48+s15+$0x0], $0xffff  }
0x30a: {  	v45 =	vor.u32 v31, v37;
	_ =	sdelay $0x3  }
0x30b: {  	[tilespmem:v49+s22+$0x0] =	vst.idx.msk $0xffff, v38  }
0x30c: {  	v48 =	vor.u32 s2, v40;
	v38 =	vld.idx.msk [tilespmem:v45+s15+$0x0], $0xffff  }
0x30d: {  	v49 =	vor.u32 v41, v37;
	_ =	sdelay $0x3  }
0x30e: {  	s2 =	sor.u32 $0x2000, s2;
	[tilespmem:v48+s22+$0x0] =	vst.idx.msk $0xffff, v38  }
0x30f: {  	v45 =	vor.u32 s2, v2;
	v38 =	vld.idx.msk [tilespmem:v49+s15+$0x0], $0xffff  }
0x310: {  	v48 =	vor.u32 v46, v37;
	_ =	sdelay $0x3  }
0x311: {  	[tilespmem:v45+s22+$0x0] =	vst.idx.msk $0xffff, v38  }
0x312: {  	v49 =	vor.u32 s2, v4;
	v38 =	vld.idx.msk [tilespmem:v48+s15+$0x0], $0xffff  }
0x313: {  	v45 =	vor.u32 v47, v37;
	_ =	sdelay $0x3  }
0x314: {  	[tilespmem:v49+s22+$0x0] =	vst.idx.msk $0xffff, v38  }
0x315: {  	v48 =	vor.u32 s2, v6;
	v38 =	vld.idx.msk [tilespmem:v45+s15+$0x0], $0xffff  }
0x316: {  	v49 =	vor.u32 v56, v37;
	_ =	sdelay $0x3  }
0x317: {  	[tilespmem:v48+s22+$0x0] =	vst.idx.msk $0xffff, v38  }
0x318: {  	v56 =	vor.u32 s2, v8;
	v38 =	vld.idx.msk [tilespmem:v49+s15+$0x0], $0xffff  }
0x319: {  	v57 =	vor.u32 v57, v37;
	_ =	sdelay $0x3  }
0x31a: {  	[tilespmem:v56+s22+$0x0] =	vst.idx.msk $0xffff, v38  }
0x31b: {  	v45 =	vor.u32 s2, v10;
	v38 =	vld.idx.msk [tilespmem:v57+s15+$0x0], $0xffff  }
0x31c: {  	v48 =	vor.u32 v58, v37;
	_ =	sdelay $0x3  }
0x31d: {  	[tilespmem:v45+s22+$0x0] =	vst.idx.msk $0xffff, v38  }
0x31e: {  	v49 =	vor.u32 s2, v12;
	v38 =	vld.idx.msk [tilespmem:v48+s15+$0x0], $0xffff  }
0x31f: {  	v56 =	vor.u32 v59, v37;
	_ =	sdelay $0x3  }
0x320: {  	[tilespmem:v49+s22+$0x0] =	vst.idx.msk $0xffff, v38  }
0x321: {  	v57 =	vor.u32 s2, v14;
	v38 =	vld.idx.msk [tilespmem:v56+s15+$0x0], $0xffff  }
0x322: {  	v58 =	vor.u32 v60, v37;
	_ =	sdelay $0x3  }
0x323: {  	[tilespmem:v57+s22+$0x0] =	vst.idx.msk $0xffff, v38  }
0x324: {  	v59 =	vor.u32 s2, v16;
	v38 =	vld.idx.msk [tilespmem:v58+s15+$0x0], $0xffff  }
0x325: {  	v60 =	vor.u32 v61, v37;
	_ =	sdelay $0x3  }
0x326: {  	[tilespmem:v59+s22+$0x0] =	vst.idx.msk $0xffff, v38  }
0x327: {  	v61 =	vor.u32 s2, v18;
	v38 =	vld.idx.msk [tilespmem:v60+s15+$0x0], $0xffff  }
0x328: {  	v45 =	vor.u32 v62, v37;
	_ =	sdelay $0x3  }
0x329: {  	[tilespmem:v61+s22+$0x0] =	vst.idx.msk $0xffff, v38  }
0x32a: {  	v48 =	vor.u32 s2, v20;
	v38 =	vld.idx.msk [tilespmem:v45+s15+$0x0], $0xffff  }
0x32b: {  	v49 =	vor.u32 v63, v37;
	_ =	sdelay $0x3  }
0x32c: {  	[tilespmem:v48+s22+$0x0] =	vst.idx.msk $0xffff, v38  }
0x32d: {  	v56 =	vor.u32 s2, v22;
	v38 =	vld.idx.msk [tilespmem:v49+s15+$0x0], $0xffff  }
0x32e: {  	v32 =	vor.u32 v32, v37;
	_ =	sdelay $0x3  }
0x32f: {  	[tilespmem:v56+s22+$0x0] =	vst.idx.msk $0xffff, v38  }
0x330: {  	v57 =	vor.u32 s2, v24;
	v32 =	vld.idx.msk [tilespmem:v32+s15+$0x0], $0xffff  }
0x331: {  	v33 =	vor.u32 v33, v37;
	_ =	sdelay $0x3  }
0x332: {  	[tilespmem:v57+s22+$0x0] =	vst.idx.msk $0xffff, v32  }
0x333: {  	v58 =	vor.u32 s2, v26;
	v32 =	vld.idx.msk [tilespmem:v33+s15+$0x0], $0xffff  }
0x334: {  	v34 =	vor.u32 v34, v37;
	_ =	sdelay $0x3  }
0x335: {  	[tilespmem:v58+s22+$0x0] =	vst.idx.msk $0xffff, v32  }
0x336: {  	v59 =	vor.u32 s2, v28;
	v32 =	vld.idx.msk [tilespmem:v34+s15+$0x0], $0xffff  }
0x337: {  	v60 =	vor.u32 v35, v37;
	_ =	sdelay $0x3  }
0x338: {  	[tilespmem:v59+s22+$0x0] =	vst.idx.msk $0xffff, v32  }
0x339: {  	v61 =	vor.u32 s2, v30;
	v32 =	vld.idx.msk [tilespmem:v60+s15+$0x0], $0xffff  }
0x33a: {  	v62 =	vor.u32 v36, v37;
	_ =	sdelay $0x3  }
0x33b: {  	[tilespmem:v61+s22+$0x0] =	vst.idx.msk $0xffff, v32  }
0x33c: {  	v63 =	vor.u32 s2, v40;
	v32 =	vld.idx.msk [tilespmem:v62+s15+$0x0], $0xffff;
	_ =	sdelay $0x2  }
0x33d: {  	s5 =	sshll.u32 s31, $0x10  }
0x33e: {  	s2 =	sor.u32 s6, s5  }
0x33f: {  	s30 =	sadd.s32 $0x1, s30;
	s10 =	sadd.s32 s0, s2;
	[tilespmem:v63+s22+$0x0] =	vst.idx.msk $0xffff, v32  }
0x340: {  	[hbm4b:s10+s1] =	stream.linear.scatter [tilespmem:s22], [sflag:$0x5], $0x1000, $0x38;
	[tilespmem:$0x16400] =	vst v63  }
0x341: {  	p0 =	sne.s32 s30, $0x19;
	s12 =	sadd.s32 s2, s7  }
0x342: {  	[hbm4b:s12+s1] =	stream.linear.scatter [tilespmem:s23], [sflag:$0x5], $0x1000, $0x38;
	[tilespmem:$0x16400] =	vst v63  }
.Ltmp2:
0x343: {  	_ = 	snop;
	(pc) =	sbr.rel @p0 .LBB2_2-.Ltmp2, $4  }
0x344: {  	s31 =	sadd.s32 s2, s8  }
0x345: {  	[hbm4b:s31+s1] =	stream.linear.scatter [tilespmem:s24], [sflag:$0x5], $0x1000, $0x38;
	[tilespmem:$0x16400] =	vst v63  }
0x346: {  	s2 =	sadd.s32 s2, s9  }
0x347: {  	[hbm4b:s2+s1] =	stream.linear.scatter [tilespmem:s25], [sflag:$0x5], $0x1000, $0x38;
	[tilespmem:$0x16400] =	vst v63  }
0x348: {  	_ =	swait.ge [sflag:s26], $0x4000  }
0x349: {  	[sflag:s26] =	ssyncset.done $0x0  }
0x34a: {  	[sflag:s26] =	ssyncadd.s32 $0xFFFFC000  }
0x34b: {  	_ =	swait.ge [sflag:s28], $0x4000  }
0x34c: {  	s29 =	sadd.s32 $0x1, s29;
	s2 =	rddreg [dreg:$0x4]  }
0x34d: {  	p0 =	sne.s32 s29, s2  }
.Ltmp3:
0x34e: {  	_ = 	snop;
	(pc) =	sbr.rel @p0 .LBB2_1-.Ltmp3, $3  }
0x34f: {  	_ =	sdelay $0x1  }
0x350: {  	[sflag:s28] =	ssyncset.done $0x0  }
0x351: {  	[sflag:s28] =	ssyncadd.s32 $0xFFFFC000  }
0x352: {  	_ =	sfence.sel $0x180000  }
0x353: {  	[bflag:$0x0] =	sbarrier.arrive $0xFFFF  }
0x354: {  	_ =	strace $0x90000047  }
0x355: {  	s0 =	stileid.u32;
	[bflag:$0x2] =	sbarrier.arrive $0xFFFF  }
0x356: {  	p0 =	sne.s32 s0, $0x0;
	s0 =	rddreg [dreg:$0x2]  }
0x357: {  	s0 =	sadd.s32 @!p0 $0x100000, s0  }
0x358: {  	[sflag:s0] =	ssyncadd.tile.s32 @!p0 $0x1;
	_ =	shalt  }
.Lfunc_end2:
_tile_overlayer_lowered:
.L_overlay_start_2:
0x359: {  	(tag) =	ssettag $0x2  }
0x35a: {  	s0 =	rddreg [dreg:$0x0];
	s2 =	stileid.u32  }
0x35b: {  	s1 =	rddreg [dreg:$0x1];
	p0 =	sne.s32 s2, $0x0  }
0x35c: {  	s3 =	rddreg [dreg:$0x2];
	[bflag:$0x3] =	sbarrier.arrive $0xFFFF;
	s2 =	simm.s32 @!p0 $0x1C06  }
0x35d: {  	[timem:s3], [sflag:s2] =	dma.local @!p0 [hbm:s0], s1  }
0x35e: {  	s0 =	simm.s32 @!p0 $0x6  }
0x35f: {  	_ =	swait.ge @!p0 [sflag:s0], s1  }
0x360: {  	s1 =	ssub.s32 @!p0 $0x0, s1;
	[sflag:s0] =	ssyncset.done @!p0 $0x0  }
0x361: {  	[sflag:s0] =	ssyncadd.s32 @!p0 s1  }
0x362: {  	[bflag:$0x3] =	sbarrier.arrive $0xFFFF  }
0x363: {  	_ =	shalt  }

</sc_bundles>
